<compile_context>
chip_gen: v7x
topology: tpu7x:2x2x1
jax: 0.10.2.dev20260603
libtpu: 0.0.44.dev20260713+nightly
codegen_flags: <defaults>
</compile_context>

<pallas_src>
import functools

import jax
import jax.numpy as jnp
from jax import lax
from jax.experimental import pallas as pl
from jax.experimental.pallas import tpu as pltpu
from jax.experimental.pallas import tpu_sc as plsc

NF = 16
LANE = 128


@functools.lru_cache(maxsize=None)
def _build(B, N, NC, NS):
    NW = NC * NS
    b_per_w = B // NW
    n_groups = b_per_w // 16
    n_tc = N // LANE
    tail0 = n_tc * LANE
    n_tail = N - tail0
    mesh = plsc.VectorSubcoreMesh(core_axis_name="c", subcore_axis_name="s")

    @functools.partial(
        pl.kernel,
        mesh=mesh,
        out_type=jax.ShapeDtypeStruct((B,), jnp.float32),
        compiler_params=pltpu.CompilerParams(needs_layout_passes=False),
        scratch_types=[
            pltpu.VMEM((1, b_per_w), jnp.int32),
            pltpu.VMEM((1, b_per_w), jnp.int32),
            pltpu.VMEM((16, NF, LANE), jnp.float32),
            pltpu.VMEM((16, NF, LANE), jnp.float32),
            pltpu.VMEM((NF, n_tail), jnp.float32),
            pltpu.VMEM((NF, n_tail), jnp.float32),
            pltpu.VMEM((32,), jnp.float32),
            pltpu.VMEM((b_per_w,), jnp.float32),
            pltpu.SemaphoreType.DMA,
        ],
    )
    def k(ut_hbm, it_hbm, u2_hbm, i2_hbm, ut_tail_hbm, it_tail_hbm, wb_hbm,
          dummy_hbm, out_hbm, uid_v, iid_v, uslab_v, islab_v, utail_v,
          itail_v, wb_v, out_v, sem_a):
        wid = lax.axis_index("s") * NC + lax.axis_index("c")
        base = wid * b_per_w
        pltpu.sync_copy(u2_hbm.at[wid], uid_v)
        pltpu.sync_copy(i2_hbm.at[wid], iid_v)
        pltpu.sync_copy(ut_tail_hbm, utail_v)
        pltpu.sync_copy(it_tail_hbm, itail_v)
        pltpu.sync_copy(wb_hbm, wb_v)

        wv = wb_v[pl.ds(0, 16)]
        bv = wb_v[pl.ds(16, 16)]
        w_s = [wv[f] for f in range(NF)]
        bias = bv[0]
        lane16 = jnp.arange(16, dtype=jnp.int32)

        def extract(uu, vv):
            uoff = uu % LANE
            ioff = vv % LANE
            umask = uu >= tail0
            imask = vv >= tail0
            uto = jnp.clip(uu - tail0, 0, n_tail - 1)
            ito = jnp.clip(vv - tail0, 0, n_tail - 1)
            acc = jnp.full((16,), 0.0, jnp.float32)
            for f in range(NF):
                fv = jnp.full((16,), f, jnp.int32)
                u_f = plsc.load_gather(uslab_v, [lane16, fv, uoff])
                u_f = jnp.where(umask, plsc.load_gather(utail_v, [fv, uto]), u_f)
                i_f = plsc.load_gather(islab_v, [lane16, fv, ioff])
                i_f = jnp.where(imask, plsc.load_gather(itail_v, [fv, ito]), i_f)
                acc = acc + u_f * i_f * w_s[f]
            return acc

        uslab2d = uslab_v.reshape(16 * NF, LANE)
        islab2d = islab_v.reshape(16 * NF, LANE)
        max_base = (n_tc - 1) * LANE

        def g_body(g, carry):
            o = g * 16
            uu = uid_v[0, pl.ds(o, 16)]
            vv = iid_v[0, pl.ds(o, 16)]
            ubase = jnp.minimum(uu & -LANE, max_base)
            ibase = jnp.minimum(vv & -LANE, max_base)
            for j in range(16):
                for h in (0, 8):
                    pltpu.async_copy(
                        ut_hbm.at[pl.ds(h, 8),
                                  pl.ds(pl.multiple_of(ubase[j], LANE), LANE)],
                        uslab_v.at[j, pl.ds(h, 8), :], sem_a)
                    pltpu.async_copy(
                        it_hbm.at[pl.ds(h, 8),
                                  pl.ds(pl.multiple_of(ibase[j], LANE), LANE)],
                        islab_v.at[j, pl.ds(h, 8), :], sem_a)
            pltpu.make_async_copy(dummy_hbm, uslab2d, sem_a).wait()
            pltpu.make_async_copy(dummy_hbm, islab2d, sem_a).wait()
            out_v[pl.ds(o, 16)] = extract(uu, vv) + bias
            return carry

        lax.fori_loop(0, n_groups, g_body, 0)
        pltpu.sync_copy(out_v, out_hbm.at[pl.ds(base, b_per_w)])

    return k


def kernel(U_ids, I_ids, user_table, item_table, W, b):
    B = U_ids.shape[0]
    N = user_table.shape[0]
    info = plsc.get_sparse_core_info()
    NC, NS = info.num_cores, info.num_subcores
    NW = NC * NS
    u2 = U_ids.astype(jnp.int32).reshape(NW, 1, B // NW)
    i2 = I_ids.astype(jnp.int32).reshape(NW, 1, B // NW)
    wb = jnp.zeros((32,), jnp.float32).at[:NF].set(W.reshape(-1)).at[NF].set(b[0])
    tail0 = (N // LANE) * LANE
    ut_tail = user_table[tail0:, :].T
    it_tail = item_table[tail0:, :].T
    dummy = jnp.zeros((16 * NF, LANE), jnp.float32)
    return _build(B, N, NC, NS)(
        user_table.T, item_table.T, u2, i2, ut_tail, it_tail, wb, dummy)

# --- scband reference (transcript-rebuilt; emitter-appended) ---
"""Pipeline reference for scband-gmf-55018531062559 (READ-ONLY COPY).

The authoritative reference and input builder live on the scoring server;
editing this copy changes nothing except your own understanding.
"""

import jax, jax.numpy as jnp
import numpy as np

N_USERS = 1000000
N_ITEMS = 1000000
N_FACTORS = 16
BATCH = 16384


def setup_inputs(seed: int = 0) -> dict:
    key = jax.random.key(seed)
    k1, k2, k3, k4, k5, k6 = jax.random.split(key, 6)
    U_ids = jax.random.randint(k1, (BATCH,), 0, N_USERS, dtype=jnp.int64) if jax.config.jax_enable_x64 else jax.random.randint(k1, (BATCH,), 0, N_USERS).astype(jnp.int32)
    I_ids = jax.random.randint(k2, (BATCH,), 0, N_ITEMS).astype(U_ids.dtype)
    user_table = jax.random.normal(k3, (N_USERS, N_FACTORS), dtype=jnp.float32) * 0.05
    item_table = jax.random.normal(k4, (N_ITEMS, N_FACTORS), dtype=jnp.float32) * 0.05
    W = jax.random.normal(k5, (N_FACTORS, 1), dtype=jnp.float32) * (1.0 / np.sqrt(N_FACTORS))
    b = jax.random.normal(k6, (1,), dtype=jnp.float32) * 0.01
    return {"U_ids": U_ids, "I_ids": I_ids, "user_table": user_table, "item_table": item_table, "W": W, "b": b}


def reference(U_ids, I_ids, user_table, item_table, W, b):
    # GMF.h: gather embeddings and elementwise multiply
    user_embeddings = jnp.take(user_table, U_ids, axis=0)   # [B, F]
    item_embeddings = jnp.take(item_table, I_ids, axis=0)   # [B, F]
    logits = user_embeddings * item_embeddings               # [B, F]
    # predict: Linear(F -> 1), then flatten
    R = (logits @ W + b).reshape(-1)                          # [B]
    return R

if __name__ == "__main__":
    import jax
    _d = setup_inputs()
    print(jax.jit(kernel)(*tuple(_d.values())))

</pallas_src>

<mosaic_0001>
#map = affine_map<(d0, d1) -> (0, 0)>
#map1 = affine_map<(d0, d1) -> (0, 0, 0)>
#map2 = affine_map<(d0, d1) -> (0)>
module attributes {stable_mosaic.version = 14 : i64} {
  func.func @k(%arg0: i32, %arg1: i32, %arg2: memref<16x1000000xf32, #tpu.memory_space<hbm>>, %arg3: memref<16x1000000xf32, #tpu.memory_space<hbm>>, %arg4: memref<32x1x512xi32, #tpu.memory_space<hbm>>, %arg5: memref<32x1x512xi32, #tpu.memory_space<hbm>>, %arg6: memref<16x64xf32, #tpu.memory_space<hbm>>, %arg7: memref<16x64xf32, #tpu.memory_space<hbm>>, %arg8: memref<32xf32, #tpu.memory_space<hbm>>, %arg9: memref<256x128xf32, #tpu.memory_space<hbm>>, %arg10: memref<16384xf32, #tpu.memory_space<hbm>>, %arg11: memref<1x512xi32, #tpu.memory_space<vmem>>, %arg12: memref<1x512xi32, #tpu.memory_space<vmem>>, %arg13: memref<16x16x128xf32, #tpu.memory_space<vmem>>, %arg14: memref<16x16x128xf32, #tpu.memory_space<vmem>>, %arg15: memref<16x64xf32, #tpu.memory_space<vmem>>, %arg16: memref<16x64xf32, #tpu.memory_space<vmem>>, %arg17: memref<32xf32, #tpu.memory_space<vmem>>, %arg18: memref<512xf32, #tpu.memory_space<vmem>>, %arg19: memref<!tpu.dma_semaphore, #tpu.memory_space<semaphore_mem>>) attributes {dimension_semantics = [#tpu.dimension_semantics<core_parallel>, #tpu.dimension_semantics<subcore_parallel>], iteration_bounds = array<i64: 2, 16>, scalar_prefetch = 0 : i64, scratch_operands = 9 : i64, tpu.core_type = #tpu.core_type<sc_vector_subcore>, window_params = [{transform_indices = #map}, {transform_indices = #map}, {transform_indices = #map1}, {transform_indices = #map1}, {transform_indices = #map}, {transform_indices = #map}, {transform_indices = #map2}, {transform_indices = #map}, {transform_indices = #map2}]} {
    %mul3A = arith.constant 2 : i32
    %mul3A_0 = arith.muli %arg1, %mul3A : i32
    %add3A = arith.addi %mul3A_0, %arg0 : i32
    %mul3A_1 = arith.constant 512 : i32
    %mul3A_2 = arith.muli %add3A, %mul3A_1 : i32
    "tpu.region"() ({
      %run_scoped3A = tpu.sem_alloc : memref<!tpu.dma_semaphore, #tpu.memory_space<semaphore_mem>>
      %dma_start3A = arith.constant 0 : i32
      %dma_start3A_43 = arith.constant 0 : i32
      %dma_start3A_44 = tpu.memref_slice %arg4[%add3A, %dma_start3A, %dma_start3A_43] : memref<32x1x512xi32, #tpu.memory_space<hbm>> -> memref<1x1x512xi32, #tpu.memory_space<hbm>>
      %dma_start3A_45 = tpu.memref_squeeze %dma_start3A_44 : memref<1x1x512xi32, #tpu.memory_space<hbm>> -> memref<1x512xi32, #tpu.memory_space<hbm>>
      %dma_start3A_46 = arith.constant 0 : i32
      %dma_start3A_47 = arith.constant 0 : i32
      %dma_start3A_48 = tpu.memref_slice %arg4[%add3A, %dma_start3A_46, %dma_start3A_47] : memref<32x1x512xi32, #tpu.memory_space<hbm>> -> memref<1x1x512xi32, #tpu.memory_space<hbm>>
      %dma_start3A_49 = tpu.memref_squeeze %dma_start3A_48 : memref<1x1x512xi32, #tpu.memory_space<hbm>> -> memref<1x512xi32, #tpu.memory_space<hbm>>
      tpu.enqueue_dma source(%dma_start3A_49 : memref<1x512xi32, #tpu.memory_space<hbm>>) target(%arg11 : memref<1x512xi32, #tpu.memory_space<vmem>>) target_semaphore(%run_scoped3A : memref<!tpu.dma_semaphore, #tpu.memory_space<semaphore_mem>>)
      %dma_wait3A = arith.constant 0 : i32
      %dma_wait3A_50 = arith.constant 0 : i32
      %dma_wait3A_51 = tpu.memref_slice %arg4[%add3A, %dma_wait3A, %dma_wait3A_50] : memref<32x1x512xi32, #tpu.memory_space<hbm>> -> memref<1x1x512xi32, #tpu.memory_space<hbm>>
      %dma_wait3A_52 = tpu.memref_squeeze %dma_wait3A_51 : memref<1x1x512xi32, #tpu.memory_space<hbm>> -> memref<1x512xi32, #tpu.memory_space<hbm>>
      %dma_wait3A_53 = arith.constant 0 : i32
      %dma_wait3A_54 = arith.constant 0 : i32
      %dma_wait3A_55 = tpu.memref_slice %arg4[%add3A, %dma_wait3A_53, %dma_wait3A_54] : memref<32x1x512xi32, #tpu.memory_space<hbm>> -> memref<1x1x512xi32, #tpu.memory_space<hbm>>
      %dma_wait3A_56 = tpu.memref_squeeze %dma_wait3A_55 : memref<1x1x512xi32, #tpu.memory_space<hbm>> -> memref<1x512xi32, #tpu.memory_space<hbm>>
      tpu.wait_dma2 semaphore(%run_scoped3A : memref<!tpu.dma_semaphore, #tpu.memory_space<semaphore_mem>>) src(%dma_wait3A_56 : memref<1x512xi32, #tpu.memory_space<hbm>>) dst(%arg11 : memref<1x512xi32, #tpu.memory_space<vmem>>)
      tpu.yield
    }) : () -> ()
    "tpu.region"() ({
      %run_scoped3A = tpu.sem_alloc : memref<!tpu.dma_semaphore, #tpu.memory_space<semaphore_mem>>
      %dma_start3A = arith.constant 0 : i32
      %dma_start3A_43 = arith.constant 0 : i32
      %dma_start3A_44 = tpu.memref_slice %arg5[%add3A, %dma_start3A, %dma_start3A_43] : memref<32x1x512xi32, #tpu.memory_space<hbm>> -> memref<1x1x512xi32, #tpu.memory_space<hbm>>
      %dma_start3A_45 = tpu.memref_squeeze %dma_start3A_44 : memref<1x1x512xi32, #tpu.memory_space<hbm>> -> memref<1x512xi32, #tpu.memory_space<hbm>>
      %dma_start3A_46 = arith.constant 0 : i32
      %dma_start3A_47 = arith.constant 0 : i32
      %dma_start3A_48 = tpu.memref_slice %arg5[%add3A, %dma_start3A_46, %dma_start3A_47] : memref<32x1x512xi32, #tpu.memory_space<hbm>> -> memref<1x1x512xi32, #tpu.memory_space<hbm>>
      %dma_start3A_49 = tpu.memref_squeeze %dma_start3A_48 : memref<1x1x512xi32, #tpu.memory_space<hbm>> -> memref<1x512xi32, #tpu.memory_space<hbm>>
      tpu.enqueue_dma source(%dma_start3A_49 : memref<1x512xi32, #tpu.memory_space<hbm>>) target(%arg12 : memref<1x512xi32, #tpu.memory_space<vmem>>) target_semaphore(%run_scoped3A : memref<!tpu.dma_semaphore, #tpu.memory_space<semaphore_mem>>)
      %dma_wait3A = arith.constant 0 : i32
      %dma_wait3A_50 = arith.constant 0 : i32
      %dma_wait3A_51 = tpu.memref_slice %arg5[%add3A, %dma_wait3A, %dma_wait3A_50] : memref<32x1x512xi32, #tpu.memory_space<hbm>> -> memref<1x1x512xi32, #tpu.memory_space<hbm>>
      %dma_wait3A_52 = tpu.memref_squeeze %dma_wait3A_51 : memref<1x1x512xi32, #tpu.memory_space<hbm>> -> memref<1x512xi32, #tpu.memory_space<hbm>>
      %dma_wait3A_53 = arith.constant 0 : i32
      %dma_wait3A_54 = arith.constant 0 : i32
      %dma_wait3A_55 = tpu.memref_slice %arg5[%add3A, %dma_wait3A_53, %dma_wait3A_54] : memref<32x1x512xi32, #tpu.memory_space<hbm>> -> memref<1x1x512xi32, #tpu.memory_space<hbm>>
      %dma_wait3A_56 = tpu.memref_squeeze %dma_wait3A_55 : memref<1x1x512xi32, #tpu.memory_space<hbm>> -> memref<1x512xi32, #tpu.memory_space<hbm>>
      tpu.wait_dma2 semaphore(%run_scoped3A : memref<!tpu.dma_semaphore, #tpu.memory_space<semaphore_mem>>) src(%dma_wait3A_56 : memref<1x512xi32, #tpu.memory_space<hbm>>) dst(%arg12 : memref<1x512xi32, #tpu.memory_space<vmem>>)
      tpu.yield
    }) : () -> ()
    "tpu.region"() ({
      %run_scoped3A = tpu.sem_alloc : memref<!tpu.dma_semaphore, #tpu.memory_space<semaphore_mem>>
      tpu.enqueue_dma source(%arg6 : memref<16x64xf32, #tpu.memory_space<hbm>>) target(%arg15 : memref<16x64xf32, #tpu.memory_space<vmem>>) target_semaphore(%run_scoped3A : memref<!tpu.dma_semaphore, #tpu.memory_space<semaphore_mem>>)
      tpu.wait_dma2 semaphore(%run_scoped3A : memref<!tpu.dma_semaphore, #tpu.memory_space<semaphore_mem>>) src(%arg6 : memref<16x64xf32, #tpu.memory_space<hbm>>) dst(%arg15 : memref<16x64xf32, #tpu.memory_space<vmem>>)
      tpu.yield
    }) : () -> ()
    "tpu.region"() ({
      %run_scoped3A = tpu.sem_alloc : memref<!tpu.dma_semaphore, #tpu.memory_space<semaphore_mem>>
      tpu.enqueue_dma source(%arg7 : memref<16x64xf32, #tpu.memory_space<hbm>>) target(%arg16 : memref<16x64xf32, #tpu.memory_space<vmem>>) target_semaphore(%run_scoped3A : memref<!tpu.dma_semaphore, #tpu.memory_space<semaphore_mem>>)
      tpu.wait_dma2 semaphore(%run_scoped3A : memref<!tpu.dma_semaphore, #tpu.memory_space<semaphore_mem>>) src(%arg7 : memref<16x64xf32, #tpu.memory_space<hbm>>) dst(%arg16 : memref<16x64xf32, #tpu.memory_space<vmem>>)
      tpu.yield
    }) : () -> ()
    "tpu.region"() ({
      %run_scoped3A = tpu.sem_alloc : memref<!tpu.dma_semaphore, #tpu.memory_space<semaphore_mem>>
      tpu.enqueue_dma source(%arg8 : memref<32xf32, #tpu.memory_space<hbm>>) target(%arg17 : memref<32xf32, #tpu.memory_space<vmem>>) target_semaphore(%run_scoped3A : memref<!tpu.dma_semaphore, #tpu.memory_space<semaphore_mem>>)
      tpu.wait_dma2 semaphore(%run_scoped3A : memref<!tpu.dma_semaphore, #tpu.memory_space<semaphore_mem>>) src(%arg8 : memref<32xf32, #tpu.memory_space<hbm>>) dst(%arg17 : memref<32xf32, #tpu.memory_space<vmem>>)
      tpu.yield
    }) : () -> ()
    %get3A = arith.constant 0 : index
    %get3A_3 = tpu.vector_load %arg17[%get3A] {strides = array<i32>} : memref<32xf32, #tpu.memory_space<vmem>>, vector<16xf32>,
    %get3A_4 = arith.constant 16 : index
    %get3A_5 = tpu.vector_load %arg17[%get3A_4] {strides = array<i32>} : memref<32xf32, #tpu.memory_space<vmem>>, vector<16xf32>,
    %slice3A = vector.extract_strided_slice %get3A_3 {offsets = [0], sizes = [1], strides = [1]} : vector<16xf32> to vector<1xf32>
    %squeeze3A = vector.extract %slice3A[0] : f32 from vector<1xf32>
    %slice3A_6 = vector.extract_strided_slice %get3A_3 {offsets = [1], sizes = [1], strides = [1]} : vector<16xf32> to vector<1xf32>
    %squeeze3A_7 = vector.extract %slice3A_6[0] : f32 from vector<1xf32>
    %slice3A_8 = vector.extract_strided_slice %get3A_3 {offsets = [2], sizes = [1], strides = [1]} : vector<16xf32> to vector<1xf32>
    %squeeze3A_9 = vector.extract %slice3A_8[0] : f32 from vector<1xf32>
    %slice3A_10 = vector.extract_strided_slice %get3A_3 {offsets = [3], sizes = [1], strides = [1]} : vector<16xf32> to vector<1xf32>
    %squeeze3A_11 = vector.extract %slice3A_10[0] : f32 from vector<1xf32>
    %slice3A_12 = vector.extract_strided_slice %get3A_3 {offsets = [4], sizes = [1], strides = [1]} : vector<16xf32> to vector<1xf32>
    %squeeze3A_13 = vector.extract %slice3A_12[0] : f32 from vector<1xf32>
    %slice3A_14 = vector.extract_strided_slice %get3A_3 {offsets = [5], sizes = [1], strides = [1]} : vector<16xf32> to vector<1xf32>
    %squeeze3A_15 = vector.extract %slice3A_14[0] : f32 from vector<1xf32>
    %slice3A_16 = vector.extract_strided_slice %get3A_3 {offsets = [6], sizes = [1], strides = [1]} : vector<16xf32> to vector<1xf32>
    %squeeze3A_17 = vector.extract %slice3A_16[0] : f32 from vector<1xf32>
    %slice3A_18 = vector.extract_strided_slice %get3A_3 {offsets = [7], sizes = [1], strides = [1]} : vector<16xf32> to vector<1xf32>
    %squeeze3A_19 = vector.extract %slice3A_18[0] : f32 from vector<1xf32>
    %slice3A_20 = vector.extract_strided_slice %get3A_3 {offsets = [8], sizes = [1], strides = [1]} : vector<16xf32> to vector<1xf32>
    %squeeze3A_21 = vector.extract %slice3A_20[0] : f32 from vector<1xf32>
    %slice3A_22 = vector.extract_strided_slice %get3A_3 {offsets = [9], sizes = [1], strides = [1]} : vector<16xf32> to vector<1xf32>
    %squeeze3A_23 = vector.extract %slice3A_22[0] : f32 from vector<1xf32>
    %slice3A_24 = vector.extract_strided_slice %get3A_3 {offsets = [10], sizes = [1], strides = [1]} : vector<16xf32> to vector<1xf32>
    %squeeze3A_25 = vector.extract %slice3A_24[0] : f32 from vector<1xf32>
    %slice3A_26 = vector.extract_strided_slice %get3A_3 {offsets = [11], sizes = [1], strides = [1]} : vector<16xf32> to vector<1xf32>
    %squeeze3A_27 = vector.extract %slice3A_26[0] : f32 from vector<1xf32>
    %slice3A_28 = vector.extract_strided_slice %get3A_3 {offsets = [12], sizes = [1], strides = [1]} : vector<16xf32> to vector<1xf32>
    %squeeze3A_29 = vector.extract %slice3A_28[0] : f32 from vector<1xf32>
    %slice3A_30 = vector.extract_strided_slice %get3A_3 {offsets = [13], sizes = [1], strides = [1]} : vector<16xf32> to vector<1xf32>
    %squeeze3A_31 = vector.extract %slice3A_30[0] : f32 from vector<1xf32>
    %slice3A_32 = vector.extract_strided_slice %get3A_3 {offsets = [14], sizes = [1], strides = [1]} : vector<16xf32> to vector<1xf32>
    %squeeze3A_33 = vector.extract %slice3A_32[0] : f32 from vector<1xf32>
    %slice3A_34 = vector.extract_strided_slice %get3A_3 {offsets = [15], sizes = [1], strides = [1]} : vector<16xf32> to vector<1xf32>
    %squeeze3A_35 = vector.extract %slice3A_34[0] : f32 from vector<1xf32>
    %slice3A_36 = vector.extract_strided_slice %get3A_5 {offsets = [0], sizes = [1], strides = [1]} : vector<16xf32> to vector<1xf32>
    %squeeze3A_37 = vector.extract %slice3A_36[0] : f32 from vector<1xf32>
    %iota3A = tpu.iota {dimensions = array<i32: 0>} : vector<16xi32>
    %scan3A = arith.constant 0 : i32
    %scan3A_38 = arith.constant 0 : i32
    %scan3A_39 = arith.constant 32 : i32
    %scan3A_40 = arith.addi %scan3A_38, %scan3A_39 : i32
    %scan3A_41 = arith.constant 1 : i32
    scf.for %scan3A_43 = %scan3A_38 to %scan3A_40 step %scan3A_41  : i32 {
      %mul3A_44 = arith.constant 16 : i32
      %mul3A_45 = arith.muli %scan3A_43, %mul3A_44 : i32
      %get3A_46 = arith.constant 0 : i32
      %get3A_47 = arith.index_cast %get3A_46 : i32 to index
      %get3A_48 = arith.index_cast %mul3A_45 : i32 to index
      %get3A_49 = tpu.vector_load %arg11[%get3A_47, %get3A_48] {strides = array<i32>} : memref<1x512xi32, #tpu.memory_space<vmem>>, vector<16xi32>,
      %get3A_50 = arith.constant 0 : i32
      %get3A_51 = arith.index_cast %get3A_50 : i32 to index
      %get3A_52 = arith.index_cast %mul3A_45 : i32 to index
      %get3A_53 = tpu.vector_load %arg12[%get3A_51, %get3A_52] {strides = array<i32>} : memref<1x512xi32, #tpu.memory_space<vmem>>, vector<16xi32>,
      %and3A = arith.constant -128 : i32
      %and3A_54 = vector.broadcast %and3A : i32 to vector<16xi32>
      %and3A_55 = arith.andi %get3A_49, %and3A_54 : vector<16xi32>
      %min3A = arith.constant 999808 : i32
      %min3A_56 = vector.broadcast %min3A : i32 to vector<16xi32>
      %min3A_57 = arith.minsi %and3A_55, %min3A_56 : vector<16xi32>
      %and3A_58 = arith.constant -128 : i32
      %and3A_59 = vector.broadcast %and3A_58 : i32 to vector<16xi32>
      %and3A_60 = arith.andi %get3A_53, %and3A_59 : vector<16xi32>
      %min3A_61 = arith.constant 999808 : i32
      %min3A_62 = vector.broadcast %min3A_61 : i32 to vector<16xi32>
      %min3A_63 = arith.minsi %and3A_60, %min3A_62 : vector<16xi32>
      %slice3A_64 = vector.extract_strided_slice %min3A_57 {offsets = [0], sizes = [1], strides = [1]} : vector<16xi32> to vector<1xi32>
      %squeeze3A_65 = vector.extract %slice3A_64[0] : i32 from vector<1xi32>
      %multiple_of3A = tpu.assume_multiple %squeeze3A_65, 128 : i32
      %dma_start3A = arith.constant 0 : i32
      %dma_start3A_66 = arith.constant 0 : i32
      %dma_start3A_67 = arith.constant 0 : i32
      %dma_start3A_68 = tpu.memref_slice %arg13[%dma_start3A, %dma_start3A_66, %dma_start3A_67] : memref<16x16x128xf32, #tpu.memory_space<vmem>> -> memref<1x8x128xf32, #tpu.memory_space<vmem>>
      %dma_start3A_69 = tpu.memref_squeeze %dma_start3A_68 : memref<1x8x128xf32, #tpu.memory_space<vmem>> -> memref<8x128xf32, #tpu.memory_space<vmem>>
      %dma_start3A_70 = arith.constant 0 : i32
      %dma_start3A_71 = tpu.memref_slice %arg2[%dma_start3A_70, %multiple_of3A] : memref<16x1000000xf32, #tpu.memory_space<hbm>> -> memref<8x128xf32, #tpu.memory_space<hbm>>
      %dma_start3A_72 = arith.constant 0 : i32
      %dma_start3A_73 = arith.constant 0 : i32
      %dma_start3A_74 = tpu.memref_slice %arg13[%dma_start3A, %dma_start3A_72, %dma_start3A_73] : memref<16x16x128xf32, #tpu.memory_space<vmem>> -> memref<1x8x128xf32, #tpu.memory_space<vmem>>
      %dma_start3A_75 = tpu.memref_squeeze %dma_start3A_74 : memref<1x8x128xf32, #tpu.memory_space<vmem>> -> memref<8x128xf32, #tpu.memory_space<vmem>>
      %dma_start3A_76 = arith.constant 0 : i32
      %dma_start3A_77 = tpu.memref_slice %arg2[%dma_start3A_76, %multiple_of3A] : memref<16x1000000xf32, #tpu.memory_space<hbm>> -> memref<8x128xf32, #tpu.memory_space<hbm>>
      tpu.enqueue_dma source(%dma_start3A_77 : memref<8x128xf32, #tpu.memory_space<hbm>>) target(%dma_start3A_75 : memref<8x128xf32, #tpu.memory_space<vmem>>) target_semaphore(%arg19 : memref<!tpu.dma_semaphore, #tpu.memory_space<semaphore_mem>>)
      %slice3A_78 = vector.extract_strided_slice %min3A_63 {offsets = [0], sizes = [1], strides = [1]} : vector<16xi32> to vector<1xi32>
      %squeeze3A_79 = vector.extract %slice3A_78[0] : i32 from vector<1xi32>
      %multiple_of3A_80 = tpu.assume_multiple %squeeze3A_79, 128 : i32
      %dma_start3A_81 = arith.constant 0 : i32
      %dma_start3A_82 = arith.constant 0 : i32
      %dma_start3A_83 = arith.constant 0 : i32
      %dma_start3A_84 = tpu.memref_slice %arg14[%dma_start3A_81, %dma_start3A_82, %dma_start3A_83] : memref<16x16x128xf32, #tpu.memory_space<vmem>> -> memref<1x8x128xf32, #tpu.memory_space<vmem>>
      %dma_start3A_85 = tpu.memref_squeeze %dma_start3A_84 : memref<1x8x128xf32, #tpu.memory_space<vmem>> -> memref<8x128xf32, #tpu.memory_space<vmem>>
      %dma_start3A_86 = arith.constant 0 : i32
      %dma_start3A_87 = tpu.memref_slice %arg3[%dma_start3A_86, %multiple_of3A_80] : memref<16x1000000xf32, #tpu.memory_space<hbm>> -> memref<8x128xf32, #tpu.memory_space<hbm>>
      %dma_start3A_88 = arith.constant 0 : i32
      %dma_start3A_89 = arith.constant 0 : i32
      %dma_start3A_90 = tpu.memref_slice %arg14[%dma_start3A_81, %dma_start3A_88, %dma_start3A_89] : memref<16x16x128xf32, #tpu.memory_space<vmem>> -> memref<1x8x128xf32, #tpu.memory_space<vmem>>
      %dma_start3A_91 = tpu.memref_squeeze %dma_start3A_90 : memref<1x8x128xf32, #tpu.memory_space<vmem>> -> memref<8x128xf32, #tpu.memory_space<vmem>>
      %dma_start3A_92 = arith.constant 0 : i32
      %dma_start3A_93 = tpu.memref_slice %arg3[%dma_start3A_92, %multiple_of3A_80] : memref<16x1000000xf32, #tpu.memory_space<hbm>> -> memref<8x128xf32, #tpu.memory_space<hbm>>
      tpu.enqueue_dma source(%dma_start3A_93 : memref<8x128xf32, #tpu.memory_space<hbm>>) target(%dma_start3A_91 : memref<8x128xf32, #tpu.memory_space<vmem>>) target_semaphore(%arg19 : memref<!tpu.dma_semaphore, #tpu.memory_space<semaphore_mem>>)
      %slice3A_94 = vector.extract_strided_slice %min3A_57 {offsets = [0], sizes = [1], strides = [1]} : vector<16xi32> to vector<1xi32>
      %squeeze3A_95 = vector.extract %slice3A_94[0] : i32 from vector<1xi32>
      %multiple_of3A_96 = tpu.assume_multiple %squeeze3A_95, 128 : i32
      %dma_start3A_97 = arith.constant 0 : i32
      %dma_start3A_98 = arith.constant 8 : i32
      %dma_start3A_99 = arith.constant 0 : i32
      %dma_start3A_100 = tpu.memref_slice %arg13[%dma_start3A_97, %dma_start3A_98, %dma_start3A_99] : memref<16x16x128xf32, #tpu.memory_space<vmem>> -> memref<1x8x128xf32, #tpu.memory_space<vmem>>
      %dma_start3A_101 = tpu.memref_squeeze %dma_start3A_100 : memref<1x8x128xf32, #tpu.memory_space<vmem>> -> memref<8x128xf32, #tpu.memory_space<vmem>>
      %dma_start3A_102 = arith.constant 8 : i32
      %dma_start3A_103 = tpu.memref_slice %arg2[%dma_start3A_102, %multiple_of3A_96] : memref<16x1000000xf32, #tpu.memory_space<hbm>> -> memref<8x128xf32, #tpu.memory_space<hbm>>
      %dma_start3A_104 = arith.constant 8 : i32
      %dma_start3A_105 = arith.constant 0 : i32
      %dma_start3A_106 = tpu.memref_slice %arg13[%dma_start3A_97, %dma_start3A_104, %dma_start3A_105] : memref<16x16x128xf32, #tpu.memory_space<vmem>> -> memref<1x8x128xf32, #tpu.memory_space<vmem>>
      %dma_start3A_107 = tpu.memref_squeeze %dma_start3A_106 : memref<1x8x128xf32, #tpu.memory_space<vmem>> -> memref<8x128xf32, #tpu.memory_space<vmem>>
      %dma_start3A_108 = arith.constant 8 : i32
      %dma_start3A_109 = tpu.memref_slice %arg2[%dma_start3A_108, %multiple_of3A_96] : memref<16x1000000xf32, #tpu.memory_space<hbm>> -> memref<8x128xf32, #tpu.memory_space<hbm>>
      tpu.enqueue_dma source(%dma_start3A_109 : memref<8x128xf32, #tpu.memory_space<hbm>>) target(%dma_start3A_107 : memref<8x128xf32, #tpu.memory_space<vmem>>) target_semaphore(%arg19 : memref<!tpu.dma_semaphore, #tpu.memory_space<semaphore_mem>>)
      %slice3A_110 = vector.extract_strided_slice %min3A_63 {offsets = [0], sizes = [1], strides = [1]} : vector<16xi32> to vector<1xi32>
      %squeeze3A_111 = vector.extract %slice3A_110[0] : i32 from vector<1xi32>
      %multiple_of3A_112 = tpu.assume_multiple %squeeze3A_111, 128 : i32
      %dma_start3A_113 = arith.constant 0 : i32
      %dma_start3A_114 = arith.constant 8 : i32
      %dma_start3A_115 = arith.constant 0 : i32
      %dma_start3A_116 = tpu.memref_slice %arg14[%dma_start3A_113, %dma_start3A_114, %dma_start3A_115] : memref<16x16x128xf32, #tpu.memory_space<vmem>> -> memref<1x8x128xf32, #tpu.memory_space<vmem>>
      %dma_start3A_117 = tpu.memref_squeeze %dma_start3A_116 : memref<1x8x128xf32, #tpu.memory_space<vmem>> -> memref<8x128xf32, #tpu.memory_space<vmem>>
      %dma_start3A_118 = arith.constant 8 : i32
      %dma_start3A_119 = tpu.memref_slice %arg3[%dma_start3A_118, %multiple_of3A_112] : memref<16x1000000xf32, #tpu.memory_space<hbm>> -> memref<8x128xf32, #tpu.memory_space<hbm>>
      %dma_start3A_120 = arith.constant 8 : i32
      %dma_start3A_121 = arith.constant 0 : i32
      %dma_start3A_122 = tpu.memref_slice %arg14[%dma_start3A_113, %dma_start3A_120, %dma_start3A_121] : memref<16x16x128xf32, #tpu.memory_space<vmem>> -> memref<1x8x128xf32, #tpu.memory_space<vmem>>
      %dma_start3A_123 = tpu.memref_squeeze %dma_start3A_122 : memref<1x8x128xf32, #tpu.memory_space<vmem>> -> memref<8x128xf32, #tpu.memory_space<vmem>>
      %dma_start3A_124 = arith.constant 8 : i32
      %dma_start3A_125 = tpu.memref_slice %arg3[%dma_start3A_124, %multiple_of3A_112] : memref<16x1000000xf32, #tpu.memory_space<hbm>> -> memref<8x128xf32, #tpu.memory_space<hbm>>
      tpu.enqueue_dma source(%dma_start3A_125 : memref<8x128xf32, #tpu.memory_space<hbm>>) target(%dma_start3A_123 : memref<8x128xf32, #tpu.memory_space<vmem>>) target_semaphore(%arg19 : memref<!tpu.dma_semaphore, #tpu.memory_space<semaphore_mem>>)
      %slice3A_126 = vector.extract_strided_slice %min3A_57 {offsets = [1], sizes = [1], strides = [1]} : vector<16xi32> to vector<1xi32>
      %squeeze3A_127 = vector.extract %slice3A_126[0] : i32 from vector<1xi32>
      %multiple_of3A_128 = tpu.assume_multiple %squeeze3A_127, 128 : i32
      %dma_start3A_129 = arith.constant 1 : i32
      %dma_start3A_130 = arith.constant 0 : i32
      %dma_start3A_131 = arith.constant 0 : i32
      %dma_start3A_132 = tpu.memref_slice %arg13[%dma_start3A_129, %dma_start3A_130, %dma_start3A_131] : memref<16x16x128xf32, #tpu.memory_space<vmem>> -> memref<1x8x128xf32, #tpu.memory_space<vmem>>
      %dma_start3A_133 = tpu.memref_squeeze %dma_start3A_132 : memref<1x8x128xf32, #tpu.memory_space<vmem>> -> memref<8x128xf32, #tpu.memory_space<vmem>>
      %dma_start3A_134 = arith.constant 0 : i32
      %dma_start3A_135 = tpu.memref_slice %arg2[%dma_start3A_134, %multiple_of3A_128] : memref<16x1000000xf32, #tpu.memory_space<hbm>> -> memref<8x128xf32, #tpu.memory_space<hbm>>
      %dma_start3A_136 = arith.constant 0 : i32
      %dma_start3A_137 = arith.constant 0 : i32
      %dma_start3A_138 = tpu.memref_slice %arg13[%dma_start3A_129, %dma_start3A_136, %dma_start3A_137] : memref<16x16x128xf32, #tpu.memory_space<vmem>> -> memref<1x8x128xf32, #tpu.memory_space<vmem>>
      %dma_start3A_139 = tpu.memref_squeeze %dma_start3A_138 : memref<1x8x128xf32, #tpu.memory_space<vmem>> -> memref<8x128xf32, #tpu.memory_space<vmem>>
      %dma_start3A_140 = arith.constant 0 : i32
      %dma_start3A_141 = tpu.memref_slice %arg2[%dma_start3A_140, %multiple_of3A_128] : memref<16x1000000xf32, #tpu.memory_space<hbm>> -> memref<8x128xf32, #tpu.memory_space<hbm>>
      tpu.enqueue_dma source(%dma_start3A_141 : memref<8x128xf32, #tpu.memory_space<hbm>>) target(%dma_start3A_139 : memref<8x128xf32, #tpu.memory_space<vmem>>) target_semaphore(%arg19 : memref<!tpu.dma_semaphore, #tpu.memory_space<semaphore_mem>>)
      %slice3A_142 = vector.extract_strided_slice %min3A_63 {offsets = [1], sizes = [1], strides = [1]} : vector<16xi32> to vector<1xi32>
      %squeeze3A_143 = vector.extract %slice3A_142[0] : i32 from vector<1xi32>
      %multiple_of3A_144 = tpu.assume_multiple %squeeze3A_143, 128 : i32
      %dma_start3A_145 = arith.constant 1 : i32
      %dma_start3A_146 = arith.constant 0 : i32
      %dma_start3A_147 = arith.constant 0 : i32
      %dma_start3A_148 = tpu.memref_slice %arg14[%dma_start3A_145, %dma_start3A_146, %dma_start3A_147] : memref<16x16x128xf32, #tpu.memory_space<vmem>> -> memref<1x8x128xf32, #tpu.memory_space<vmem>>
      %dma_start3A_149 = tpu.memref_squeeze %dma_start3A_148 : memref<1x8x128xf32, #tpu.memory_space<vmem>> -> memref<8x128xf32, #tpu.memory_space<vmem>>
      %dma_start3A_150 = arith.constant 0 : i32
      %dma_start3A_151 = tpu.memref_slice %arg3[%dma_start3A_150, %multiple_of3A_144] : memref<16x1000000xf32, #tpu.memory_space<hbm>> -> memref<8x128xf32, #tpu.memory_space<hbm>>
      %dma_start3A_152 = arith.constant 0 : i32
      %dma_start3A_153 = arith.constant 0 : i32
      %dma_start3A_154 = tpu.memref_slice %arg14[%dma_start3A_145, %dma_start3A_152, %dma_start3A_153] : memref<16x16x128xf32, #tpu.memory_space<vmem>> -> memref<1x8x128xf32, #tpu.memory_space<vmem>>
      %dma_start3A_155 = tpu.memref_squeeze %dma_start3A_154 : memref<1x8x128xf32, #tpu.memory_space<vmem>> -> memref<8x128xf32, #tpu.memory_space<vmem>>
      %dma_start3A_156 = arith.constant 0 : i32
      %dma_start3A_157 = tpu.memref_slice %arg3[%dma_start3A_156, %multiple_of3A_144] : memref<16x1000000xf32, #tpu.memory_space<hbm>> -> memref<8x128xf32, #tpu.memory_space<hbm>>
      tpu.enqueue_dma source(%dma_start3A_157 : memref<8x128xf32, #tpu.memory_space<hbm>>) target(%dma_start3A_155 : memref<8x128xf32, #tpu.memory_space<vmem>>) target_semaphore(%arg19 : memref<!tpu.dma_semaphore, #tpu.memory_space<semaphore_mem>>)
      %slice3A_158 = vector.extract_strided_slice %min3A_57 {offsets = [1], sizes = [1], strides = [1]} : vector<16xi32> to vector<1xi32>
      %squeeze3A_159 = vector.extract %slice3A_158[0] : i32 from vector<1xi32>
      %multiple_of3A_160 = tpu.assume_multiple %squeeze3A_159, 128 : i32
      %dma_start3A_161 = arith.constant 1 : i32
      %dma_start3A_162 = arith.constant 8 : i32
      %dma_start3A_163 = arith.constant 0 : i32
      %dma_start3A_164 = tpu.memref_slice %arg13[%dma_start3A_161, %dma_start3A_162, %dma_start3A_163] : memref<16x16x128xf32, #tpu.memory_space<vmem>> -> memref<1x8x128xf32, #tpu.memory_space<vmem>>
      %dma_start3A_165 = tpu.memref_squeeze %dma_start3A_164 : memref<1x8x128xf32, #tpu.memory_space<vmem>> -> memref<8x128xf32, #tpu.memory_space<vmem>>
      %dma_start3A_166 = arith.constant 8 : i32
      %dma_start3A_167 = tpu.memref_slice %arg2[%dma_start3A_166, %multiple_of3A_160] : memref<16x1000000xf32, #tpu.memory_space<hbm>> -> memref<8x128xf32, #tpu.memory_space<hbm>>
      %dma_start3A_168 = arith.constant 8 : i32
      %dma_start3A_169 = arith.constant 0 : i32
      %dma_start3A_170 = tpu.memref_slice %arg13[%dma_start3A_161, %dma_start3A_168, %dma_start3A_169] : memref<16x16x128xf32, #tpu.memory_space<vmem>> -> memref<1x8x128xf32, #tpu.memory_space<vmem>>
      %dma_start3A_171 = tpu.memref_squeeze %dma_start3A_170 : memref<1x8x128xf32, #tpu.memory_space<vmem>> -> memref<8x128xf32, #tpu.memory_space<vmem>>
      %dma_start3A_172 = arith.constant 8 : i32
      %dma_start3A_173 = tpu.memref_slice %arg2[%dma_start3A_172, %multiple_of3A_160] : memref<16x1000000xf32, #tpu.memory_space<hbm>> -> memref<8x128xf32, #tpu.memory_space<hbm>>
      tpu.enqueue_dma source(%dma_start3A_173 : memref<8x128xf32, #tpu.memory_space<hbm>>) target(%dma_start3A_171 : memref<8x128xf32, #tpu.memory_space<vmem>>) target_semaphore(%arg19 : memref<!tpu.dma_semaphore, #tpu.memory_space<semaphore_mem>>)
      %slice3A_174 = vector.extract_strided_slice %min3A_63 {offsets = [1], sizes = [1], strides = [1]} : vector<16xi32> to vector<1xi32>
      %squeeze3A_175 = vector.extract %slice3A_174[0] : i32 from vector<1xi32>
      %multiple_of3A_176 = tpu.assume_multiple %squeeze3A_175, 128 : i32
      %dma_start3A_177 = arith.constant 1 : i32
      %dma_start3A_178 = arith.constant 8 : i32
      %dma_start3A_179 = arith.constant 0 : i32
      %dma_start3A_180 = tpu.memref_slice %arg14[%dma_start3A_177, %dma_start3A_178, %dma_start3A_179] : memref<16x16x128xf32, #tpu.memory_space<vmem>> -> memref<1x8x128xf32, #tpu.memory_space<vmem>>
      %dma_start3A_181 = tpu.memref_squeeze %dma_start3A_180 : memref<1x8x128xf32, #tpu.memory_space<vmem>> -> memref<8x128xf32, #tpu.memory_space<vmem>>
      %dma_start3A_182 = arith.constant 8 : i32
      %dma_start3A_183 = tpu.memref_slice %arg3[%dma_start3A_182, %multiple_of3A_176] : memref<16x1000000xf32, #tpu.memory_space<hbm>> -> memref<8x128xf32, #tpu.memory_space<hbm>>
      %dma_start3A_184 = arith.constant 8 : i32
      %dma_start3A_185 = arith.constant 0 : i32
      %dma_start3A_186 = tpu.memref_slice %arg14[%dma_start3A_177, %dma_start3A_184, %dma_start3A_185] : memref<16x16x128xf32, #tpu.memory_space<vmem>> -> memref<1x8x128xf32, #tpu.memory_space<vmem>>
      %dma_start3A_187 = tpu.memref_squeeze %dma_start3A_186 : memref<1x8x128xf32, #tpu.memory_space<vmem>> -> memref<8x128xf32, #tpu.memory_space<vmem>>
      %dma_start3A_188 = arith.constant 8 : i32
      %dma_start3A_189 = tpu.memref_slice %arg3[%dma_start3A_188, %multiple_of3A_176] : memref<16x1000000xf32, #tpu.memory_space<hbm>> -> memref<8x128xf32, #tpu.memory_space<hbm>>
      tpu.enqueue_dma source(%dma_start3A_189 : memref<8x128xf32, #tpu.memory_space<hbm>>) target(%dma_start3A_187 : memref<8x128xf32, #tpu.memory_space<vmem>>) target_semaphore(%arg19 : memref<!tpu.dma_semaphore, #tpu.memory_space<semaphore_mem>>)
      %slice3A_190 = vector.extract_strided_slice %min3A_57 {offsets = [2], sizes = [1], strides = [1]} : vector<16xi32> to vector<1xi32>
      %squeeze3A_191 = vector.extract %slice3A_190[0] : i32 from vector<1xi32>
      %multiple_of3A_192 = tpu.assume_multiple %squeeze3A_191, 128 : i32
      %dma_start3A_193 = arith.constant 2 : i32
      %dma_start3A_194 = arith.constant 0 : i32
      %dma_start3A_195 = arith.constant 0 : i32
      %dma_start3A_196 = tpu.memref_slice %arg13[%dma_start3A_193, %dma_start3A_194, %dma_start3A_195] : memref<16x16x128xf32, #tpu.memory_space<vmem>> -> memref<1x8x128xf32, #tpu.memory_space<vmem>>
      %dma_start3A_197 = tpu.memref_squeeze %dma_start3A_196 : memref<1x8x128xf32, #tpu.memory_space<vmem>> -> memref<8x128xf32, #tpu.memory_space<vmem>>
      %dma_start3A_198 = arith.constant 0 : i32
      %dma_start3A_199 = tpu.memref_slice %arg2[%dma_start3A_198, %multiple_of3A_192] : memref<16x1000000xf32, #tpu.memory_space<hbm>> -> memref<8x128xf32, #tpu.memory_space<hbm>>
      %dma_start3A_200 = arith.constant 0 : i32
      %dma_start3A_201 = arith.constant 0 : i32
      %dma_start3A_202 = tpu.memref_slice %arg13[%dma_start3A_193, %dma_start3A_200, %dma_start3A_201] : memref<16x16x128xf32, #tpu.memory_space<vmem>> -> memref<1x8x128xf32, #tpu.memory_space<vmem>>
      %dma_start3A_203 = tpu.memref_squeeze %dma_start3A_202 : memref<1x8x128xf32, #tpu.memory_space<vmem>> -> memref<8x128xf32, #tpu.memory_space<vmem>>
      %dma_start3A_204 = arith.constant 0 : i32
      %dma_start3A_205 = tpu.memref_slice %arg2[%dma_start3A_204, %multiple_of3A_192] : memref<16x1000000xf32, #tpu.memory_space<hbm>> -> memref<8x128xf32, #tpu.memory_space<hbm>>
      tpu.enqueue_dma source(%dma_start3A_205 : memref<8x128xf32, #tpu.memory_space<hbm>>) target(%dma_start3A_203 : memref<8x128xf32, #tpu.memory_space<vmem>>) target_semaphore(%arg19 : memref<!tpu.dma_semaphore, #tpu.memory_space<semaphore_mem>>)
      %slice3A_206 = vector.extract_strided_slice %min3A_63 {offsets = [2], sizes = [1], strides = [1]} : vector<16xi32> to vector<1xi32>
      %squeeze3A_207 = vector.extract %slice3A_206[0] : i32 from vector<1xi32>
      %multiple_of3A_208 = tpu.assume_multiple %squeeze3A_207, 128 : i32
      %dma_start3A_209 = arith.constant 2 : i32
      %dma_start3A_210 = arith.constant 0 : i32
      %dma_start3A_211 = arith.constant 0 : i32
      %dma_start3A_212 = tpu.memref_slice %arg14[%dma_start3A_209, %dma_start3A_210, %dma_start3A_211] : memref<16x16x128xf32, #tpu.memory_space<vmem>> -> memref<1x8x128xf32, #tpu.memory_space<vmem>>
      %dma_start3A_213 = tpu.memref_squeeze %dma_start3A_212 : memref<1x8x128xf32, #tpu.memory_space<vmem>> -> memref<8x128xf32, #tpu.memory_space<vmem>>
      %dma_start3A_214 = arith.constant 0 : i32
      %dma_start3A_215 = tpu.memref_slice %arg3[%dma_start3A_214, %multiple_of3A_208] : memref<16x1000000xf32, #tpu.memory_space<hbm>> -> memref<8x128xf32, #tpu.memory_space<hbm>>
      %dma_start3A_216 = arith.constant 0 : i32
      %dma_start3A_217 = arith.constant 0 : i32
      %dma_start3A_218 = tpu.memref_slice %arg14[%dma_start3A_209, %dma_start3A_216, %dma_start3A_217] : memref<16x16x128xf32, #tpu.memory_space<vmem>> -> memref<1x8x128xf32, #tpu.memory_space<vmem>>
      %dma_start3A_219 = tpu.memref_squeeze %dma_start3A_218 : memref<1x8x128xf32, #tpu.memory_space<vmem>> -> memref<8x128xf32, #tpu.memory_space<vmem>>
      %dma_start3A_220 = arith.constant 0 : i32
      %dma_start3A_221 = tpu.memref_slice %arg3[%dma_start3A_220, %multiple_of3A_208] : memref<16x1000000xf32, #tpu.memory_space<hbm>> -> memref<8x128xf32, #tpu.memory_space<hbm>>
      tpu.enqueue_dma source(%dma_start3A_221 : memref<8x128xf32, #tpu.memory_space<hbm>>) target(%dma_start3A_219 : memref<8x128xf32, #tpu.memory_space<vmem>>) target_semaphore(%arg19 : memref<!tpu.dma_semaphore, #tpu.memory_space<semaphore_mem>>)
      %slice3A_222 = vector.extract_strided_slice %min3A_57 {offsets = [2], sizes = [1], strides = [1]} : vector<16xi32> to vector<1xi32>
      %squeeze3A_223 = vector.extract %slice3A_222[0] : i32 from vector<1xi32>
      %multiple_of3A_224 = tpu.assume_multiple %squeeze3A_223, 128 : i32
      %dma_start3A_225 = arith.constant 2 : i32
      %dma_start3A_226 = arith.constant 8 : i32
      %dma_start3A_227 = arith.constant 0 : i32
      %dma_start3A_228 = tpu.memref_slice %arg13[%dma_start3A_225, %dma_start3A_226, %dma_start3A_227] : memref<16x16x128xf32, #tpu.memory_space<vmem>> -> memref<1x8x128xf32, #tpu.memory_space<vmem>>
      %dma_start3A_229 = tpu.memref_squeeze %dma_start3A_228 : memref<1x8x128xf32, #tpu.memory_space<vmem>> -> memref<8x128xf32, #tpu.memory_space<vmem>>
      %dma_start3A_230 = arith.constant 8 : i32
      %dma_start3A_231 = tpu.memref_slice %arg2[%dma_start3A_230, %multiple_of3A_224] : memref<16x1000000xf32, #tpu.memory_space<hbm>> -> memref<8x128xf32, #tpu.memory_space<hbm>>
      %dma_start3A_232 = arith.constant 8 : i32
      %dma_start3A_233 = arith.constant 0 : i32
      %dma_start3A_234 = tpu.memref_slice %arg13[%dma_start3A_225, %dma_start3A_232, %dma_start3A_233] : memref<16x16x128xf32, #tpu.memory_space<vmem>> -> memref<1x8x128xf32, #tpu.memory_space<vmem>>
      %dma_start3A_235 = tpu.memref_squeeze %dma_start3A_234 : memref<1x8x128xf32, #tpu.memory_space<vmem>> -> memref<8x128xf32, #tpu.memory_space<vmem>>
      %dma_start3A_236 = arith.constant 8 : i32
      %dma_start3A_237 = tpu.memref_slice %arg2[%dma_start3A_236, %multiple_of3A_224] : memref<16x1000000xf32, #tpu.memory_space<hbm>> -> memref<8x128xf32, #tpu.memory_space<hbm>>
      tpu.enqueue_dma source(%dma_start3A_237 : memref<8x128xf32, #tpu.memory_space<hbm>>) target(%dma_start3A_235 : memref<8x128xf32, #tpu.memory_space<vmem>>) target_semaphore(%arg19 : memref<!tpu.dma_semaphore, #tpu.memory_space<semaphore_mem>>)
      %slice3A_238 = vector.extract_strided_slice %min3A_63 {offsets = [2], sizes = [1], strides = [1]} : vector<16xi32> to vector<1xi32>
      %squeeze3A_239 = vector.extract %slice3A_238[0] : i32 from vector<1xi32>
      %multiple_of3A_240 = tpu.assume_multiple %squeeze3A_239, 128 : i32
      %dma_start3A_241 = arith.constant 2 : i32
      %dma_start3A_242 = arith.constant 8 : i32
      %dma_start3A_243 = arith.constant 0 : i32
      %dma_start3A_244 = tpu.memref_slice %arg14[%dma_start3A_241, %dma_start3A_242, %dma_start3A_243] : memref<16x16x128xf32, #tpu.memory_space<vmem>> -> memref<1x8x128xf32, #tpu.memory_space<vmem>>
      %dma_start3A_245 = tpu.memref_squeeze %dma_start3A_244 : memref<1x8x128xf32, #tpu.memory_space<vmem>> -> memref<8x128xf32, #tpu.memory_space<vmem>>
      %dma_start3A_246 = arith.constant 8 : i32
      %dma_start3A_247 = tpu.memref_slice %arg3[%dma_start3A_246, %multiple_of3A_240] : memref<16x1000000xf32, #tpu.memory_space<hbm>> -> memref<8x128xf32, #tpu.memory_space<hbm>>
      %dma_start3A_248 = arith.constant 8 : i32
      %dma_start3A_249 = arith.constant 0 : i32
      %dma_start3A_250 = tpu.memref_slice %arg14[%dma_start3A_241, %dma_start3A_248, %dma_start3A_249] : memref<16x16x128xf32, #tpu.memory_space<vmem>> -> memref<1x8x128xf32, #tpu.memory_space<vmem>>
      %dma_start3A_251 = tpu.memref_squeeze %dma_start3A_250 : memref<1x8x128xf32, #tpu.memory_space<vmem>> -> memref<8x128xf32, #tpu.memory_space<vmem>>
      %dma_start3A_252 = arith.constant 8 : i32
      %dma_start3A_253 = tpu.memref_slice %arg3[%dma_start3A_252, %multiple_of3A_240] : memref<16x1000000xf32, #tpu.memory_space<hbm>> -> memref<8x128xf32, #tpu.memory_space<hbm>>
      tpu.enqueue_dma source(%dma_start3A_253 : memref<8x128xf32, #tpu.memory_space<hbm>>) target(%dma_start3A_251 : memref<8x128xf32, #tpu.memory_space<vmem>>) target_semaphore(%arg19 : memref<!tpu.dma_semaphore, #tpu.memory_space<semaphore_mem>>)
      %slice3A_254 = vector.extract_strided_slice %min3A_57 {offsets = [3], sizes = [1], strides = [1]} : vector<16xi32> to vector<1xi32>
      %squeeze3A_255 = vector.extract %slice3A_254[0] : i32 from vector<1xi32>
      %multiple_of3A_256 = tpu.assume_multiple %squeeze3A_255, 128 : i32
      %dma_start3A_257 = arith.constant 3 : i32
      %dma_start3A_258 = arith.constant 0 : i32
      %dma_start3A_259 = arith.constant 0 : i32
      %dma_start3A_260 = tpu.memref_slice %arg13[%dma_start3A_257, %dma_start3A_258, %dma_start3A_259] : memref<16x16x128xf32, #tpu.memory_space<vmem>> -> memref<1x8x128xf32, #tpu.memory_space<vmem>>
      %dma_start3A_261 = tpu.memref_squeeze %dma_start3A_260 : memref<1x8x128xf32, #tpu.memory_space<vmem>> -> memref<8x128xf32, #tpu.memory_space<vmem>>
      %dma_start3A_262 = arith.constant 0 : i32
      %dma_start3A_263 = tpu.memref_slice %arg2[%dma_start3A_262, %multiple_of3A_256] : memref<16x1000000xf32, #tpu.memory_space<hbm>> -> memref<8x128xf32, #tpu.memory_space<hbm>>
      %dma_start3A_264 = arith.constant 0 : i32
      %dma_start3A_265 = arith.constant 0 : i32
      %dma_start3A_266 = tpu.memref_slice %arg13[%dma_start3A_257, %dma_start3A_264, %dma_start3A_265] : memref<16x16x128xf32, #tpu.memory_space<vmem>> -> memref<1x8x128xf32, #tpu.memory_space<vmem>>
      %dma_start3A_267 = tpu.memref_squeeze %dma_start3A_266 : memref<1x8x128xf32, #tpu.memory_space<vmem>> -> memref<8x128xf32, #tpu.memory_space<vmem>>
      %dma_start3A_268 = arith.constant 0 : i32
      %dma_start3A_269 = tpu.memref_slice %arg2[%dma_start3A_268, %multiple_of3A_256] : memref<16x1000000xf32, #tpu.memory_space<hbm>> -> memref<8x128xf32, #tpu.memory_space<hbm>>
      tpu.enqueue_dma source(%dma_start3A_269 : memref<8x128xf32, #tpu.memory_space<hbm>>) target(%dma_start3A_267 : memref<8x128xf32, #tpu.memory_space<vmem>>) target_semaphore(%arg19 : memref<!tpu.dma_semaphore, #tpu.memory_space<semaphore_mem>>)
      %slice3A_270 = vector.extract_strided_slice %min3A_63 {offsets = [3], sizes = [1], strides = [1]} : vector<16xi32> to vector<1xi32>
      %squeeze3A_271 = vector.extract %slice3A_270[0] : i32 from vector<1xi32>
      %multiple_of3A_272 = tpu.assume_multiple %squeeze3A_271, 128 : i32
      %dma_start3A_273 = arith.constant 3 : i32
      %dma_start3A_274 = arith.constant 0 : i32
      %dma_start3A_275 = arith.constant 0 : i32
      %dma_start3A_276 = tpu.memref_slice %arg14[%dma_start3A_273, %dma_start3A_274, %dma_start3A_275] : memref<16x16x128xf32, #tpu.memory_space<vmem>> -> memref<1x8x128xf32, #tpu.memory_space<vmem>>
      %dma_start3A_277 = tpu.memref_squeeze %dma_start3A_276 : memref<1x8x128xf32, #tpu.memory_space<vmem>> -> memref<8x128xf32, #tpu.memory_space<vmem>>
      %dma_start3A_278 = arith.constant 0 : i32
      %dma_start3A_279 = tpu.memref_slice %arg3[%dma_start3A_278, %multiple_of3A_272] : memref<16x1000000xf32, #tpu.memory_space<hbm>> -> memref<8x128xf32, #tpu.memory_space<hbm>>
      %dma_start3A_280 = arith.constant 0 : i32
      %dma_start3A_281 = arith.constant 0 : i32
      %dma_start3A_282 = tpu.memref_slice %arg14[%dma_start3A_273, %dma_start3A_280, %dma_start3A_281] : memref<16x16x128xf32, #tpu.memory_space<vmem>> -> memref<1x8x128xf32, #tpu.memory_space<vmem>>
      %dma_start3A_283 = tpu.memref_squeeze %dma_start3A_282 : memref<1x8x128xf32, #tpu.memory_space<vmem>> -> memref<8x128xf32, #tpu.memory_space<vmem>>
      %dma_start3A_284 = arith.constant 0 : i32
      %dma_start3A_285 = tpu.memref_slice %arg3[%dma_start3A_284, %multiple_of3A_272] : memref<16x1000000xf32, #tpu.memory_space<hbm>> -> memref<8x128xf32, #tpu.memory_space<hbm>>
      tpu.enqueue_dma source(%dma_start3A_285 : memref<8x128xf32, #tpu.memory_space<hbm>>) target(%dma_start3A_283 : memref<8x128xf32, #tpu.memory_space<vmem>>) target_semaphore(%arg19 : memref<!tpu.dma_semaphore, #tpu.memory_space<semaphore_mem>>)
      %slice3A_286 = vector.extract_strided_slice %min3A_57 {offsets = [3], sizes = [1], strides = [1]} : vector<16xi32> to vector<1xi32>
      %squeeze3A_287 = vector.extract %slice3A_286[0] : i32 from vector<1xi32>
      %multiple_of3A_288 = tpu.assume_multiple %squeeze3A_287, 128 : i32
      %dma_start3A_289 = arith.constant 3 : i32
      %dma_start3A_290 = arith.constant 8 : i32
      %dma_start3A_291 = arith.constant 0 : i32
      %dma_start3A_292 = tpu.memref_slice %arg13[%dma_start3A_289, %dma_start3A_290, %dma_start3A_291] : memref<16x16x128xf32, #tpu.memory_space<vmem>> -> memref<1x8x128xf32, #tpu.memory_space<vmem>>
      %dma_start3A_293 = tpu.memref_squeeze %dma_start3A_292 : memref<1x8x128xf32, #tpu.memory_space<vmem>> -> memref<8x128xf32, #tpu.memory_space<vmem>>
      %dma_start3A_294 = arith.constant 8 : i32
      %dma_start3A_295 = tpu.memref_slice %arg2[%dma_start3A_294, %multiple_of3A_288] : memref<16x1000000xf32, #tpu.memory_space<hbm>> -> memref<8x128xf32, #tpu.memory_space<hbm>>
      %dma_start3A_296 = arith.constant 8 : i32
      %dma_start3A_297 = arith.constant 0 : i32
      %dma_start3A_298 = tpu.memref_slice %arg13[%dma_start3A_289, %dma_start3A_296, %dma_start3A_297] : memref<16x16x128xf32, #tpu.memory_space<vmem>> -> memref<1x8x128xf32, #tpu.memory_space<vmem>>
      %dma_start3A_299 = tpu.memref_squeeze %dma_start3A_298 : memref<1x8x128xf32, #tpu.memory_space<vmem>> -> memref<8x128xf32, #tpu.memory_space<vmem>>
      %dma_start3A_300 = arith.constant 8 : i32
      %dma_start3A_301 = tpu.memref_slice %arg2[%dma_start3A_300, %multiple_of3A_288] : memref<16x1000000xf32, #tpu.memory_space<hbm>> -> memref<8x128xf32, #tpu.memory_space<hbm>>
      tpu.enqueue_dma source(%dma_start3A_301 : memref<8x128xf32, #tpu.memory_space<hbm>>) target(%dma_start3A_299 : memref<8x128xf32, #tpu.memory_space<vmem>>) target_semaphore(%arg19 : memref<!tpu.dma_semaphore, #tpu.memory_space<semaphore_mem>>)
      %slice3A_302 = vector.extract_strided_slice %min3A_63 {offsets = [3], sizes = [1], strides = [1]} : vector<16xi32> to vector<1xi32>
      %squeeze3A_303 = vector.extract %slice3A_302[0] : i32 from vector<1xi32>
      %multiple_of3A_304 = tpu.assume_multiple %squeeze3A_303, 128 : i32
      %dma_start3A_305 = arith.constant 3 : i32
      %dma_start3A_306 = arith.constant 8 : i32
      %dma_start3A_307 = arith.constant 0 : i32
      %dma_start3A_308 = tpu.memref_slice %arg14[%dma_start3A_305, %dma_start3A_306, %dma_start3A_307] : memref<16x16x128xf32, #tpu.memory_space<vmem>> -> memref<1x8x128xf32, #tpu.memory_space<vmem>>
      %dma_start3A_309 = tpu.memref_squeeze %dma_start3A_308 : memref<1x8x128xf32, #tpu.memory_space<vmem>> -> memref<8x128xf32, #tpu.memory_space<vmem>>
      %dma_start3A_310 = arith.constant 8 : i32
      %dma_start3A_311 = tpu.memref_slice %arg3[%dma_start3A_310, %multiple_of3A_304] : memref<16x1000000xf32, #tpu.memory_space<hbm>> -> memref<8x128xf32, #tpu.memory_space<hbm>>
      %dma_start3A_312 = arith.constant 8 : i32
      %dma_start3A_313 = arith.constant 0 : i32
      %dma_start3A_314 = tpu.memref_slice %arg14[%dma_start3A_305, %dma_start3A_312, %dma_start3A_313] : memref<16x16x128xf32, #tpu.memory_space<vmem>> -> memref<1x8x128xf32, #tpu.memory_space<vmem>>
      %dma_start3A_315 = tpu.memref_squeeze %dma_start3A_314 : memref<1x8x128xf32, #tpu.memory_space<vmem>> -> memref<8x128xf32, #tpu.memory_space<vmem>>
      %dma_start3A_316 = arith.constant 8 : i32
      %dma_start3A_317 = tpu.memref_slice %arg3[%dma_start3A_316, %multiple_of3A_304] : memref<16x1000000xf32, #tpu.memory_space<hbm>> -> memref<8x128xf32, #tpu.memory_space<hbm>>
      tpu.enqueue_dma source(%dma_start3A_317 : memref<8x128xf32, #tpu.memory_space<hbm>>) target(%dma_start3A_315 : memref<8x128xf32, #tpu.memory_space<vmem>>) target_semaphore(%arg19 : memref<!tpu.dma_semaphore, #tpu.memory_space<semaphore_mem>>)
      %slice3A_318 = vector.extract_strided_slice %min3A_57 {offsets = [4], sizes = [1], strides = [1]} : vector<16xi32> to vector<1xi32>
      %squeeze3A_319 = vector.extract %slice3A_318[0] : i32 from vector<1xi32>
      %multiple_of3A_320 = tpu.assume_multiple %squeeze3A_319, 128 : i32
      %dma_start3A_321 = arith.constant 4 : i32
      %dma_start3A_322 = arith.constant 0 : i32
      %dma_start3A_323 = arith.constant 0 : i32
      %dma_start3A_324 = tpu.memref_slice %arg13[%dma_start3A_321, %dma_start3A_322, %dma_start3A_323] : memref<16x16x128xf32, #tpu.memory_space<vmem>> -> memref<1x8x128xf32, #tpu.memory_space<vmem>>
      %dma_start3A_325 = tpu.memref_squeeze %dma_start3A_324 : memref<1x8x128xf32, #tpu.memory_space<vmem>> -> memref<8x128xf32, #tpu.memory_space<vmem>>
      %dma_start3A_326 = arith.constant 0 : i32
      %dma_start3A_327 = tpu.memref_slice %arg2[%dma_start3A_326, %multiple_of3A_320] : memref<16x1000000xf32, #tpu.memory_space<hbm>> -> memref<8x128xf32, #tpu.memory_space<hbm>>
      %dma_start3A_328 = arith.constant 0 : i32
      %dma_start3A_329 = arith.constant 0 : i32
      %dma_start3A_330 = tpu.memref_slice %arg13[%dma_start3A_321, %dma_start3A_328, %dma_start3A_329] : memref<16x16x128xf32, #tpu.memory_space<vmem>> -> memref<1x8x128xf32, #tpu.memory_space<vmem>>
      %dma_start3A_331 = tpu.memref_squeeze %dma_start3A_330 : memref<1x8x128xf32, #tpu.memory_space<vmem>> -> memref<8x128xf32, #tpu.memory_space<vmem>>
      %dma_start3A_332 = arith.constant 0 : i32
      %dma_start3A_333 = tpu.memref_slice %arg2[%dma_start3A_332, %multiple_of3A_320] : memref<16x1000000xf32, #tpu.memory_space<hbm>> -> memref<8x128xf32, #tpu.memory_space<hbm>>
      tpu.enqueue_dma source(%dma_start3A_333 : memref<8x128xf32, #tpu.memory_space<hbm>>) target(%dma_start3A_331 : memref<8x128xf32, #tpu.memory_space<vmem>>) target_semaphore(%arg19 : memref<!tpu.dma_semaphore, #tpu.memory_space<semaphore_mem>>)
      %slice3A_334 = vector.extract_strided_slice %min3A_63 {offsets = [4], sizes = [1], strides = [1]} : vector<16xi32> to vector<1xi32>
      %squeeze3A_335 = vector.extract %slice3A_334[0] : i32 from vector<1xi32>
      %multiple_of3A_336 = tpu.assume_multiple %squeeze3A_335, 128 : i32
      %dma_start3A_337 = arith.constant 4 : i32
      %dma_start3A_338 = arith.constant 0 : i32
      %dma_start3A_339 = arith.constant 0 : i32
      %dma_start3A_340 = tpu.memref_slice %arg14[%dma_start3A_337, %dma_start3A_338, %dma_start3A_339] : memref<16x16x128xf32, #tpu.memory_space<vmem>> -> memref<1x8x128xf32, #tpu.memory_space<vmem>>
      %dma_start3A_341 = tpu.memref_squeeze %dma_start3A_340 : memref<1x8x128xf32, #tpu.memory_space<vmem>> -> memref<8x128xf32, #tpu.memory_space<vmem>>
      %dma_start3A_342 = arith.constant 0 : i32
      %dma_start3A_343 = tpu.memref_slice %arg3[%dma_start3A_342, %multiple_of3A_336] : memref<16x1000000xf32, #tpu.memory_space<hbm>> -> memref<8x128xf32, #tpu.memory_space<hbm>>
      %dma_start3A_344 = arith.constant 0 : i32
      %dma_start3A_345 = arith.constant 0 : i32
      %dma_start3A_346 = tpu.memref_slice %arg14[%dma_start3A_337, %dma_start3A_344, %dma_start3A_345] : memref<16x16x128xf32, #tpu.memory_space<vmem>> -> memref<1x8x128xf32, #tpu.memory_space<vmem>>
      %dma_start3A_347 = tpu.memref_squeeze %dma_start3A_346 : memref<1x8x128xf32, #tpu.memory_space<vmem>> -> memref<8x128xf32, #tpu.memory_space<vmem>>
      %dma_start3A_348 = arith.constant 0 : i32
      %dma_start3A_349 = tpu.memref_slice %arg3[%dma_start3A_348, %multiple_of3A_336] : memref<16x1000000xf32, #tpu.memory_space<hbm>> -> memref<8x128xf32, #tpu.memory_space<hbm>>
      tpu.enqueue_dma source(%dma_start3A_349 : memref<8x128xf32, #tpu.memory_space<hbm>>) target(%dma_start3A_347 : memref<8x128xf32, #tpu.memory_space<vmem>>) target_semaphore(%arg19 : memref<!tpu.dma_semaphore, #tpu.memory_space<semaphore_mem>>)
      %slice3A_350 = vector.extract_strided_slice %min3A_57 {offsets = [4], sizes = [1], strides = [1]} : vector<16xi32> to vector<1xi32>
      %squeeze3A_351 = vector.extract %slice3A_350[0] : i32 from vector<1xi32>
      %multiple_of3A_352 = tpu.assume_multiple %squeeze3A_351, 128 : i32
      %dma_start3A_353 = arith.constant 4 : i32
      %dma_start3A_354 = arith.constant 8 : i32
      %dma_start3A_355 = arith.constant 0 : i32
      %dma_start3A_356 = tpu.memref_slice %arg13[%dma_start3A_353, %dma_start3A_354, %dma_start3A_355] : memref<16x16x128xf32, #tpu.memory_space<vmem>> -> memref<1x8x128xf32, #tpu.memory_space<vmem>>
      %dma_start3A_357 = tpu.memref_squeeze %dma_start3A_356 : memref<1x8x128xf32, #tpu.memory_space<vmem>> -> memref<8x128xf32, #tpu.memory_space<vmem>>
      %dma_start3A_358 = arith.constant 8 : i32
      %dma_start3A_359 = tpu.memref_slice %arg2[%dma_start3A_358, %multiple_of3A_352] : memref<16x1000000xf32, #tpu.memory_space<hbm>> -> memref<8x128xf32, #tpu.memory_space<hbm>>
      %dma_start3A_360 = arith.constant 8 : i32
      %dma_start3A_361 = arith.constant 0 : i32
      %dma_start3A_362 = tpu.memref_slice %arg13[%dma_start3A_353, %dma_start3A_360, %dma_start3A_361] : memref<16x16x128xf32, #tpu.memory_space<vmem>> -> memref<1x8x128xf32, #tpu.memory_space<vmem>>
      %dma_start3A_363 = tpu.memref_squeeze %dma_start3A_362 : memref<1x8x128xf32, #tpu.memory_space<vmem>> -> memref<8x128xf32, #tpu.memory_space<vmem>>
      %dma_start3A_364 = arith.constant 8 : i32
      %dma_start3A_365 = tpu.memref_slice %arg2[%dma_start3A_364, %multiple_of3A_352] : memref<16x1000000xf32, #tpu.memory_space<hbm>> -> memref<8x128xf32, #tpu.memory_space<hbm>>
      tpu.enqueue_dma source(%dma_start3A_365 : memref<8x128xf32, #tpu.memory_space<hbm>>) target(%dma_start3A_363 : memref<8x128xf32, #tpu.memory_space<vmem>>) target_semaphore(%arg19 : memref<!tpu.dma_semaphore, #tpu.memory_space<semaphore_mem>>)
      %slice3A_366 = vector.extract_strided_slice %min3A_63 {offsets = [4], sizes = [1], strides = [1]} : vector<16xi32> to vector<1xi32>
      %squeeze3A_367 = vector.extract %slice3A_366[0] : i32 from vector<1xi32>
      %multiple_of3A_368 = tpu.assume_multiple %squeeze3A_367, 128 : i32
      %dma_start3A_369 = arith.constant 4 : i32
      %dma_start3A_370 = arith.constant 8 : i32
      %dma_start3A_371 = arith.constant 0 : i32
      %dma_start3A_372 = tpu.memref_slice %arg14[%dma_start3A_369, %dma_start3A_370, %dma_start3A_371] : memref<16x16x128xf32, #tpu.memory_space<vmem>> -> memref<1x8x128xf32, #tpu.memory_space<vmem>>
      %dma_start3A_373 = tpu.memref_squeeze %dma_start3A_372 : memref<1x8x128xf32, #tpu.memory_space<vmem>> -> memref<8x128xf32, #tpu.memory_space<vmem>>
      %dma_start3A_374 = arith.constant 8 : i32
      %dma_start3A_375 = tpu.memref_slice %arg3[%dma_start3A_374, %multiple_of3A_368] : memref<16x1000000xf32, #tpu.memory_space<hbm>> -> memref<8x128xf32, #tpu.memory_space<hbm>>
      %dma_start3A_376 = arith.constant 8 : i32
      %dma_start3A_377 = arith.constant 0 : i32
      %dma_start3A_378 = tpu.memref_slice %arg14[%dma_start3A_369, %dma_start3A_376, %dma_start3A_377] : memref<16x16x128xf32, #tpu.memory_space<vmem>> -> memref<1x8x128xf32, #tpu.memory_space<vmem>>
      %dma_start3A_379 = tpu.memref_squeeze %dma_start3A_378 : memref<1x8x128xf32, #tpu.memory_space<vmem>> -> memref<8x128xf32, #tpu.memory_space<vmem>>
      %dma_start3A_380 = arith.constant 8 : i32
      %dma_start3A_381 = tpu.memref_slice %arg3[%dma_start3A_380, %multiple_of3A_368] : memref<16x1000000xf32, #tpu.memory_space<hbm>> -> memref<8x128xf32, #tpu.memory_space<hbm>>
      tpu.enqueue_dma source(%dma_start3A_381 : memref<8x128xf32, #tpu.memory_space<hbm>>) target(%dma_start3A_379 : memref<8x128xf32, #tpu.memory_space<vmem>>) target_semaphore(%arg19 : memref<!tpu.dma_semaphore, #tpu.memory_space<semaphore_mem>>)
      %slice3A_382 = vector.extract_strided_slice %min3A_57 {offsets = [5], sizes = [1], strides = [1]} : vector<16xi32> to vector<1xi32>
      %squeeze3A_383 = vector.extract %slice3A_382[0] : i32 from vector<1xi32>
      %multiple_of3A_384 = tpu.assume_multiple %squeeze3A_383, 128 : i32
      %dma_start3A_385 = arith.constant 5 : i32
      %dma_start3A_386 = arith.constant 0 : i32
      %dma_start3A_387 = arith.constant 0 : i32
      %dma_start3A_388 = tpu.memref_slice %arg13[%dma_start3A_385, %dma_start3A_386, %dma_start3A_387] : memref<16x16x128xf32, #tpu.memory_space<vmem>> -> memref<1x8x128xf32, #tpu.memory_space<vmem>>
      %dma_start3A_389 = tpu.memref_squeeze %dma_start3A_388 : memref<1x8x128xf32, #tpu.memory_space<vmem>> -> memref<8x128xf32, #tpu.memory_space<vmem>>
      %dma_start3A_390 = arith.constant 0 : i32
      %dma_start3A_391 = tpu.memref_slice %arg2[%dma_start3A_390, %multiple_of3A_384] : memref<16x1000000xf32, #tpu.memory_space<hbm>> -> memref<8x128xf32, #tpu.memory_space<hbm>>
      %dma_start3A_392 = arith.constant 0 : i32
      %dma_start3A_393 = arith.constant 0 : i32
      %dma_start3A_394 = tpu.memref_slice %arg13[%dma_start3A_385, %dma_start3A_392, %dma_start3A_393] : memref<16x16x128xf32, #tpu.memory_space<vmem>> -> memref<1x8x128xf32, #tpu.memory_space<vmem>>
      %dma_start3A_395 = tpu.memref_squeeze %dma_start3A_394 : memref<1x8x128xf32, #tpu.memory_space<vmem>> -> memref<8x128xf32, #tpu.memory_space<vmem>>
      %dma_start3A_396 = arith.constant 0 : i32
      %dma_start3A_397 = tpu.memref_slice %arg2[%dma_start3A_396, %multiple_of3A_384] : memref<16x1000000xf32, #tpu.memory_space<hbm>> -> memref<8x128xf32, #tpu.memory_space<hbm>>
      tpu.enqueue_dma source(%dma_start3A_397 : memref<8x128xf32, #tpu.memory_space<hbm>>) target(%dma_start3A_395 : memref<8x128xf32, #tpu.memory_space<vmem>>) target_semaphore(%arg19 : memref<!tpu.dma_semaphore, #tpu.memory_space<semaphore_mem>>)
      %slice3A_398 = vector.extract_strided_slice %min3A_63 {offsets = [5], sizes = [1], strides = [1]} : vector<16xi32> to vector<1xi32>
      %squeeze3A_399 = vector.extract %slice3A_398[0] : i32 from vector<1xi32>
      %multiple_of3A_400 = tpu.assume_multiple %squeeze3A_399, 128 : i32
      %dma_start3A_401 = arith.constant 5 : i32
      %dma_start3A_402 = arith.constant 0 : i32
      %dma_start3A_403 = arith.constant 0 : i32
      %dma_start3A_404 = tpu.memref_slice %arg14[%dma_start3A_401, %dma_start3A_402, %dma_start3A_403] : memref<16x16x128xf32, #tpu.memory_space<vmem>> -> memref<1x8x128xf32, #tpu.memory_space<vmem>>
      %dma_start3A_405 = tpu.memref_squeeze %dma_start3A_404 : memref<1x8x128xf32, #tpu.memory_space<vmem>> -> memref<8x128xf32, #tpu.memory_space<vmem>>
      %dma_start3A_406 = arith.constant 0 : i32
      %dma_start3A_407 = tpu.memref_slice %arg3[%dma_start3A_406, %multiple_of3A_400] : memref<16x1000000xf32, #tpu.memory_space<hbm>> -> memref<8x128xf32, #tpu.memory_space<hbm>>
      %dma_start3A_408 = arith.constant 0 : i32
      %dma_start3A_409 = arith.constant 0 : i32
      %dma_start3A_410 = tpu.memref_slice %arg14[%dma_start3A_401, %dma_start3A_408, %dma_start3A_409] : memref<16x16x128xf32, #tpu.memory_space<vmem>> -> memref<1x8x128xf32, #tpu.memory_space<vmem>>
      %dma_start3A_411 = tpu.memref_squeeze %dma_start3A_410 : memref<1x8x128xf32, #tpu.memory_space<vmem>> -> memref<8x128xf32, #tpu.memory_space<vmem>>
      %dma_start3A_412 = arith.constant 0 : i32
      %dma_start3A_413 = tpu.memref_slice %arg3[%dma_start3A_412, %multiple_of3A_400] : memref<16x1000000xf32, #tpu.memory_space<hbm>> -> memref<8x128xf32, #tpu.memory_space<hbm>>
      tpu.enqueue_dma source(%dma_start3A_413 : memref<8x128xf32, #tpu.memory_space<hbm>>) target(%dma_start3A_411 : memref<8x128xf32, #tpu.memory_space<vmem>>) target_semaphore(%arg19 : memref<!tpu.dma_semaphore, #tpu.memory_space<semaphore_mem>>)
      %slice3A_414 = vector.extract_strided_slice %min3A_57 {offsets = [5], sizes = [1], strides = [1]} : vector<16xi32> to vector<1xi32>
      %squeeze3A_415 = vector.extract %slice3A_414[0] : i32 from vector<1xi32>
      %multiple_of3A_416 = tpu.assume_multiple %squeeze3A_415, 128 : i32
      %dma_start3A_417 = arith.constant 5 : i32
      %dma_start3A_418 = arith.constant 8 : i32
      %dma_start3A_419 = arith.constant 0 : i32
      %dma_start3A_420 = tpu.memref_slice %arg13[%dma_start3A_417, %dma_start3A_418, %dma_start3A_419] : memref<16x16x128xf32, #tpu.memory_space<vmem>> -> memref<1x8x128xf32, #tpu.memory_space<vmem>>
      %dma_start3A_421 = tpu.memref_squeeze %dma_start3A_420 : memref<1x8x128xf32, #tpu.memory_space<vmem>> -> memref<8x128xf32, #tpu.memory_space<vmem>>
      %dma_start3A_422 = arith.constant 8 : i32
      %dma_start3A_423 = tpu.memref_slice %arg2[%dma_start3A_422, %multiple_of3A_416] : memref<16x1000000xf32, #tpu.memory_space<hbm>> -> memref<8x128xf32, #tpu.memory_space<hbm>>
      %dma_start3A_424 = arith.constant 8 : i32
      %dma_start3A_425 = arith.constant 0 : i32
      %dma_start3A_426 = tpu.memref_slice %arg13[%dma_start3A_417, %dma_start3A_424, %dma_start3A_425] : memref<16x16x128xf32, #tpu.memory_space<vmem>> -> memref<1x8x128xf32, #tpu.memory_space<vmem>>
      %dma_start3A_427 = tpu.memref_squeeze %dma_start3A_426 : memref<1x8x128xf32, #tpu.memory_space<vmem>> -> memref<8x128xf32, #tpu.memory_space<vmem>>
      %dma_start3A_428 = arith.constant 8 : i32
      %dma_start3A_429 = tpu.memref_slice %arg2[%dma_start3A_428, %multiple_of3A_416] : memref<16x1000000xf32, #tpu.memory_space<hbm>> -> memref<8x128xf32, #tpu.memory_space<hbm>>
      tpu.enqueue_dma source(%dma_start3A_429 : memref<8x128xf32, #tpu.memory_space<hbm>>) target(%dma_start3A_427 : memref<8x128xf32, #tpu.memory_space<vmem>>) target_semaphore(%arg19 : memref<!tpu.dma_semaphore, #tpu.memory_space<semaphore_mem>>)
      %slice3A_430 = vector.extract_strided_slice %min3A_63 {offsets = [5], sizes = [1], strides = [1]} : vector<16xi32> to vector<1xi32>
      %squeeze3A_431 = vector.extract %slice3A_430[0] : i32 from vector<1xi32>
      %multiple_of3A_432 = tpu.assume_multiple %squeeze3A_431, 128 : i32
      %dma_start3A_433 = arith.constant 5 : i32
      %dma_start3A_434 = arith.constant 8 : i32
      %dma_start3A_435 = arith.constant 0 : i32
      %dma_start3A_436 = tpu.memref_slice %arg14[%dma_start3A_433, %dma_start3A_434, %dma_start3A_435] : memref<16x16x128xf32, #tpu.memory_space<vmem>> -> memref<1x8x128xf32, #tpu.memory_space<vmem>>
      %dma_start3A_437 = tpu.memref_squeeze %dma_start3A_436 : memref<1x8x128xf32, #tpu.memory_space<vmem>> -> memref<8x128xf32, #tpu.memory_space<vmem>>
      %dma_start3A_438 = arith.constant 8 : i32
      %dma_start3A_439 = tpu.memref_slice %arg3[%dma_start3A_438, %multiple_of3A_432] : memref<16x1000000xf32, #tpu.memory_space<hbm>> -> memref<8x128xf32, #tpu.memory_space<hbm>>
      %dma_start3A_440 = arith.constant 8 : i32
      %dma_start3A_441 = arith.constant 0 : i32
      %dma_start3A_442 = tpu.memref_slice %arg14[%dma_start3A_433, %dma_start3A_440, %dma_start3A_441] : memref<16x16x128xf32, #tpu.memory_space<vmem>> -> memref<1x8x128xf32, #tpu.memory_space<vmem>>
      %dma_start3A_443 = tpu.memref_squeeze %dma_start3A_442 : memref<1x8x128xf32, #tpu.memory_space<vmem>> -> memref<8x128xf32, #tpu.memory_space<vmem>>
      %dma_start3A_444 = arith.constant 8 : i32
      %dma_start3A_445 = tpu.memref_slice %arg3[%dma_start3A_444, %multiple_of3A_432] : memref<16x1000000xf32, #tpu.memory_space<hbm>> -> memref<8x128xf32, #tpu.memory_space<hbm>>
      tpu.enqueue_dma source(%dma_start3A_445 : memref<8x128xf32, #tpu.memory_space<hbm>>) target(%dma_start3A_443 : memref<8x128xf32, #tpu.memory_space<vmem>>) target_semaphore(%arg19 : memref<!tpu.dma_semaphore, #tpu.memory_space<semaphore_mem>>)
      %slice3A_446 = vector.extract_strided_slice %min3A_57 {offsets = [6], sizes = [1], strides = [1]} : vector<16xi32> to vector<1xi32>
      %squeeze3A_447 = vector.extract %slice3A_446[0] : i32 from vector<1xi32>
      %multiple_of3A_448 = tpu.assume_multiple %squeeze3A_447, 128 : i32
      %dma_start3A_449 = arith.constant 6 : i32
      %dma_start3A_450 = arith.constant 0 : i32
      %dma_start3A_451 = arith.constant 0 : i32
      %dma_start3A_452 = tpu.memref_slice %arg13[%dma_start3A_449, %dma_start3A_450, %dma_start3A_451] : memref<16x16x128xf32, #tpu.memory_space<vmem>> -> memref<1x8x128xf32, #tpu.memory_space<vmem>>
      %dma_start3A_453 = tpu.memref_squeeze %dma_start3A_452 : memref<1x8x128xf32, #tpu.memory_space<vmem>> -> memref<8x128xf32, #tpu.memory_space<vmem>>
      %dma_start3A_454 = arith.constant 0 : i32
      %dma_start3A_455 = tpu.memref_slice %arg2[%dma_start3A_454, %multiple_of3A_448] : memref<16x1000000xf32, #tpu.memory_space<hbm>> -> memref<8x128xf32, #tpu.memory_space<hbm>>
      %dma_start3A_456 = arith.constant 0 : i32
      %dma_start3A_457 = arith.constant 0 : i32
      %dma_start3A_458 = tpu.memref_slice %arg13[%dma_start3A_449, %dma_start3A_456, %dma_start3A_457] : memref<16x16x128xf32, #tpu.memory_space<vmem>> -> memref<1x8x128xf32, #tpu.memory_space<vmem>>
      %dma_start3A_459 = tpu.memref_squeeze %dma_start3A_458 : memref<1x8x128xf32, #tpu.memory_space<vmem>> -> memref<8x128xf32, #tpu.memory_space<vmem>>
      %dma_start3A_460 = arith.constant 0 : i32
      %dma_start3A_461 = tpu.memref_slice %arg2[%dma_start3A_460, %multiple_of3A_448] : memref<16x1000000xf32, #tpu.memory_space<hbm>> -> memref<8x128xf32, #tpu.memory_space<hbm>>
      tpu.enqueue_dma source(%dma_start3A_461 : memref<8x128xf32, #tpu.memory_space<hbm>>) target(%dma_start3A_459 : memref<8x128xf32, #tpu.memory_space<vmem>>) target_semaphore(%arg19 : memref<!tpu.dma_semaphore, #tpu.memory_space<semaphore_mem>>)
      %slice3A_462 = vector.extract_strided_slice %min3A_63 {offsets = [6], sizes = [1], strides = [1]} : vector<16xi32> to vector<1xi32>
      %squeeze3A_463 = vector.extract %slice3A_462[0] : i32 from vector<1xi32>
      %multiple_of3A_464 = tpu.assume_multiple %squeeze3A_463, 128 : i32
      %dma_start3A_465 = arith.constant 6 : i32
      %dma_start3A_466 = arith.constant 0 : i32
      %dma_start3A_467 = arith.constant 0 : i32
      %dma_start3A_468 = tpu.memref_slice %arg14[%dma_start3A_465, %dma_start3A_466, %dma_start3A_467] : memref<16x16x128xf32, #tpu.memory_space<vmem>> -> memref<1x8x128xf32, #tpu.memory_space<vmem>>
      %dma_start3A_469 = tpu.memref_squeeze %dma_start3A_468 : memref<1x8x128xf32, #tpu.memory_space<vmem>> -> memref<8x128xf32, #tpu.memory_space<vmem>>
      %dma_start3A_470 = arith.constant 0 : i32
      %dma_start3A_471 = tpu.memref_slice %arg3[%dma_start3A_470, %multiple_of3A_464] : memref<16x1000000xf32, #tpu.memory_space<hbm>> -> memref<8x128xf32, #tpu.memory_space<hbm>>
      %dma_start3A_472 = arith.constant 0 : i32
      %dma_start3A_473 = arith.constant 0 : i32
      %dma_start3A_474 = tpu.memref_slice %arg14[%dma_start3A_465, %dma_start3A_472, %dma_start3A_473] : memref<16x16x128xf32, #tpu.memory_space<vmem>> -> memref<1x8x128xf32, #tpu.memory_space<vmem>>
      %dma_start3A_475 = tpu.memref_squeeze %dma_start3A_474 : memref<1x8x128xf32, #tpu.memory_space<vmem>> -> memref<8x128xf32, #tpu.memory_space<vmem>>
      %dma_start3A_476 = arith.constant 0 : i32
      %dma_start3A_477 = tpu.memref_slice %arg3[%dma_start3A_476, %multiple_of3A_464] : memref<16x1000000xf32, #tpu.memory_space<hbm>> -> memref<8x128xf32, #tpu.memory_space<hbm>>
      tpu.enqueue_dma source(%dma_start3A_477 : memref<8x128xf32, #tpu.memory_space<hbm>>) target(%dma_start3A_475 : memref<8x128xf32, #tpu.memory_space<vmem>>) target_semaphore(%arg19 : memref<!tpu.dma_semaphore, #tpu.memory_space<semaphore_mem>>)
      %slice3A_478 = vector.extract_strided_slice %min3A_57 {offsets = [6], sizes = [1], strides = [1]} : vector<16xi32> to vector<1xi32>
      %squeeze3A_479 = vector.extract %slice3A_478[0] : i32 from vector<1xi32>
      %multiple_of3A_480 = tpu.assume_multiple %squeeze3A_479, 128 : i32
      %dma_start3A_481 = arith.constant 6 : i32
      %dma_start3A_482 = arith.constant 8 : i32
      %dma_start3A_483 = arith.constant 0 : i32
      %dma_start3A_484 = tpu.memref_slice %arg13[%dma_start3A_481, %dma_start3A_482, %dma_start3A_483] : memref<16x16x128xf32, #tpu.memory_space<vmem>> -> memref<1x8x128xf32, #tpu.memory_space<vmem>>
      %dma_start3A_485 = tpu.memref_squeeze %dma_start3A_484 : memref<1x8x128xf32, #tpu.memory_space<vmem>> -> memref<8x128xf32, #tpu.memory_space<vmem>>
      %dma_start3A_486 = arith.constant 8 : i32
      %dma_start3A_487 = tpu.memref_slice %arg2[%dma_start3A_486, %multiple_of3A_480] : memref<16x1000000xf32, #tpu.memory_space<hbm>> -> memref<8x128xf32, #tpu.memory_space<hbm>>
      %dma_start3A_488 = arith.constant 8 : i32
      %dma_start3A_489 = arith.constant 0 : i32
      %dma_start3A_490 = tpu.memref_slice %arg13[%dma_start3A_481, %dma_start3A_488, %dma_start3A_489] : memref<16x16x128xf32, #tpu.memory_space<vmem>> -> memref<1x8x128xf32, #tpu.memory_space<vmem>>
      %dma_start3A_491 = tpu.memref_squeeze %dma_start3A_490 : memref<1x8x128xf32, #tpu.memory_space<vmem>> -> memref<8x128xf32, #tpu.memory_space<vmem>>
      %dma_start3A_492 = arith.constant 8 : i32
      %dma_start3A_493 = tpu.memref_slice %arg2[%dma_start3A_492, %multiple_of3A_480] : memref<16x1000000xf32, #tpu.memory_space<hbm>> -> memref<8x128xf32, #tpu.memory_space<hbm>>
      tpu.enqueue_dma source(%dma_start3A_493 : memref<8x128xf32, #tpu.memory_space<hbm>>) target(%dma_start3A_491 : memref<8x128xf32, #tpu.memory_space<vmem>>) target_semaphore(%arg19 : memref<!tpu.dma_semaphore, #tpu.memory_space<semaphore_mem>>)
      %slice3A_494 = vector.extract_strided_slice %min3A_63 {offsets = [6], sizes = [1], strides = [1]} : vector<16xi32> to vector<1xi32>
      %squeeze3A_495 = vector.extract %slice3A_494[0] : i32 from vector<1xi32>
      %multiple_of3A_496 = tpu.assume_multiple %squeeze3A_495, 128 : i32
      %dma_start3A_497 = arith.constant 6 : i32
      %dma_start3A_498 = arith.constant 8 : i32
      %dma_start3A_499 = arith.constant 0 : i32
      %dma_start3A_500 = tpu.memref_slice %arg14[%dma_start3A_497, %dma_start3A_498, %dma_start3A_499] : memref<16x16x128xf32, #tpu.memory_space<vmem>> -> memref<1x8x128xf32, #tpu.memory_space<vmem>>
      %dma_start3A_501 = tpu.memref_squeeze %dma_start3A_500 : memref<1x8x128xf32, #tpu.memory_space<vmem>> -> memref<8x128xf32, #tpu.memory_space<vmem>>
      %dma_start3A_502 = arith.constant 8 : i32
      %dma_start3A_503 = tpu.memref_slice %arg3[%dma_start3A_502, %multiple_of3A_496] : memref<16x1000000xf32, #tpu.memory_space<hbm>> -> memref<8x128xf32, #tpu.memory_space<hbm>>
      %dma_start3A_504 = arith.constant 8 : i32
      %dma_start3A_505 = arith.constant 0 : i32
      %dma_start3A_506 = tpu.memref_slice %arg14[%dma_start3A_497, %dma_start3A_504, %dma_start3A_505] : memref<16x16x128xf32, #tpu.memory_space<vmem>> -> memref<1x8x128xf32, #tpu.memory_space<vmem>>
      %dma_start3A_507 = tpu.memref_squeeze %dma_start3A_506 : memref<1x8x128xf32, #tpu.memory_space<vmem>> -> memref<8x128xf32, #tpu.memory_space<vmem>>
      %dma_start3A_508 = arith.constant 8 : i32
      %dma_start3A_509 = tpu.memref_slice %arg3[%dma_start3A_508, %multiple_of3A_496] : memref<16x1000000xf32, #tpu.memory_space<hbm>> -> memref<8x128xf32, #tpu.memory_space<hbm>>
      tpu.enqueue_dma source(%dma_start3A_509 : memref<8x128xf32, #tpu.memory_space<hbm>>) target(%dma_start3A_507 : memref<8x128xf32, #tpu.memory_space<vmem>>) target_semaphore(%arg19 : memref<!tpu.dma_semaphore, #tpu.memory_space<semaphore_mem>>)
      %slice3A_510 = vector.extract_strided_slice %min3A_57 {offsets = [7], sizes = [1], strides = [1]} : vector<16xi32> to vector<1xi32>
      %squeeze3A_511 = vector.extract %slice3A_510[0] : i32 from vector<1xi32>
      %multiple_of3A_512 = tpu.assume_multiple %squeeze3A_511, 128 : i32
      %dma_start3A_513 = arith.constant 7 : i32
      %dma_start3A_514 = arith.constant 0 : i32
      %dma_start3A_515 = arith.constant 0 : i32
      %dma_start3A_516 = tpu.memref_slice %arg13[%dma_start3A_513, %dma_start3A_514, %dma_start3A_515] : memref<16x16x128xf32, #tpu.memory_space<vmem>> -> memref<1x8x128xf32, #tpu.memory_space<vmem>>
      %dma_start3A_517 = tpu.memref_squeeze %dma_start3A_516 : memref<1x8x128xf32, #tpu.memory_space<vmem>> -> memref<8x128xf32, #tpu.memory_space<vmem>>
      %dma_start3A_518 = arith.constant 0 : i32
      %dma_start3A_519 = tpu.memref_slice %arg2[%dma_start3A_518, %multiple_of3A_512] : memref<16x1000000xf32, #tpu.memory_space<hbm>> -> memref<8x128xf32, #tpu.memory_space<hbm>>
      %dma_start3A_520 = arith.constant 0 : i32
      %dma_start3A_521 = arith.constant 0 : i32
      %dma_start3A_522 = tpu.memref_slice %arg13[%dma_start3A_513, %dma_start3A_520, %dma_start3A_521] : memref<16x16x128xf32, #tpu.memory_space<vmem>> -> memref<1x8x128xf32, #tpu.memory_space<vmem>>
      %dma_start3A_523 = tpu.memref_squeeze %dma_start3A_522 : memref<1x8x128xf32, #tpu.memory_space<vmem>> -> memref<8x128xf32, #tpu.memory_space<vmem>>
      %dma_start3A_524 = arith.constant 0 : i32
      %dma_start3A_525 = tpu.memref_slice %arg2[%dma_start3A_524, %multiple_of3A_512] : memref<16x1000000xf32, #tpu.memory_space<hbm>> -> memref<8x128xf32, #tpu.memory_space<hbm>>
      tpu.enqueue_dma source(%dma_start3A_525 : memref<8x128xf32, #tpu.memory_space<hbm>>) target(%dma_start3A_523 : memref<8x128xf32, #tpu.memory_space<vmem>>) target_semaphore(%arg19 : memref<!tpu.dma_semaphore, #tpu.memory_space<semaphore_mem>>)
      %slice3A_526 = vector.extract_strided_slice %min3A_63 {offsets = [7], sizes = [1], strides = [1]} : vector<16xi32> to vector<1xi32>
      %squeeze3A_527 = vector.extract %slice3A_526[0] : i32 from vector<1xi32>
      %multiple_of3A_528 = tpu.assume_multiple %squeeze3A_527, 128 : i32
      %dma_start3A_529 = arith.constant 7 : i32
      %dma_start3A_530 = arith.constant 0 : i32
      %dma_start3A_531 = arith.constant 0 : i32
      %dma_start3A_532 = tpu.memref_slice %arg14[%dma_start3A_529, %dma_start3A_530, %dma_start3A_531] : memref<16x16x128xf32, #tpu.memory_space<vmem>> -> memref<1x8x128xf32, #tpu.memory_space<vmem>>
      %dma_start3A_533 = tpu.memref_squeeze %dma_start3A_532 : memref<1x8x128xf32, #tpu.memory_space<vmem>> -> memref<8x128xf32, #tpu.memory_space<vmem>>
      %dma_start3A_534 = arith.constant 0 : i32
      %dma_start3A_535 = tpu.memref_slice %arg3[%dma_start3A_534, %multiple_of3A_528] : memref<16x1000000xf32, #tpu.memory_space<hbm>> -> memref<8x128xf32, #tpu.memory_space<hbm>>
      %dma_start3A_536 = arith.constant 0 : i32
      %dma_start3A_537 = arith.constant 0 : i32
      %dma_start3A_538 = tpu.memref_slice %arg14[%dma_start3A_529, %dma_start3A_536, %dma_start3A_537] : memref<16x16x128xf32, #tpu.memory_space<vmem>> -> memref<1x8x128xf32, #tpu.memory_space<vmem>>
      %dma_start3A_539 = tpu.memref_squeeze %dma_start3A_538 : memref<1x8x128xf32, #tpu.memory_space<vmem>> -> memref<8x128xf32, #tpu.memory_space<vmem>>
      %dma_start3A_540 = arith.constant 0 : i32
      %dma_start3A_541 = tpu.memref_slice %arg3[%dma_start3A_540, %multiple_of3A_528] : memref<16x1000000xf32, #tpu.memory_space<hbm>> -> memref<8x128xf32, #tpu.memory_space<hbm>>
      tpu.enqueue_dma source(%dma_start3A_541 : memref<8x128xf32, #tpu.memory_space<hbm>>) target(%dma_start3A_539 : memref<8x128xf32, #tpu.memory_space<vmem>>) target_semaphore(%arg19 : memref<!tpu.dma_semaphore, #tpu.memory_space<semaphore_mem>>)
      %slice3A_542 = vector.extract_strided_slice %min3A_57 {offsets = [7], sizes = [1], strides = [1]} : vector<16xi32> to vector<1xi32>
      %squeeze3A_543 = vector.extract %slice3A_542[0] : i32 from vector<1xi32>
      %multiple_of3A_544 = tpu.assume_multiple %squeeze3A_543, 128 : i32
      %dma_start3A_545 = arith.constant 7 : i32
      %dma_start3A_546 = arith.constant 8 : i32
      %dma_start3A_547 = arith.constant 0 : i32
      %dma_start3A_548 = tpu.memref_slice %arg13[%dma_start3A_545, %dma_start3A_546, %dma_start3A_547] : memref<16x16x128xf32, #tpu.memory_space<vmem>> -> memref<1x8x128xf32, #tpu.memory_space<vmem>>
      %dma_start3A_549 = tpu.memref_squeeze %dma_start3A_548 : memref<1x8x128xf32, #tpu.memory_space<vmem>> -> memref<8x128xf32, #tpu.memory_space<vmem>>
      %dma_start3A_550 = arith.constant 8 : i32
      %dma_start3A_551 = tpu.memref_slice %arg2[%dma_start3A_550, %multiple_of3A_544] : memref<16x1000000xf32, #tpu.memory_space<hbm>> -> memref<8x128xf32, #tpu.memory_space<hbm>>
      %dma_start3A_552 = arith.constant 8 : i32
      %dma_start3A_553 = arith.constant 0 : i32
      %dma_start3A_554 = tpu.memref_slice %arg13[%dma_start3A_545, %dma_start3A_552, %dma_start3A_553] : memref<16x16x128xf32, #tpu.memory_space<vmem>> -> memref<1x8x128xf32, #tpu.memory_space<vmem>>
      %dma_start3A_555 = tpu.memref_squeeze %dma_start3A_554 : memref<1x8x128xf32, #tpu.memory_space<vmem>> -> memref<8x128xf32, #tpu.memory_space<vmem>>
      %dma_start3A_556 = arith.constant 8 : i32
      %dma_start3A_557 = tpu.memref_slice %arg2[%dma_start3A_556, %multiple_of3A_544] : memref<16x1000000xf32, #tpu.memory_space<hbm>> -> memref<8x128xf32, #tpu.memory_space<hbm>>
      tpu.enqueue_dma source(%dma_start3A_557 : memref<8x128xf32, #tpu.memory_space<hbm>>) target(%dma_start3A_555 : memref<8x128xf32, #tpu.memory_space<vmem>>) target_semaphore(%arg19 : memref<!tpu.dma_semaphore, #tpu.memory_space<semaphore_mem>>)
      %slice3A_558 = vector.extract_strided_slice %min3A_63 {offsets = [7], sizes = [1], strides = [1]} : vector<16xi32> to vector<1xi32>
      %squeeze3A_559 = vector.extract %slice3A_558[0] : i32 from vector<1xi32>
      %multiple_of3A_560 = tpu.assume_multiple %squeeze3A_559, 128 : i32
      %dma_start3A_561 = arith.constant 7 : i32
      %dma_start3A_562 = arith.constant 8 : i32
      %dma_start3A_563 = arith.constant 0 : i32
      %dma_start3A_564 = tpu.memref_slice %arg14[%dma_start3A_561, %dma_start3A_562, %dma_start3A_563] : memref<16x16x128xf32, #tpu.memory_space<vmem>> -> memref<1x8x128xf32, #tpu.memory_space<vmem>>
      %dma_start3A_565 = tpu.memref_squeeze %dma_start3A_564 : memref<1x8x128xf32, #tpu.memory_space<vmem>> -> memref<8x128xf32, #tpu.memory_space<vmem>>
      %dma_start3A_566 = arith.constant 8 : i32
      %dma_start3A_567 = tpu.memref_slice %arg3[%dma_start3A_566, %multiple_of3A_560] : memref<16x1000000xf32, #tpu.memory_space<hbm>> -> memref<8x128xf32, #tpu.memory_space<hbm>>
      %dma_start3A_568 = arith.constant 8 : i32
      %dma_start3A_569 = arith.constant 0 : i32
      %dma_start3A_570 = tpu.memref_slice %arg14[%dma_start3A_561, %dma_start3A_568, %dma_start3A_569] : memref<16x16x128xf32, #tpu.memory_space<vmem>> -> memref<1x8x128xf32, #tpu.memory_space<vmem>>
      %dma_start3A_571 = tpu.memref_squeeze %dma_start3A_570 : memref<1x8x128xf32, #tpu.memory_space<vmem>> -> memref<8x128xf32, #tpu.memory_space<vmem>>
      %dma_start3A_572 = arith.constant 8 : i32
      %dma_start3A_573 = tpu.memref_slice %arg3[%dma_start3A_572, %multiple_of3A_560] : memref<16x1000000xf32, #tpu.memory_space<hbm>> -> memref<8x128xf32, #tpu.memory_space<hbm>>
      tpu.enqueue_dma source(%dma_start3A_573 : memref<8x128xf32, #tpu.memory_space<hbm>>) target(%dma_start3A_571 : memref<8x128xf32, #tpu.memory_space<vmem>>) target_semaphore(%arg19 : memref<!tpu.dma_semaphore, #tpu.memory_space<semaphore_mem>>)
      %slice3A_574 = vector.extract_strided_slice %min3A_57 {offsets = [8], sizes = [1], strides = [1]} : vector<16xi32> to vector<1xi32>
      %squeeze3A_575 = vector.extract %slice3A_574[0] : i32 from vector<1xi32>
      %multiple_of3A_576 = tpu.assume_multiple %squeeze3A_575, 128 : i32
      %dma_start3A_577 = arith.constant 8 : i32
      %dma_start3A_578 = arith.constant 0 : i32
      %dma_start3A_579 = arith.constant 0 : i32
      %dma_start3A_580 = tpu.memref_slice %arg13[%dma_start3A_577, %dma_start3A_578, %dma_start3A_579] : memref<16x16x128xf32, #tpu.memory_space<vmem>> -> memref<1x8x128xf32, #tpu.memory_space<vmem>>
      %dma_start3A_581 = tpu.memref_squeeze %dma_start3A_580 : memref<1x8x128xf32, #tpu.memory_space<vmem>> -> memref<8x128xf32, #tpu.memory_space<vmem>>
      %dma_start3A_582 = arith.constant 0 : i32
      %dma_start3A_583 = tpu.memref_slice %arg2[%dma_start3A_582, %multiple_of3A_576] : memref<16x1000000xf32, #tpu.memory_space<hbm>> -> memref<8x128xf32, #tpu.memory_space<hbm>>
      %dma_start3A_584 = arith.constant 0 : i32
      %dma_start3A_585 = arith.constant 0 : i32
      %dma_start3A_586 = tpu.memref_slice %arg13[%dma_start3A_577, %dma_start3A_584, %dma_start3A_585] : memref<16x16x128xf32, #tpu.memory_space<vmem>> -> memref<1x8x128xf32, #tpu.memory_space<vmem>>
      %dma_start3A_587 = tpu.memref_squeeze %dma_start3A_586 : memref<1x8x128xf32, #tpu.memory_space<vmem>> -> memref<8x128xf32, #tpu.memory_space<vmem>>
      %dma_start3A_588 = arith.constant 0 : i32
      %dma_start3A_589 = tpu.memref_slice %arg2[%dma_start3A_588, %multiple_of3A_576] : memref<16x1000000xf32, #tpu.memory_space<hbm>> -> memref<8x128xf32, #tpu.memory_space<hbm>>
      tpu.enqueue_dma source(%dma_start3A_589 : memref<8x128xf32, #tpu.memory_space<hbm>>) target(%dma_start3A_587 : memref<8x128xf32, #tpu.memory_space<vmem>>) target_semaphore(%arg19 : memref<!tpu.dma_semaphore, #tpu.memory_space<semaphore_mem>>)
      %slice3A_590 = vector.extract_strided_slice %min3A_63 {offsets = [8], sizes = [1], strides = [1]} : vector<16xi32> to vector<1xi32>
      %squeeze3A_591 = vector.extract %slice3A_590[0] : i32 from vector<1xi32>
      %multiple_of3A_592 = tpu.assume_multiple %squeeze3A_591, 128 : i32
      %dma_start3A_593 = arith.constant 8 : i32
      %dma_start3A_594 = arith.constant 0 : i32
      %dma_start3A_595 = arith.constant 0 : i32
      %dma_start3A_596 = tpu.memref_slice %arg14[%dma_start3A_593, %dma_start3A_594, %dma_start3A_595] : memref<16x16x128xf32, #tpu.memory_space<vmem>> -> memref<1x8x128xf32, #tpu.memory_space<vmem>>
      %dma_start3A_597 = tpu.memref_squeeze %dma_start3A_596 : memref<1x8x128xf32, #tpu.memory_space<vmem>> -> memref<8x128xf32, #tpu.memory_space<vmem>>
      %dma_start3A_598 = arith.constant 0 : i32
      %dma_start3A_599 = tpu.memref_slice %arg3[%dma_start3A_598, %multiple_of3A_592] : memref<16x1000000xf32, #tpu.memory_space<hbm>> -> memref<8x128xf32, #tpu.memory_space<hbm>>
      %dma_start3A_600 = arith.constant 0 : i32
      %dma_start3A_601 = arith.constant 0 : i32
      %dma_start3A_602 = tpu.memref_slice %arg14[%dma_start3A_593, %dma_start3A_600, %dma_start3A_601] : memref<16x16x128xf32, #tpu.memory_space<vmem>> -> memref<1x8x128xf32, #tpu.memory_space<vmem>>
      %dma_start3A_603 = tpu.memref_squeeze %dma_start3A_602 : memref<1x8x128xf32, #tpu.memory_space<vmem>> -> memref<8x128xf32, #tpu.memory_space<vmem>>
      %dma_start3A_604 = arith.constant 0 : i32
      %dma_start3A_605 = tpu.memref_slice %arg3[%dma_start3A_604, %multiple_of3A_592] : memref<16x1000000xf32, #tpu.memory_space<hbm>> -> memref<8x128xf32, #tpu.memory_space<hbm>>
      tpu.enqueue_dma source(%dma_start3A_605 : memref<8x128xf32, #tpu.memory_space<hbm>>) target(%dma_start3A_603 : memref<8x128xf32, #tpu.memory_space<vmem>>) target_semaphore(%arg19 : memref<!tpu.dma_semaphore, #tpu.memory_space<semaphore_mem>>)
      %slice3A_606 = vector.extract_strided_slice %min3A_57 {offsets = [8], sizes = [1], strides = [1]} : vector<16xi32> to vector<1xi32>
      %squeeze3A_607 = vector.extract %slice3A_606[0] : i32 from vector<1xi32>
      %multiple_of3A_608 = tpu.assume_multiple %squeeze3A_607, 128 : i32
      %dma_start3A_609 = arith.constant 8 : i32
      %dma_start3A_610 = arith.constant 8 : i32
      %dma_start3A_611 = arith.constant 0 : i32
      %dma_start3A_612 = tpu.memref_slice %arg13[%dma_start3A_609, %dma_start3A_610, %dma_start3A_611] : memref<16x16x128xf32, #tpu.memory_space<vmem>> -> memref<1x8x128xf32, #tpu.memory_space<vmem>>
      %dma_start3A_613 = tpu.memref_squeeze %dma_start3A_612 : memref<1x8x128xf32, #tpu.memory_space<vmem>> -> memref<8x128xf32, #tpu.memory_space<vmem>>
      %dma_start3A_614 = arith.constant 8 : i32
      %dma_start3A_615 = tpu.memref_slice %arg2[%dma_start3A_614, %multiple_of3A_608] : memref<16x1000000xf32, #tpu.memory_space<hbm>> -> memref<8x128xf32, #tpu.memory_space<hbm>>
      %dma_start3A_616 = arith.constant 8 : i32
      %dma_start3A_617 = arith.constant 0 : i32
      %dma_start3A_618 = tpu.memref_slice %arg13[%dma_start3A_609, %dma_start3A_616, %dma_start3A_617] : memref<16x16x128xf32, #tpu.memory_space<vmem>> -> memref<1x8x128xf32, #tpu.memory_space<vmem>>
      %dma_start3A_619 = tpu.memref_squeeze %dma_start3A_618 : memref<1x8x128xf32, #tpu.memory_space<vmem>> -> memref<8x128xf32, #tpu.memory_space<vmem>>
      %dma_start3A_620 = arith.constant 8 : i32
      %dma_start3A_621 = tpu.memref_slice %arg2[%dma_start3A_620, %multiple_of3A_608] : memref<16x1000000xf32, #tpu.memory_space<hbm>> -> memref<8x128xf32, #tpu.memory_space<hbm>>
      tpu.enqueue_dma source(%dma_start3A_621 : memref<8x128xf32, #tpu.memory_space<hbm>>) target(%dma_start3A_619 : memref<8x128xf32, #tpu.memory_space<vmem>>) target_semaphore(%arg19 : memref<!tpu.dma_semaphore, #tpu.memory_space<semaphore_mem>>)
      %slice3A_622 = vector.extract_strided_slice %min3A_63 {offsets = [8], sizes = [1], strides = [1]} : vector<16xi32> to vector<1xi32>
      %squeeze3A_623 = vector.extract %slice3A_622[0] : i32 from vector<1xi32>
      %multiple_of3A_624 = tpu.assume_multiple %squeeze3A_623, 128 : i32
      %dma_start3A_625 = arith.constant 8 : i32
      %dma_start3A_626 = arith.constant 8 : i32
      %dma_start3A_627 = arith.constant 0 : i32
      %dma_start3A_628 = tpu.memref_slice %arg14[%dma_start3A_625, %dma_start3A_626, %dma_start3A_627] : memref<16x16x128xf32, #tpu.memory_space<vmem>> -> memref<1x8x128xf32, #tpu.memory_space<vmem>>
      %dma_start3A_629 = tpu.memref_squeeze %dma_start3A_628 : memref<1x8x128xf32, #tpu.memory_space<vmem>> -> memref<8x128xf32, #tpu.memory_space<vmem>>
      %dma_start3A_630 = arith.constant 8 : i32
      %dma_start3A_631 = tpu.memref_slice %arg3[%dma_start3A_630, %multiple_of3A_624] : memref<16x1000000xf32, #tpu.memory_space<hbm>> -> memref<8x128xf32, #tpu.memory_space<hbm>>
      %dma_start3A_632 = arith.constant 8 : i32
      %dma_start3A_633 = arith.constant 0 : i32
      %dma_start3A_634 = tpu.memref_slice %arg14[%dma_start3A_625, %dma_start3A_632, %dma_start3A_633] : memref<16x16x128xf32, #tpu.memory_space<vmem>> -> memref<1x8x128xf32, #tpu.memory_space<vmem>>
      %dma_start3A_635 = tpu.memref_squeeze %dma_start3A_634 : memref<1x8x128xf32, #tpu.memory_space<vmem>> -> memref<8x128xf32, #tpu.memory_space<vmem>>
      %dma_start3A_636 = arith.constant 8 : i32
      %dma_start3A_637 = tpu.memref_slice %arg3[%dma_start3A_636, %multiple_of3A_624] : memref<16x1000000xf32, #tpu.memory_space<hbm>> -> memref<8x128xf32, #tpu.memory_space<hbm>>
      tpu.enqueue_dma source(%dma_start3A_637 : memref<8x128xf32, #tpu.memory_space<hbm>>) target(%dma_start3A_635 : memref<8x128xf32, #tpu.memory_space<vmem>>) target_semaphore(%arg19 : memref<!tpu.dma_semaphore, #tpu.memory_space<semaphore_mem>>)
      %slice3A_638 = vector.extract_strided_slice %min3A_57 {offsets = [9], sizes = [1], strides = [1]} : vector<16xi32> to vector<1xi32>
      %squeeze3A_639 = vector.extract %slice3A_638[0] : i32 from vector<1xi32>
      %multiple_of3A_640 = tpu.assume_multiple %squeeze3A_639, 128 : i32
      %dma_start3A_641 = arith.constant 9 : i32
      %dma_start3A_642 = arith.constant 0 : i32
      %dma_start3A_643 = arith.constant 0 : i32
      %dma_start3A_644 = tpu.memref_slice %arg13[%dma_start3A_641, %dma_start3A_642, %dma_start3A_643] : memref<16x16x128xf32, #tpu.memory_space<vmem>> -> memref<1x8x128xf32, #tpu.memory_space<vmem>>
      %dma_start3A_645 = tpu.memref_squeeze %dma_start3A_644 : memref<1x8x128xf32, #tpu.memory_space<vmem>> -> memref<8x128xf32, #tpu.memory_space<vmem>>
      %dma_start3A_646 = arith.constant 0 : i32
      %dma_start3A_647 = tpu.memref_slice %arg2[%dma_start3A_646, %multiple_of3A_640] : memref<16x1000000xf32, #tpu.memory_space<hbm>> -> memref<8x128xf32, #tpu.memory_space<hbm>>
      %dma_start3A_648 = arith.constant 0 : i32
      %dma_start3A_649 = arith.constant 0 : i32
      %dma_start3A_650 = tpu.memref_slice %arg13[%dma_start3A_641, %dma_start3A_648, %dma_start3A_649] : memref<16x16x128xf32, #tpu.memory_space<vmem>> -> memref<1x8x128xf32, #tpu.memory_space<vmem>>
      %dma_start3A_651 = tpu.memref_squeeze %dma_start3A_650 : memref<1x8x128xf32, #tpu.memory_space<vmem>> -> memref<8x128xf32, #tpu.memory_space<vmem>>
      %dma_start3A_652 = arith.constant 0 : i32
      %dma_start3A_653 = tpu.memref_slice %arg2[%dma_start3A_652, %multiple_of3A_640] : memref<16x1000000xf32, #tpu.memory_space<hbm>> -> memref<8x128xf32, #tpu.memory_space<hbm>>
      tpu.enqueue_dma source(%dma_start3A_653 : memref<8x128xf32, #tpu.memory_space<hbm>>) target(%dma_start3A_651 : memref<8x128xf32, #tpu.memory_space<vmem>>) target_semaphore(%arg19 : memref<!tpu.dma_semaphore, #tpu.memory_space<semaphore_mem>>)
      %slice3A_654 = vector.extract_strided_slice %min3A_63 {offsets = [9], sizes = [1], strides = [1]} : vector<16xi32> to vector<1xi32>
      %squeeze3A_655 = vector.extract %slice3A_654[0] : i32 from vector<1xi32>
      %multiple_of3A_656 = tpu.assume_multiple %squeeze3A_655, 128 : i32
      %dma_start3A_657 = arith.constant 9 : i32
      %dma_start3A_658 = arith.constant 0 : i32
      %dma_start3A_659 = arith.constant 0 : i32
      %dma_start3A_660 = tpu.memref_slice %arg14[%dma_start3A_657, %dma_start3A_658, %dma_start3A_659] : memref<16x16x128xf32, #tpu.memory_space<vmem>> -> memref<1x8x128xf32, #tpu.memory_space<vmem>>
      %dma_start3A_661 = tpu.memref_squeeze %dma_start3A_660 : memref<1x8x128xf32, #tpu.memory_space<vmem>> -> memref<8x128xf32, #tpu.memory_space<vmem>>
      %dma_start3A_662 = arith.constant 0 : i32
      %dma_start3A_663 = tpu.memref_slice %arg3[%dma_start3A_662, %multiple_of3A_656] : memref<16x1000000xf32, #tpu.memory_space<hbm>> -> memref<8x128xf32, #tpu.memory_space<hbm>>
      %dma_start3A_664 = arith.constant 0 : i32
      %dma_start3A_665 = arith.constant 0 : i32
      %dma_start3A_666 = tpu.memref_slice %arg14[%dma_start3A_657, %dma_start3A_664, %dma_start3A_665] : memref<16x16x128xf32, #tpu.memory_space<vmem>> -> memref<1x8x128xf32, #tpu.memory_space<vmem>>
      %dma_start3A_667 = tpu.memref_squeeze %dma_start3A_666 : memref<1x8x128xf32, #tpu.memory_space<vmem>> -> memref<8x128xf32, #tpu.memory_space<vmem>>
      %dma_start3A_668 = arith.constant 0 : i32
      %dma_start3A_669 = tpu.memref_slice %arg3[%dma_start3A_668, %multiple_of3A_656] : memref<16x1000000xf32, #tpu.memory_space<hbm>> -> memref<8x128xf32, #tpu.memory_space<hbm>>
      tpu.enqueue_dma source(%dma_start3A_669 : memref<8x128xf32, #tpu.memory_space<hbm>>) target(%dma_start3A_667 : memref<8x128xf32, #tpu.memory_space<vmem>>) target_semaphore(%arg19 : memref<!tpu.dma_semaphore, #tpu.memory_space<semaphore_mem>>)
      %slice3A_670 = vector.extract_strided_slice %min3A_57 {offsets = [9], sizes = [1], strides = [1]} : vector<16xi32> to vector<1xi32>
      %squeeze3A_671 = vector.extract %slice3A_670[0] : i32 from vector<1xi32>
      %multiple_of3A_672 = tpu.assume_multiple %squeeze3A_671, 128 : i32
      %dma_start3A_673 = arith.constant 9 : i32
      %dma_start3A_674 = arith.constant 8 : i32
      %dma_start3A_675 = arith.constant 0 : i32
      %dma_start3A_676 = tpu.memref_slice %arg13[%dma_start3A_673, %dma_start3A_674, %dma_start3A_675] : memref<16x16x128xf32, #tpu.memory_space<vmem>> -> memref<1x8x128xf32, #tpu.memory_space<vmem>>
      %dma_start3A_677 = tpu.memref_squeeze %dma_start3A_676 : memref<1x8x128xf32, #tpu.memory_space<vmem>> -> memref<8x128xf32, #tpu.memory_space<vmem>>
      %dma_start3A_678 = arith.constant 8 : i32
      %dma_start3A_679 = tpu.memref_slice %arg2[%dma_start3A_678, %multiple_of3A_672] : memref<16x1000000xf32, #tpu.memory_space<hbm>> -> memref<8x128xf32, #tpu.memory_space<hbm>>
      %dma_start3A_680 = arith.constant 8 : i32
      %dma_start3A_681 = arith.constant 0 : i32
      %dma_start3A_682 = tpu.memref_slice %arg13[%dma_start3A_673, %dma_start3A_680, %dma_start3A_681] : memref<16x16x128xf32, #tpu.memory_space<vmem>> -> memref<1x8x128xf32, #tpu.memory_space<vmem>>
      %dma_start3A_683 = tpu.memref_squeeze %dma_start3A_682 : memref<1x8x128xf32, #tpu.memory_space<vmem>> -> memref<8x128xf32, #tpu.memory_space<vmem>>
      %dma_start3A_684 = arith.constant 8 : i32
      %dma_start3A_685 = tpu.memref_slice %arg2[%dma_start3A_684, %multiple_of3A_672] : memref<16x1000000xf32, #tpu.memory_space<hbm>> -> memref<8x128xf32, #tpu.memory_space<hbm>>
      tpu.enqueue_dma source(%dma_start3A_685 : memref<8x128xf32, #tpu.memory_space<hbm>>) target(%dma_start3A_683 : memref<8x128xf32, #tpu.memory_space<vmem>>) target_semaphore(%arg19 : memref<!tpu.dma_semaphore, #tpu.memory_space<semaphore_mem>>)
      %slice3A_686 = vector.extract_strided_slice %min3A_63 {offsets = [9], sizes = [1], strides = [1]} : vector<16xi32> to vector<1xi32>
      %squeeze3A_687 = vector.extract %slice3A_686[0] : i32 from vector<1xi32>
      %multiple_of3A_688 = tpu.assume_multiple %squeeze3A_687, 128 : i32
      %dma_start3A_689 = arith.constant 9 : i32
      %dma_start3A_690 = arith.constant 8 : i32
      %dma_start3A_691 = arith.constant 0 : i32
      %dma_start3A_692 = tpu.memref_slice %arg14[%dma_start3A_689, %dma_start3A_690, %dma_start3A_691] : memref<16x16x128xf32, #tpu.memory_space<vmem>> -> memref<1x8x128xf32, #tpu.memory_space<vmem>>
      %dma_start3A_693 = tpu.memref_squeeze %dma_start3A_692 : memref<1x8x128xf32, #tpu.memory_space<vmem>> -> memref<8x128xf32, #tpu.memory_space<vmem>>
      %dma_start3A_694 = arith.constant 8 : i32
      %dma_start3A_695 = tpu.memref_slice %arg3[%dma_start3A_694, %multiple_of3A_688] : memref<16x1000000xf32, #tpu.memory_space<hbm>> -> memref<8x128xf32, #tpu.memory_space<hbm>>
      %dma_start3A_696 = arith.constant 8 : i32
      %dma_start3A_697 = arith.constant 0 : i32
      %dma_start3A_698 = tpu.memref_slice %arg14[%dma_start3A_689, %dma_start3A_696, %dma_start3A_697] : memref<16x16x128xf32, #tpu.memory_space<vmem>> -> memref<1x8x128xf32, #tpu.memory_space<vmem>>
      %dma_start3A_699 = tpu.memref_squeeze %dma_start3A_698 : memref<1x8x128xf32, #tpu.memory_space<vmem>> -> memref<8x128xf32, #tpu.memory_space<vmem>>
      %dma_start3A_700 = arith.constant 8 : i32
      %dma_start3A_701 = tpu.memref_slice %arg3[%dma_start3A_700, %multiple_of3A_688] : memref<16x1000000xf32, #tpu.memory_space<hbm>> -> memref<8x128xf32, #tpu.memory_space<hbm>>
      tpu.enqueue_dma source(%dma_start3A_701 : memref<8x128xf32, #tpu.memory_space<hbm>>) target(%dma_start3A_699 : memref<8x128xf32, #tpu.memory_space<vmem>>) target_semaphore(%arg19 : memref<!tpu.dma_semaphore, #tpu.memory_space<semaphore_mem>>)
      %slice3A_702 = vector.extract_strided_slice %min3A_57 {offsets = [10], sizes = [1], strides = [1]} : vector<16xi32> to vector<1xi32>
      %squeeze3A_703 = vector.extract %slice3A_702[0] : i32 from vector<1xi32>
      %multiple_of3A_704 = tpu.assume_multiple %squeeze3A_703, 128 : i32
      %dma_start3A_705 = arith.constant 10 : i32
      %dma_start3A_706 = arith.constant 0 : i32
      %dma_start3A_707 = arith.constant 0 : i32
      %dma_start3A_708 = tpu.memref_slice %arg13[%dma_start3A_705, %dma_start3A_706, %dma_start3A_707] : memref<16x16x128xf32, #tpu.memory_space<vmem>> -> memref<1x8x128xf32, #tpu.memory_space<vmem>>
      %dma_start3A_709 = tpu.memref_squeeze %dma_start3A_708 : memref<1x8x128xf32, #tpu.memory_space<vmem>> -> memref<8x128xf32, #tpu.memory_space<vmem>>
      %dma_start3A_710 = arith.constant 0 : i32
      %dma_start3A_711 = tpu.memref_slice %arg2[%dma_start3A_710, %multiple_of3A_704] : memref<16x1000000xf32, #tpu.memory_space<hbm>> -> memref<8x128xf32, #tpu.memory_space<hbm>>
      %dma_start3A_712 = arith.constant 0 : i32
      %dma_start3A_713 = arith.constant 0 : i32
      %dma_start3A_714 = tpu.memref_slice %arg13[%dma_start3A_705, %dma_start3A_712, %dma_start3A_713] : memref<16x16x128xf32, #tpu.memory_space<vmem>> -> memref<1x8x128xf32, #tpu.memory_space<vmem>>
      %dma_start3A_715 = tpu.memref_squeeze %dma_start3A_714 : memref<1x8x128xf32, #tpu.memory_space<vmem>> -> memref<8x128xf32, #tpu.memory_space<vmem>>
      %dma_start3A_716 = arith.constant 0 : i32
      %dma_start3A_717 = tpu.memref_slice %arg2[%dma_start3A_716, %multiple_of3A_704] : memref<16x1000000xf32, #tpu.memory_space<hbm>> -> memref<8x128xf32, #tpu.memory_space<hbm>>
      tpu.enqueue_dma source(%dma_start3A_717 : memref<8x128xf32, #tpu.memory_space<hbm>>) target(%dma_start3A_715 : memref<8x128xf32, #tpu.memory_space<vmem>>) target_semaphore(%arg19 : memref<!tpu.dma_semaphore, #tpu.memory_space<semaphore_mem>>)
      %slice3A_718 = vector.extract_strided_slice %min3A_63 {offsets = [10], sizes = [1], strides = [1]} : vector<16xi32> to vector<1xi32>
      %squeeze3A_719 = vector.extract %slice3A_718[0] : i32 from vector<1xi32>
      %multiple_of3A_720 = tpu.assume_multiple %squeeze3A_719, 128 : i32
      %dma_start3A_721 = arith.constant 10 : i32
      %dma_start3A_722 = arith.constant 0 : i32
      %dma_start3A_723 = arith.constant 0 : i32
      %dma_start3A_724 = tpu.memref_slice %arg14[%dma_start3A_721, %dma_start3A_722, %dma_start3A_723] : memref<16x16x128xf32, #tpu.memory_space<vmem>> -> memref<1x8x128xf32, #tpu.memory_space<vmem>>
      %dma_start3A_725 = tpu.memref_squeeze %dma_start3A_724 : memref<1x8x128xf32, #tpu.memory_space<vmem>> -> memref<8x128xf32, #tpu.memory_space<vmem>>
      %dma_start3A_726 = arith.constant 0 : i32
      %dma_start3A_727 = tpu.memref_slice %arg3[%dma_start3A_726, %multiple_of3A_720] : memref<16x1000000xf32, #tpu.memory_space<hbm>> -> memref<8x128xf32, #tpu.memory_space<hbm>>
      %dma_start3A_728 = arith.constant 0 : i32
      %dma_start3A_729 = arith.constant 0 : i32
      %dma_start3A_730 = tpu.memref_slice %arg14[%dma_start3A_721, %dma_start3A_728, %dma_start3A_729] : memref<16x16x128xf32, #tpu.memory_space<vmem>> -> memref<1x8x128xf32, #tpu.memory_space<vmem>>
      %dma_start3A_731 = tpu.memref_squeeze %dma_start3A_730 : memref<1x8x128xf32, #tpu.memory_space<vmem>> -> memref<8x128xf32, #tpu.memory_space<vmem>>
      %dma_start3A_732 = arith.constant 0 : i32
      %dma_start3A_733 = tpu.memref_slice %arg3[%dma_start3A_732, %multiple_of3A_720] : memref<16x1000000xf32, #tpu.memory_space<hbm>> -> memref<8x128xf32, #tpu.memory_space<hbm>>
      tpu.enqueue_dma source(%dma_start3A_733 : memref<8x128xf32, #tpu.memory_space<hbm>>) target(%dma_start3A_731 : memref<8x128xf32, #tpu.memory_space<vmem>>) target_semaphore(%arg19 : memref<!tpu.dma_semaphore, #tpu.memory_space<semaphore_mem>>)
      %slice3A_734 = vector.extract_strided_slice %min3A_57 {offsets = [10], sizes = [1], strides = [1]} : vector<16xi32> to vector<1xi32>
      %squeeze3A_735 = vector.extract %slice3A_734[0] : i32 from vector<1xi32>
      %multiple_of3A_736 = tpu.assume_multiple %squeeze3A_735, 128 : i32
      %dma_start3A_737 = arith.constant 10 : i32
      %dma_start3A_738 = arith.constant 8 : i32
      %dma_start3A_739 = arith.constant 0 : i32
      %dma_start3A_740 = tpu.memref_slice %arg13[%dma_start3A_737, %dma_start3A_738, %dma_start3A_739] : memref<16x16x128xf32, #tpu.memory_space<vmem>> -> memref<1x8x128xf32, #tpu.memory_space<vmem>>
      %dma_start3A_741 = tpu.memref_squeeze %dma_start3A_740 : memref<1x8x128xf32, #tpu.memory_space<vmem>> -> memref<8x128xf32, #tpu.memory_space<vmem>>
      %dma_start3A_742 = arith.constant 8 : i32
      %dma_start3A_743 = tpu.memref_slice %arg2[%dma_start3A_742, %multiple_of3A_736] : memref<16x1000000xf32, #tpu.memory_space<hbm>> -> memref<8x128xf32, #tpu.memory_space<hbm>>
      %dma_start3A_744 = arith.constant 8 : i32
      %dma_start3A_745 = arith.constant 0 : i32
      %dma_start3A_746 = tpu.memref_slice %arg13[%dma_start3A_737, %dma_start3A_744, %dma_start3A_745] : memref<16x16x128xf32, #tpu.memory_space<vmem>> -> memref<1x8x128xf32, #tpu.memory_space<vmem>>
      %dma_start3A_747 = tpu.memref_squeeze %dma_start3A_746 : memref<1x8x128xf32, #tpu.memory_space<vmem>> -> memref<8x128xf32, #tpu.memory_space<vmem>>
      %dma_start3A_748 = arith.constant 8 : i32
      %dma_start3A_749 = tpu.memref_slice %arg2[%dma_start3A_748, %multiple_of3A_736] : memref<16x1000000xf32, #tpu.memory_space<hbm>> -> memref<8x128xf32, #tpu.memory_space<hbm>>
      tpu.enqueue_dma source(%dma_start3A_749 : memref<8x128xf32, #tpu.memory_space<hbm>>) target(%dma_start3A_747 : memref<8x128xf32, #tpu.memory_space<vmem>>) target_semaphore(%arg19 : memref<!tpu.dma_semaphore, #tpu.memory_space<semaphore_mem>>)
      %slice3A_750 = vector.extract_strided_slice %min3A_63 {offsets = [10], sizes = [1], strides = [1]} : vector<16xi32> to vector<1xi32>
      %squeeze3A_751 = vector.extract %slice3A_750[0] : i32 from vector<1xi32>
      %multiple_of3A_752 = tpu.assume_multiple %squeeze3A_751, 128 : i32
      %dma_start3A_753 = arith.constant 10 : i32
      %dma_start3A_754 = arith.constant 8 : i32
      %dma_start3A_755 = arith.constant 0 : i32
      %dma_start3A_756 = tpu.memref_slice %arg14[%dma_start3A_753, %dma_start3A_754, %dma_start3A_755] : memref<16x16x128xf32, #tpu.memory_space<vmem>> -> memref<1x8x128xf32, #tpu.memory_space<vmem>>
      %dma_start3A_757 = tpu.memref_squeeze %dma_start3A_756 : memref<1x8x128xf32, #tpu.memory_space<vmem>> -> memref<8x128xf32, #tpu.memory_space<vmem>>
      %dma_start3A_758 = arith.constant 8 : i32
      %dma_start3A_759 = tpu.memref_slice %arg3[%dma_start3A_758, %multiple_of3A_752] : memref<16x1000000xf32, #tpu.memory_space<hbm>> -> memref<8x128xf32, #tpu.memory_space<hbm>>
      %dma_start3A_760 = arith.constant 8 : i32
      %dma_start3A_761 = arith.constant 0 : i32
      %dma_start3A_762 = tpu.memref_slice %arg14[%dma_start3A_753, %dma_start3A_760, %dma_start3A_761] : memref<16x16x128xf32, #tpu.memory_space<vmem>> -> memref<1x8x128xf32, #tpu.memory_space<vmem>>
      %dma_start3A_763 = tpu.memref_squeeze %dma_start3A_762 : memref<1x8x128xf32, #tpu.memory_space<vmem>> -> memref<8x128xf32, #tpu.memory_space<vmem>>
      %dma_start3A_764 = arith.constant 8 : i32
      %dma_start3A_765 = tpu.memref_slice %arg3[%dma_start3A_764, %multiple_of3A_752] : memref<16x1000000xf32, #tpu.memory_space<hbm>> -> memref<8x128xf32, #tpu.memory_space<hbm>>
      tpu.enqueue_dma source(%dma_start3A_765 : memref<8x128xf32, #tpu.memory_space<hbm>>) target(%dma_start3A_763 : memref<8x128xf32, #tpu.memory_space<vmem>>) target_semaphore(%arg19 : memref<!tpu.dma_semaphore, #tpu.memory_space<semaphore_mem>>)
      %slice3A_766 = vector.extract_strided_slice %min3A_57 {offsets = [11], sizes = [1], strides = [1]} : vector<16xi32> to vector<1xi32>
      %squeeze3A_767 = vector.extract %slice3A_766[0] : i32 from vector<1xi32>
      %multiple_of3A_768 = tpu.assume_multiple %squeeze3A_767, 128 : i32
      %dma_start3A_769 = arith.constant 11 : i32
      %dma_start3A_770 = arith.constant 0 : i32
      %dma_start3A_771 = arith.constant 0 : i32
      %dma_start3A_772 = tpu.memref_slice %arg13[%dma_start3A_769, %dma_start3A_770, %dma_start3A_771] : memref<16x16x128xf32, #tpu.memory_space<vmem>> -> memref<1x8x128xf32, #tpu.memory_space<vmem>>
      %dma_start3A_773 = tpu.memref_squeeze %dma_start3A_772 : memref<1x8x128xf32, #tpu.memory_space<vmem>> -> memref<8x128xf32, #tpu.memory_space<vmem>>
      %dma_start3A_774 = arith.constant 0 : i32
      %dma_start3A_775 = tpu.memref_slice %arg2[%dma_start3A_774, %multiple_of3A_768] : memref<16x1000000xf32, #tpu.memory_space<hbm>> -> memref<8x128xf32, #tpu.memory_space<hbm>>
      %dma_start3A_776 = arith.constant 0 : i32
      %dma_start3A_777 = arith.constant 0 : i32
      %dma_start3A_778 = tpu.memref_slice %arg13[%dma_start3A_769, %dma_start3A_776, %dma_start3A_777] : memref<16x16x128xf32, #tpu.memory_space<vmem>> -> memref<1x8x128xf32, #tpu.memory_space<vmem>>
      %dma_start3A_779 = tpu.memref_squeeze %dma_start3A_778 : memref<1x8x128xf32, #tpu.memory_space<vmem>> -> memref<8x128xf32, #tpu.memory_space<vmem>>
      %dma_start3A_780 = arith.constant 0 : i32
      %dma_start3A_781 = tpu.memref_slice %arg2[%dma_start3A_780, %multiple_of3A_768] : memref<16x1000000xf32, #tpu.memory_space<hbm>> -> memref<8x128xf32, #tpu.memory_space<hbm>>
      tpu.enqueue_dma source(%dma_start3A_781 : memref<8x128xf32, #tpu.memory_space<hbm>>) target(%dma_start3A_779 : memref<8x128xf32, #tpu.memory_space<vmem>>) target_semaphore(%arg19 : memref<!tpu.dma_semaphore, #tpu.memory_space<semaphore_mem>>)
      %slice3A_782 = vector.extract_strided_slice %min3A_63 {offsets = [11], sizes = [1], strides = [1]} : vector<16xi32> to vector<1xi32>
      %squeeze3A_783 = vector.extract %slice3A_782[0] : i32 from vector<1xi32>
      %multiple_of3A_784 = tpu.assume_multiple %squeeze3A_783, 128 : i32
      %dma_start3A_785 = arith.constant 11 : i32
      %dma_start3A_786 = arith.constant 0 : i32
      %dma_start3A_787 = arith.constant 0 : i32
      %dma_start3A_788 = tpu.memref_slice %arg14[%dma_start3A_785, %dma_start3A_786, %dma_start3A_787] : memref<16x16x128xf32, #tpu.memory_space<vmem>> -> memref<1x8x128xf32, #tpu.memory_space<vmem>>
      %dma_start3A_789 = tpu.memref_squeeze %dma_start3A_788 : memref<1x8x128xf32, #tpu.memory_space<vmem>> -> memref<8x128xf32, #tpu.memory_space<vmem>>
      %dma_start3A_790 = arith.constant 0 : i32
      %dma_start3A_791 = tpu.memref_slice %arg3[%dma_start3A_790, %multiple_of3A_784] : memref<16x1000000xf32, #tpu.memory_space<hbm>> -> memref<8x128xf32, #tpu.memory_space<hbm>>
      %dma_start3A_792 = arith.constant 0 : i32
      %dma_start3A_793 = arith.constant 0 : i32
      %dma_start3A_794 = tpu.memref_slice %arg14[%dma_start3A_785, %dma_start3A_792, %dma_start3A_793] : memref<16x16x128xf32, #tpu.memory_space<vmem>> -> memref<1x8x128xf32, #tpu.memory_space<vmem>>
      %dma_start3A_795 = tpu.memref_squeeze %dma_start3A_794 : memref<1x8x128xf32, #tpu.memory_space<vmem>> -> memref<8x128xf32, #tpu.memory_space<vmem>>
      %dma_start3A_796 = arith.constant 0 : i32
      %dma_start3A_797 = tpu.memref_slice %arg3[%dma_start3A_796, %multiple_of3A_784] : memref<16x1000000xf32, #tpu.memory_space<hbm>> -> memref<8x128xf32, #tpu.memory_space<hbm>>
      tpu.enqueue_dma source(%dma_start3A_797 : memref<8x128xf32, #tpu.memory_space<hbm>>) target(%dma_start3A_795 : memref<8x128xf32, #tpu.memory_space<vmem>>) target_semaphore(%arg19 : memref<!tpu.dma_semaphore, #tpu.memory_space<semaphore_mem>>)
      %slice3A_798 = vector.extract_strided_slice %min3A_57 {offsets = [11], sizes = [1], strides = [1]} : vector<16xi32> to vector<1xi32>
      %squeeze3A_799 = vector.extract %slice3A_798[0] : i32 from vector<1xi32>
      %multiple_of3A_800 = tpu.assume_multiple %squeeze3A_799, 128 : i32
      %dma_start3A_801 = arith.constant 11 : i32
      %dma_start3A_802 = arith.constant 8 : i32
      %dma_start3A_803 = arith.constant 0 : i32
      %dma_start3A_804 = tpu.memref_slice %arg13[%dma_start3A_801, %dma_start3A_802, %dma_start3A_803] : memref<16x16x128xf32, #tpu.memory_space<vmem>> -> memref<1x8x128xf32, #tpu.memory_space<vmem>>
      %dma_start3A_805 = tpu.memref_squeeze %dma_start3A_804 : memref<1x8x128xf32, #tpu.memory_space<vmem>> -> memref<8x128xf32, #tpu.memory_space<vmem>>
      %dma_start3A_806 = arith.constant 8 : i32
      %dma_start3A_807 = tpu.memref_slice %arg2[%dma_start3A_806, %multiple_of3A_800] : memref<16x1000000xf32, #tpu.memory_space<hbm>> -> memref<8x128xf32, #tpu.memory_space<hbm>>
      %dma_start3A_808 = arith.constant 8 : i32
      %dma_start3A_809 = arith.constant 0 : i32
      %dma_start3A_810 = tpu.memref_slice %arg13[%dma_start3A_801, %dma_start3A_808, %dma_start3A_809] : memref<16x16x128xf32, #tpu.memory_space<vmem>> -> memref<1x8x128xf32, #tpu.memory_space<vmem>>
      %dma_start3A_811 = tpu.memref_squeeze %dma_start3A_810 : memref<1x8x128xf32, #tpu.memory_space<vmem>> -> memref<8x128xf32, #tpu.memory_space<vmem>>
      %dma_start3A_812 = arith.constant 8 : i32
      %dma_start3A_813 = tpu.memref_slice %arg2[%dma_start3A_812, %multiple_of3A_800] : memref<16x1000000xf32, #tpu.memory_space<hbm>> -> memref<8x128xf32, #tpu.memory_space<hbm>>
      tpu.enqueue_dma source(%dma_start3A_813 : memref<8x128xf32, #tpu.memory_space<hbm>>) target(%dma_start3A_811 : memref<8x128xf32, #tpu.memory_space<vmem>>) target_semaphore(%arg19 : memref<!tpu.dma_semaphore, #tpu.memory_space<semaphore_mem>>)
      %slice3A_814 = vector.extract_strided_slice %min3A_63 {offsets = [11], sizes = [1], strides = [1]} : vector<16xi32> to vector<1xi32>
      %squeeze3A_815 = vector.extract %slice3A_814[0] : i32 from vector<1xi32>
      %multiple_of3A_816 = tpu.assume_multiple %squeeze3A_815, 128 : i32
      %dma_start3A_817 = arith.constant 11 : i32
      %dma_start3A_818 = arith.constant 8 : i32
      %dma_start3A_819 = arith.constant 0 : i32
      %dma_start3A_820 = tpu.memref_slice %arg14[%dma_start3A_817, %dma_start3A_818, %dma_start3A_819] : memref<16x16x128xf32, #tpu.memory_space<vmem>> -> memref<1x8x128xf32, #tpu.memory_space<vmem>>
      %dma_start3A_821 = tpu.memref_squeeze %dma_start3A_820 : memref<1x8x128xf32, #tpu.memory_space<vmem>> -> memref<8x128xf32, #tpu.memory_space<vmem>>
      %dma_start3A_822 = arith.constant 8 : i32
      %dma_start3A_823 = tpu.memref_slice %arg3[%dma_start3A_822, %multiple_of3A_816] : memref<16x1000000xf32, #tpu.memory_space<hbm>> -> memref<8x128xf32, #tpu.memory_space<hbm>>
      %dma_start3A_824 = arith.constant 8 : i32
      %dma_start3A_825 = arith.constant 0 : i32
      %dma_start3A_826 = tpu.memref_slice %arg14[%dma_start3A_817, %dma_start3A_824, %dma_start3A_825] : memref<16x16x128xf32, #tpu.memory_space<vmem>> -> memref<1x8x128xf32, #tpu.memory_space<vmem>>
      %dma_start3A_827 = tpu.memref_squeeze %dma_start3A_826 : memref<1x8x128xf32, #tpu.memory_space<vmem>> -> memref<8x128xf32, #tpu.memory_space<vmem>>
      %dma_start3A_828 = arith.constant 8 : i32
      %dma_start3A_829 = tpu.memref_slice %arg3[%dma_start3A_828, %multiple_of3A_816] : memref<16x1000000xf32, #tpu.memory_space<hbm>> -> memref<8x128xf32, #tpu.memory_space<hbm>>
      tpu.enqueue_dma source(%dma_start3A_829 : memref<8x128xf32, #tpu.memory_space<hbm>>) target(%dma_start3A_827 : memref<8x128xf32, #tpu.memory_space<vmem>>) target_semaphore(%arg19 : memref<!tpu.dma_semaphore, #tpu.memory_space<semaphore_mem>>)
      %slice3A_830 = vector.extract_strided_slice %min3A_57 {offsets = [12], sizes = [1], strides = [1]} : vector<16xi32> to vector<1xi32>
      %squeeze3A_831 = vector.extract %slice3A_830[0] : i32 from vector<1xi32>
      %multiple_of3A_832 = tpu.assume_multiple %squeeze3A_831, 128 : i32
      %dma_start3A_833 = arith.constant 12 : i32
      %dma_start3A_834 = arith.constant 0 : i32
      %dma_start3A_835 = arith.constant 0 : i32
      %dma_start3A_836 = tpu.memref_slice %arg13[%dma_start3A_833, %dma_start3A_834, %dma_start3A_835] : memref<16x16x128xf32, #tpu.memory_space<vmem>> -> memref<1x8x128xf32, #tpu.memory_space<vmem>>
      %dma_start3A_837 = tpu.memref_squeeze %dma_start3A_836 : memref<1x8x128xf32, #tpu.memory_space<vmem>> -> memref<8x128xf32, #tpu.memory_space<vmem>>
      %dma_start3A_838 = arith.constant 0 : i32
      %dma_start3A_839 = tpu.memref_slice %arg2[%dma_start3A_838, %multiple_of3A_832] : memref<16x1000000xf32, #tpu.memory_space<hbm>> -> memref<8x128xf32, #tpu.memory_space<hbm>>
      %dma_start3A_840 = arith.constant 0 : i32
      %dma_start3A_841 = arith.constant 0 : i32
      %dma_start3A_842 = tpu.memref_slice %arg13[%dma_start3A_833, %dma_start3A_840, %dma_start3A_841] : memref<16x16x128xf32, #tpu.memory_space<vmem>> -> memref<1x8x128xf32, #tpu.memory_space<vmem>>
      %dma_start3A_843 = tpu.memref_squeeze %dma_start3A_842 : memref<1x8x128xf32, #tpu.memory_space<vmem>> -> memref<8x128xf32, #tpu.memory_space<vmem>>
      %dma_start3A_844 = arith.constant 0 : i32
      %dma_start3A_845 = tpu.memref_slice %arg2[%dma_start3A_844, %multiple_of3A_832] : memref<16x1000000xf32, #tpu.memory_space<hbm>> -> memref<8x128xf32, #tpu.memory_space<hbm>>
      tpu.enqueue_dma source(%dma_start3A_845 : memref<8x128xf32, #tpu.memory_space<hbm>>) target(%dma_start3A_843 : memref<8x128xf32, #tpu.memory_space<vmem>>) target_semaphore(%arg19 : memref<!tpu.dma_semaphore, #tpu.memory_space<semaphore_mem>>)
      %slice3A_846 = vector.extract_strided_slice %min3A_63 {offsets = [12], sizes = [1], strides = [1]} : vector<16xi32> to vector<1xi32>
      %squeeze3A_847 = vector.extract %slice3A_846[0] : i32 from vector<1xi32>
      %multiple_of3A_848 = tpu.assume_multiple %squeeze3A_847, 128 : i32
      %dma_start3A_849 = arith.constant 12 : i32
      %dma_start3A_850 = arith.constant 0 : i32
      %dma_start3A_851 = arith.constant 0 : i32
      %dma_start3A_852 = tpu.memref_slice %arg14[%dma_start3A_849, %dma_start3A_850, %dma_start3A_851] : memref<16x16x128xf32, #tpu.memory_space<vmem>> -> memref<1x8x128xf32, #tpu.memory_space<vmem>>
      %dma_start3A_853 = tpu.memref_squeeze %dma_start3A_852 : memref<1x8x128xf32, #tpu.memory_space<vmem>> -> memref<8x128xf32, #tpu.memory_space<vmem>>
      %dma_start3A_854 = arith.constant 0 : i32
      %dma_start3A_855 = tpu.memref_slice %arg3[%dma_start3A_854, %multiple_of3A_848] : memref<16x1000000xf32, #tpu.memory_space<hbm>> -> memref<8x128xf32, #tpu.memory_space<hbm>>
      %dma_start3A_856 = arith.constant 0 : i32
      %dma_start3A_857 = arith.constant 0 : i32
      %dma_start3A_858 = tpu.memref_slice %arg14[%dma_start3A_849, %dma_start3A_856, %dma_start3A_857] : memref<16x16x128xf32, #tpu.memory_space<vmem>> -> memref<1x8x128xf32, #tpu.memory_space<vmem>>
      %dma_start3A_859 = tpu.memref_squeeze %dma_start3A_858 : memref<1x8x128xf32, #tpu.memory_space<vmem>> -> memref<8x128xf32, #tpu.memory_space<vmem>>
      %dma_start3A_860 = arith.constant 0 : i32
      %dma_start3A_861 = tpu.memref_slice %arg3[%dma_start3A_860, %multiple_of3A_848] : memref<16x1000000xf32, #tpu.memory_space<hbm>> -> memref<8x128xf32, #tpu.memory_space<hbm>>
      tpu.enqueue_dma source(%dma_start3A_861 : memref<8x128xf32, #tpu.memory_space<hbm>>) target(%dma_start3A_859 : memref<8x128xf32, #tpu.memory_space<vmem>>) target_semaphore(%arg19 : memref<!tpu.dma_semaphore, #tpu.memory_space<semaphore_mem>>)
      %slice3A_862 = vector.extract_strided_slice %min3A_57 {offsets = [12], sizes = [1], strides = [1]} : vector<16xi32> to vector<1xi32>
      %squeeze3A_863 = vector.extract %slice3A_862[0] : i32 from vector<1xi32>
      %multiple_of3A_864 = tpu.assume_multiple %squeeze3A_863, 128 : i32
      %dma_start3A_865 = arith.constant 12 : i32
      %dma_start3A_866 = arith.constant 8 : i32
      %dma_start3A_867 = arith.constant 0 : i32
      %dma_start3A_868 = tpu.memref_slice %arg13[%dma_start3A_865, %dma_start3A_866, %dma_start3A_867] : memref<16x16x128xf32, #tpu.memory_space<vmem>> -> memref<1x8x128xf32, #tpu.memory_space<vmem>>
      %dma_start3A_869 = tpu.memref_squeeze %dma_start3A_868 : memref<1x8x128xf32, #tpu.memory_space<vmem>> -> memref<8x128xf32, #tpu.memory_space<vmem>>
      %dma_start3A_870 = arith.constant 8 : i32
      %dma_start3A_871 = tpu.memref_slice %arg2[%dma_start3A_870, %multiple_of3A_864] : memref<16x1000000xf32, #tpu.memory_space<hbm>> -> memref<8x128xf32, #tpu.memory_space<hbm>>
      %dma_start3A_872 = arith.constant 8 : i32
      %dma_start3A_873 = arith.constant 0 : i32
      %dma_start3A_874 = tpu.memref_slice %arg13[%dma_start3A_865, %dma_start3A_872, %dma_start3A_873] : memref<16x16x128xf32, #tpu.memory_space<vmem>> -> memref<1x8x128xf32, #tpu.memory_space<vmem>>
      %dma_start3A_875 = tpu.memref_squeeze %dma_start3A_874 : memref<1x8x128xf32, #tpu.memory_space<vmem>> -> memref<8x128xf32, #tpu.memory_space<vmem>>
      %dma_start3A_876 = arith.constant 8 : i32
      %dma_start3A_877 = tpu.memref_slice %arg2[%dma_start3A_876, %multiple_of3A_864] : memref<16x1000000xf32, #tpu.memory_space<hbm>> -> memref<8x128xf32, #tpu.memory_space<hbm>>
      tpu.enqueue_dma source(%dma_start3A_877 : memref<8x128xf32, #tpu.memory_space<hbm>>) target(%dma_start3A_875 : memref<8x128xf32, #tpu.memory_space<vmem>>) target_semaphore(%arg19 : memref<!tpu.dma_semaphore, #tpu.memory_space<semaphore_mem>>)
      %slice3A_878 = vector.extract_strided_slice %min3A_63 {offsets = [12], sizes = [1], strides = [1]} : vector<16xi32> to vector<1xi32>
      %squeeze3A_879 = vector.extract %slice3A_878[0] : i32 from vector<1xi32>
      %multiple_of3A_880 = tpu.assume_multiple %squeeze3A_879, 128 : i32
      %dma_start3A_881 = arith.constant 12 : i32
      %dma_start3A_882 = arith.constant 8 : i32
      %dma_start3A_883 = arith.constant 0 : i32
      %dma_start3A_884 = tpu.memref_slice %arg14[%dma_start3A_881, %dma_start3A_882, %dma_start3A_883] : memref<16x16x128xf32, #tpu.memory_space<vmem>> -> memref<1x8x128xf32, #tpu.memory_space<vmem>>
      %dma_start3A_885 = tpu.memref_squeeze %dma_start3A_884 : memref<1x8x128xf32, #tpu.memory_space<vmem>> -> memref<8x128xf32, #tpu.memory_space<vmem>>
      %dma_start3A_886 = arith.constant 8 : i32
      %dma_start3A_887 = tpu.memref_slice %arg3[%dma_start3A_886, %multiple_of3A_880] : memref<16x1000000xf32, #tpu.memory_space<hbm>> -> memref<8x128xf32, #tpu.memory_space<hbm>>
      %dma_start3A_888 = arith.constant 8 : i32
      %dma_start3A_889 = arith.constant 0 : i32
      %dma_start3A_890 = tpu.memref_slice %arg14[%dma_start3A_881, %dma_start3A_888, %dma_start3A_889] : memref<16x16x128xf32, #tpu.memory_space<vmem>> -> memref<1x8x128xf32, #tpu.memory_space<vmem>>
      %dma_start3A_891 = tpu.memref_squeeze %dma_start3A_890 : memref<1x8x128xf32, #tpu.memory_space<vmem>> -> memref<8x128xf32, #tpu.memory_space<vmem>>
      %dma_start3A_892 = arith.constant 8 : i32
      %dma_start3A_893 = tpu.memref_slice %arg3[%dma_start3A_892, %multiple_of3A_880] : memref<16x1000000xf32, #tpu.memory_space<hbm>> -> memref<8x128xf32, #tpu.memory_space<hbm>>
      tpu.enqueue_dma source(%dma_start3A_893 : memref<8x128xf32, #tpu.memory_space<hbm>>) target(%dma_start3A_891 : memref<8x128xf32, #tpu.memory_space<vmem>>) target_semaphore(%arg19 : memref<!tpu.dma_semaphore, #tpu.memory_space<semaphore_mem>>)
      %slice3A_894 = vector.extract_strided_slice %min3A_57 {offsets = [13], sizes = [1], strides = [1]} : vector<16xi32> to vector<1xi32>
      %squeeze3A_895 = vector.extract %slice3A_894[0] : i32 from vector<1xi32>
      %multiple_of3A_896 = tpu.assume_multiple %squeeze3A_895, 128 : i32
      %dma_start3A_897 = arith.constant 13 : i32
      %dma_start3A_898 = arith.constant 0 : i32
      %dma_start3A_899 = arith.constant 0 : i32
      %dma_start3A_900 = tpu.memref_slice %arg13[%dma_start3A_897, %dma_start3A_898, %dma_start3A_899] : memref<16x16x128xf32, #tpu.memory_space<vmem>> -> memref<1x8x128xf32, #tpu.memory_space<vmem>>
      %dma_start3A_901 = tpu.memref_squeeze %dma_start3A_900 : memref<1x8x128xf32, #tpu.memory_space<vmem>> -> memref<8x128xf32, #tpu.memory_space<vmem>>
      %dma_start3A_902 = arith.constant 0 : i32
      %dma_start3A_903 = tpu.memref_slice %arg2[%dma_start3A_902, %multiple_of3A_896] : memref<16x1000000xf32, #tpu.memory_space<hbm>> -> memref<8x128xf32, #tpu.memory_space<hbm>>
      %dma_start3A_904 = arith.constant 0 : i32
      %dma_start3A_905 = arith.constant 0 : i32
      %dma_start3A_906 = tpu.memref_slice %arg13[%dma_start3A_897, %dma_start3A_904, %dma_start3A_905] : memref<16x16x128xf32, #tpu.memory_space<vmem>> -> memref<1x8x128xf32, #tpu.memory_space<vmem>>
      %dma_start3A_907 = tpu.memref_squeeze %dma_start3A_906 : memref<1x8x128xf32, #tpu.memory_space<vmem>> -> memref<8x128xf32, #tpu.memory_space<vmem>>
      %dma_start3A_908 = arith.constant 0 : i32
      %dma_start3A_909 = tpu.memref_slice %arg2[%dma_start3A_908, %multiple_of3A_896] : memref<16x1000000xf32, #tpu.memory_space<hbm>> -> memref<8x128xf32, #tpu.memory_space<hbm>>
      tpu.enqueue_dma source(%dma_start3A_909 : memref<8x128xf32, #tpu.memory_space<hbm>>) target(%dma_start3A_907 : memref<8x128xf32, #tpu.memory_space<vmem>>) target_semaphore(%arg19 : memref<!tpu.dma_semaphore, #tpu.memory_space<semaphore_mem>>)
      %slice3A_910 = vector.extract_strided_slice %min3A_63 {offsets = [13], sizes = [1], strides = [1]} : vector<16xi32> to vector<1xi32>
      %squeeze3A_911 = vector.extract %slice3A_910[0] : i32 from vector<1xi32>
      %multiple_of3A_912 = tpu.assume_multiple %squeeze3A_911, 128 : i32
      %dma_start3A_913 = arith.constant 13 : i32
      %dma_start3A_914 = arith.constant 0 : i32
      %dma_start3A_915 = arith.constant 0 : i32
      %dma_start3A_916 = tpu.memref_slice %arg14[%dma_start3A_913, %dma_start3A_914, %dma_start3A_915] : memref<16x16x128xf32, #tpu.memory_space<vmem>> -> memref<1x8x128xf32, #tpu.memory_space<vmem>>
      %dma_start3A_917 = tpu.memref_squeeze %dma_start3A_916 : memref<1x8x128xf32, #tpu.memory_space<vmem>> -> memref<8x128xf32, #tpu.memory_space<vmem>>
      %dma_start3A_918 = arith.constant 0 : i32
      %dma_start3A_919 = tpu.memref_slice %arg3[%dma_start3A_918, %multiple_of3A_912] : memref<16x1000000xf32, #tpu.memory_space<hbm>> -> memref<8x128xf32, #tpu.memory_space<hbm>>
      %dma_start3A_920 = arith.constant 0 : i32
      %dma_start3A_921 = arith.constant 0 : i32
      %dma_start3A_922 = tpu.memref_slice %arg14[%dma_start3A_913, %dma_start3A_920, %dma_start3A_921] : memref<16x16x128xf32, #tpu.memory_space<vmem>> -> memref<1x8x128xf32, #tpu.memory_space<vmem>>
      %dma_start3A_923 = tpu.memref_squeeze %dma_start3A_922 : memref<1x8x128xf32, #tpu.memory_space<vmem>> -> memref<8x128xf32, #tpu.memory_space<vmem>>
      %dma_start3A_924 = arith.constant 0 : i32
      %dma_start3A_925 = tpu.memref_slice %arg3[%dma_start3A_924, %multiple_of3A_912] : memref<16x1000000xf32, #tpu.memory_space<hbm>> -> memref<8x128xf32, #tpu.memory_space<hbm>>
      tpu.enqueue_dma source(%dma_start3A_925 : memref<8x128xf32, #tpu.memory_space<hbm>>) target(%dma_start3A_923 : memref<8x128xf32, #tpu.memory_space<vmem>>) target_semaphore(%arg19 : memref<!tpu.dma_semaphore, #tpu.memory_space<semaphore_mem>>)
      %slice3A_926 = vector.extract_strided_slice %min3A_57 {offsets = [13], sizes = [1], strides = [1]} : vector<16xi32> to vector<1xi32>
      %squeeze3A_927 = vector.extract %slice3A_926[0] : i32 from vector<1xi32>
      %multiple_of3A_928 = tpu.assume_multiple %squeeze3A_927, 128 : i32
      %dma_start3A_929 = arith.constant 13 : i32
      %dma_start3A_930 = arith.constant 8 : i32
      %dma_start3A_931 = arith.constant 0 : i32
      %dma_start3A_932 = tpu.memref_slice %arg13[%dma_start3A_929, %dma_start3A_930, %dma_start3A_931] : memref<16x16x128xf32, #tpu.memory_space<vmem>> -> memref<1x8x128xf32, #tpu.memory_space<vmem>>
      %dma_start3A_933 = tpu.memref_squeeze %dma_start3A_932 : memref<1x8x128xf32, #tpu.memory_space<vmem>> -> memref<8x128xf32, #tpu.memory_space<vmem>>
      %dma_start3A_934 = arith.constant 8 : i32
      %dma_start3A_935 = tpu.memref_slice %arg2[%dma_start3A_934, %multiple_of3A_928] : memref<16x1000000xf32, #tpu.memory_space<hbm>> -> memref<8x128xf32, #tpu.memory_space<hbm>>
      %dma_start3A_936 = arith.constant 8 : i32
      %dma_start3A_937 = arith.constant 0 : i32
      %dma_start3A_938 = tpu.memref_slice %arg13[%dma_start3A_929, %dma_start3A_936, %dma_start3A_937] : memref<16x16x128xf32, #tpu.memory_space<vmem>> -> memref<1x8x128xf32, #tpu.memory_space<vmem>>
      %dma_start3A_939 = tpu.memref_squeeze %dma_start3A_938 : memref<1x8x128xf32, #tpu.memory_space<vmem>> -> memref<8x128xf32, #tpu.memory_space<vmem>>
      %dma_start3A_940 = arith.constant 8 : i32
      %dma_start3A_941 = tpu.memref_slice %arg2[%dma_start3A_940, %multiple_of3A_928] : memref<16x1000000xf32, #tpu.memory_space<hbm>> -> memref<8x128xf32, #tpu.memory_space<hbm>>
      tpu.enqueue_dma source(%dma_start3A_941 : memref<8x128xf32, #tpu.memory_space<hbm>>) target(%dma_start3A_939 : memref<8x128xf32, #tpu.memory_space<vmem>>) target_semaphore(%arg19 : memref<!tpu.dma_semaphore, #tpu.memory_space<semaphore_mem>>)
      %slice3A_942 = vector.extract_strided_slice %min3A_63 {offsets = [13], sizes = [1], strides = [1]} : vector<16xi32> to vector<1xi32>
      %squeeze3A_943 = vector.extract %slice3A_942[0] : i32 from vector<1xi32>
      %multiple_of3A_944 = tpu.assume_multiple %squeeze3A_943, 128 : i32
      %dma_start3A_945 = arith.constant 13 : i32
      %dma_start3A_946 = arith.constant 8 : i32
      %dma_start3A_947 = arith.constant 0 : i32
      %dma_start3A_948 = tpu.memref_slice %arg14[%dma_start3A_945, %dma_start3A_946, %dma_start3A_947] : memref<16x16x128xf32, #tpu.memory_space<vmem>> -> memref<1x8x128xf32, #tpu.memory_space<vmem>>
      %dma_start3A_949 = tpu.memref_squeeze %dma_start3A_948 : memref<1x8x128xf32, #tpu.memory_space<vmem>> -> memref<8x128xf32, #tpu.memory_space<vmem>>
      %dma_start3A_950 = arith.constant 8 : i32
      %dma_start3A_951 = tpu.memref_slice %arg3[%dma_start3A_950, %multiple_of3A_944] : memref<16x1000000xf32, #tpu.memory_space<hbm>> -> memref<8x128xf32, #tpu.memory_space<hbm>>
      %dma_start3A_952 = arith.constant 8 : i32
      %dma_start3A_953 = arith.constant 0 : i32
      %dma_start3A_954 = tpu.memref_slice %arg14[%dma_start3A_945, %dma_start3A_952, %dma_start3A_953] : memref<16x16x128xf32, #tpu.memory_space<vmem>> -> memref<1x8x128xf32, #tpu.memory_space<vmem>>
      %dma_start3A_955 = tpu.memref_squeeze %dma_start3A_954 : memref<1x8x128xf32, #tpu.memory_space<vmem>> -> memref<8x128xf32, #tpu.memory_space<vmem>>
      %dma_start3A_956 = arith.constant 8 : i32
      %dma_start3A_957 = tpu.memref_slice %arg3[%dma_start3A_956, %multiple_of3A_944] : memref<16x1000000xf32, #tpu.memory_space<hbm>> -> memref<8x128xf32, #tpu.memory_space<hbm>>
      tpu.enqueue_dma source(%dma_start3A_957 : memref<8x128xf32, #tpu.memory_space<hbm>>) target(%dma_start3A_955 : memref<8x128xf32, #tpu.memory_space<vmem>>) target_semaphore(%arg19 : memref<!tpu.dma_semaphore, #tpu.memory_space<semaphore_mem>>)
      %slice3A_958 = vector.extract_strided_slice %min3A_57 {offsets = [14], sizes = [1], strides = [1]} : vector<16xi32> to vector<1xi32>
      %squeeze3A_959 = vector.extract %slice3A_958[0] : i32 from vector<1xi32>
      %multiple_of3A_960 = tpu.assume_multiple %squeeze3A_959, 128 : i32
      %dma_start3A_961 = arith.constant 14 : i32
      %dma_start3A_962 = arith.constant 0 : i32
      %dma_start3A_963 = arith.constant 0 : i32
      %dma_start3A_964 = tpu.memref_slice %arg13[%dma_start3A_961, %dma_start3A_962, %dma_start3A_963] : memref<16x16x128xf32, #tpu.memory_space<vmem>> -> memref<1x8x128xf32, #tpu.memory_space<vmem>>
      %dma_start3A_965 = tpu.memref_squeeze %dma_start3A_964 : memref<1x8x128xf32, #tpu.memory_space<vmem>> -> memref<8x128xf32, #tpu.memory_space<vmem>>
      %dma_start3A_966 = arith.constant 0 : i32
      %dma_start3A_967 = tpu.memref_slice %arg2[%dma_start3A_966, %multiple_of3A_960] : memref<16x1000000xf32, #tpu.memory_space<hbm>> -> memref<8x128xf32, #tpu.memory_space<hbm>>
      %dma_start3A_968 = arith.constant 0 : i32
      %dma_start3A_969 = arith.constant 0 : i32
      %dma_start3A_970 = tpu.memref_slice %arg13[%dma_start3A_961, %dma_start3A_968, %dma_start3A_969] : memref<16x16x128xf32, #tpu.memory_space<vmem>> -> memref<1x8x128xf32, #tpu.memory_space<vmem>>
      %dma_start3A_971 = tpu.memref_squeeze %dma_start3A_970 : memref<1x8x128xf32, #tpu.memory_space<vmem>> -> memref<8x128xf32, #tpu.memory_space<vmem>>
      %dma_start3A_972 = arith.constant 0 : i32
      %dma_start3A_973 = tpu.memref_slice %arg2[%dma_start3A_972, %multiple_of3A_960] : memref<16x1000000xf32, #tpu.memory_space<hbm>> -> memref<8x128xf32, #tpu.memory_space<hbm>>
      tpu.enqueue_dma source(%dma_start3A_973 : memref<8x128xf32, #tpu.memory_space<hbm>>) target(%dma_start3A_971 : memref<8x128xf32, #tpu.memory_space<vmem>>) target_semaphore(%arg19 : memref<!tpu.dma_semaphore, #tpu.memory_space<semaphore_mem>>)
      %slice3A_974 = vector.extract_strided_slice %min3A_63 {offsets = [14], sizes = [1], strides = [1]} : vector<16xi32> to vector<1xi32>
      %squeeze3A_975 = vector.extract %slice3A_974[0] : i32 from vector<1xi32>
      %multiple_of3A_976 = tpu.assume_multiple %squeeze3A_975, 128 : i32
      %dma_start3A_977 = arith.constant 14 : i32
      %dma_start3A_978 = arith.constant 0 : i32
      %dma_start3A_979 = arith.constant 0 : i32
      %dma_start3A_980 = tpu.memref_slice %arg14[%dma_start3A_977, %dma_start3A_978, %dma_start3A_979] : memref<16x16x128xf32, #tpu.memory_space<vmem>> -> memref<1x8x128xf32, #tpu.memory_space<vmem>>
      %dma_start3A_981 = tpu.memref_squeeze %dma_start3A_980 : memref<1x8x128xf32, #tpu.memory_space<vmem>> -> memref<8x128xf32, #tpu.memory_space<vmem>>
      %dma_start3A_982 = arith.constant 0 : i32
      %dma_start3A_983 = tpu.memref_slice %arg3[%dma_start3A_982, %multiple_of3A_976] : memref<16x1000000xf32, #tpu.memory_space<hbm>> -> memref<8x128xf32, #tpu.memory_space<hbm>>
      %dma_start3A_984 = arith.constant 0 : i32
      %dma_start3A_985 = arith.constant 0 : i32
      %dma_start3A_986 = tpu.memref_slice %arg14[%dma_start3A_977, %dma_start3A_984, %dma_start3A_985] : memref<16x16x128xf32, #tpu.memory_space<vmem>> -> memref<1x8x128xf32, #tpu.memory_space<vmem>>
      %dma_start3A_987 = tpu.memref_squeeze %dma_start3A_986 : memref<1x8x128xf32, #tpu.memory_space<vmem>> -> memref<8x128xf32, #tpu.memory_space<vmem>>
      %dma_start3A_988 = arith.constant 0 : i32
      %dma_start3A_989 = tpu.memref_slice %arg3[%dma_start3A_988, %multiple_of3A_976] : memref<16x1000000xf32, #tpu.memory_space<hbm>> -> memref<8x128xf32, #tpu.memory_space<hbm>>
      tpu.enqueue_dma source(%dma_start3A_989 : memref<8x128xf32, #tpu.memory_space<hbm>>) target(%dma_start3A_987 : memref<8x128xf32, #tpu.memory_space<vmem>>) target_semaphore(%arg19 : memref<!tpu.dma_semaphore, #tpu.memory_space<semaphore_mem>>)
      %slice3A_990 = vector.extract_strided_slice %min3A_57 {offsets = [14], sizes = [1], strides = [1]} : vector<16xi32> to vector<1xi32>
      %squeeze3A_991 = vector.extract %slice3A_990[0] : i32 from vector<1xi32>
      %multiple_of3A_992 = tpu.assume_multiple %squeeze3A_991, 128 : i32
      %dma_start3A_993 = arith.constant 14 : i32
      %dma_start3A_994 = arith.constant 8 : i32
      %dma_start3A_995 = arith.constant 0 : i32
      %dma_start3A_996 = tpu.memref_slice %arg13[%dma_start3A_993, %dma_start3A_994, %dma_start3A_995] : memref<16x16x128xf32, #tpu.memory_space<vmem>> -> memref<1x8x128xf32, #tpu.memory_space<vmem>>
      %dma_start3A_997 = tpu.memref_squeeze %dma_start3A_996 : memref<1x8x128xf32, #tpu.memory_space<vmem>> -> memref<8x128xf32, #tpu.memory_space<vmem>>
      %dma_start3A_998 = arith.constant 8 : i32
      %dma_start3A_999 = tpu.memref_slice %arg2[%dma_start3A_998, %multiple_of3A_992] : memref<16x1000000xf32, #tpu.memory_space<hbm>> -> memref<8x128xf32, #tpu.memory_space<hbm>>
      %dma_start3A_1000 = arith.constant 8 : i32
      %dma_start3A_1001 = arith.constant 0 : i32
      %dma_start3A_1002 = tpu.memref_slice %arg13[%dma_start3A_993, %dma_start3A_1000, %dma_start3A_1001] : memref<16x16x128xf32, #tpu.memory_space<vmem>> -> memref<1x8x128xf32, #tpu.memory_space<vmem>>
      %dma_start3A_1003 = tpu.memref_squeeze %dma_start3A_1002 : memref<1x8x128xf32, #tpu.memory_space<vmem>> -> memref<8x128xf32, #tpu.memory_space<vmem>>
      %dma_start3A_1004 = arith.constant 8 : i32
      %dma_start3A_1005 = tpu.memref_slice %arg2[%dma_start3A_1004, %multiple_of3A_992] : memref<16x1000000xf32, #tpu.memory_space<hbm>> -> memref<8x128xf32, #tpu.memory_space<hbm>>
      tpu.enqueue_dma source(%dma_start3A_1005 : memref<8x128xf32, #tpu.memory_space<hbm>>) target(%dma_start3A_1003 : memref<8x128xf32, #tpu.memory_space<vmem>>) target_semaphore(%arg19 : memref<!tpu.dma_semaphore, #tpu.memory_space<semaphore_mem>>)
      %slice3A_1006 = vector.extract_strided_slice %min3A_63 {offsets = [14], sizes = [1], strides = [1]} : vector<16xi32> to vector<1xi32>
      %squeeze3A_1007 = vector.extract %slice3A_1006[0] : i32 from vector<1xi32>
      %multiple_of3A_1008 = tpu.assume_multiple %squeeze3A_1007, 128 : i32
      %dma_start3A_1009 = arith.constant 14 : i32
      %dma_start3A_1010 = arith.constant 8 : i32
      %dma_start3A_1011 = arith.constant 0 : i32
      %dma_start3A_1012 = tpu.memref_slice %arg14[%dma_start3A_1009, %dma_start3A_1010, %dma_start3A_1011] : memref<16x16x128xf32, #tpu.memory_space<vmem>> -> memref<1x8x128xf32, #tpu.memory_space<vmem>>
      %dma_start3A_1013 = tpu.memref_squeeze %dma_start3A_1012 : memref<1x8x128xf32, #tpu.memory_space<vmem>> -> memref<8x128xf32, #tpu.memory_space<vmem>>
      %dma_start3A_1014 = arith.constant 8 : i32
      %dma_start3A_1015 = tpu.memref_slice %arg3[%dma_start3A_1014, %multiple_of3A_1008] : memref<16x1000000xf32, #tpu.memory_space<hbm>> -> memref<8x128xf32, #tpu.memory_space<hbm>>
      %dma_start3A_1016 = arith.constant 8 : i32
      %dma_start3A_1017 = arith.constant 0 : i32
      %dma_start3A_1018 = tpu.memref_slice %arg14[%dma_start3A_1009, %dma_start3A_1016, %dma_start3A_1017] : memref<16x16x128xf32, #tpu.memory_space<vmem>> -> memref<1x8x128xf32, #tpu.memory_space<vmem>>
      %dma_start3A_1019 = tpu.memref_squeeze %dma_start3A_1018 : memref<1x8x128xf32, #tpu.memory_space<vmem>> -> memref<8x128xf32, #tpu.memory_space<vmem>>
      %dma_start3A_1020 = arith.constant 8 : i32
      %dma_start3A_1021 = tpu.memref_slice %arg3[%dma_start3A_1020, %multiple_of3A_1008] : memref<16x1000000xf32, #tpu.memory_space<hbm>> -> memref<8x128xf32, #tpu.memory_space<hbm>>
      tpu.enqueue_dma source(%dma_start3A_1021 : memref<8x128xf32, #tpu.memory_space<hbm>>) target(%dma_start3A_1019 : memref<8x128xf32, #tpu.memory_space<vmem>>) target_semaphore(%arg19 : memref<!tpu.dma_semaphore, #tpu.memory_space<semaphore_mem>>)
      %slice3A_1022 = vector.extract_strided_slice %min3A_57 {offsets = [15], sizes = [1], strides = [1]} : vector<16xi32> to vector<1xi32>
      %squeeze3A_1023 = vector.extract %slice3A_1022[0] : i32 from vector<1xi32>
      %multiple_of3A_1024 = tpu.assume_multiple %squeeze3A_1023, 128 : i32
      %dma_start3A_1025 = arith.constant 15 : i32
      %dma_start3A_1026 = arith.constant 0 : i32
      %dma_start3A_1027 = arith.constant 0 : i32
      %dma_start3A_1028 = tpu.memref_slice %arg13[%dma_start3A_1025, %dma_start3A_1026, %dma_start3A_1027] : memref<16x16x128xf32, #tpu.memory_space<vmem>> -> memref<1x8x128xf32, #tpu.memory_space<vmem>>
      %dma_start3A_1029 = tpu.memref_squeeze %dma_start3A_1028 : memref<1x8x128xf32, #tpu.memory_space<vmem>> -> memref<8x128xf32, #tpu.memory_space<vmem>>
      %dma_start3A_1030 = arith.constant 0 : i32
      %dma_start3A_1031 = tpu.memref_slice %arg2[%dma_start3A_1030, %multiple_of3A_1024] : memref<16x1000000xf32, #tpu.memory_space<hbm>> -> memref<8x128xf32, #tpu.memory_space<hbm>>
      %dma_start3A_1032 = arith.constant 0 : i32
      %dma_start3A_1033 = arith.constant 0 : i32
      %dma_start3A_1034 = tpu.memref_slice %arg13[%dma_start3A_1025, %dma_start3A_1032, %dma_start3A_1033] : memref<16x16x128xf32, #tpu.memory_space<vmem>> -> memref<1x8x128xf32, #tpu.memory_space<vmem>>
      %dma_start3A_1035 = tpu.memref_squeeze %dma_start3A_1034 : memref<1x8x128xf32, #tpu.memory_space<vmem>> -> memref<8x128xf32, #tpu.memory_space<vmem>>
      %dma_start3A_1036 = arith.constant 0 : i32
      %dma_start3A_1037 = tpu.memref_slice %arg2[%dma_start3A_1036, %multiple_of3A_1024] : memref<16x1000000xf32, #tpu.memory_space<hbm>> -> memref<8x128xf32, #tpu.memory_space<hbm>>
      tpu.enqueue_dma source(%dma_start3A_1037 : memref<8x128xf32, #tpu.memory_space<hbm>>) target(%dma_start3A_1035 : memref<8x128xf32, #tpu.memory_space<vmem>>) target_semaphore(%arg19 : memref<!tpu.dma_semaphore, #tpu.memory_space<semaphore_mem>>)
      %slice3A_1038 = vector.extract_strided_slice %min3A_63 {offsets = [15], sizes = [1], strides = [1]} : vector<16xi32> to vector<1xi32>
      %squeeze3A_1039 = vector.extract %slice3A_1038[0] : i32 from vector<1xi32>
      %multiple_of3A_1040 = tpu.assume_multiple %squeeze3A_1039, 128 : i32
      %dma_start3A_1041 = arith.constant 15 : i32
      %dma_start3A_1042 = arith.constant 0 : i32
      %dma_start3A_1043 = arith.constant 0 : i32
      %dma_start3A_1044 = tpu.memref_slice %arg14[%dma_start3A_1041, %dma_start3A_1042, %dma_start3A_1043] : memref<16x16x128xf32, #tpu.memory_space<vmem>> -> memref<1x8x128xf32, #tpu.memory_space<vmem>>
      %dma_start3A_1045 = tpu.memref_squeeze %dma_start3A_1044 : memref<1x8x128xf32, #tpu.memory_space<vmem>> -> memref<8x128xf32, #tpu.memory_space<vmem>>
      %dma_start3A_1046 = arith.constant 0 : i32
      %dma_start3A_1047 = tpu.memref_slice %arg3[%dma_start3A_1046, %multiple_of3A_1040] : memref<16x1000000xf32, #tpu.memory_space<hbm>> -> memref<8x128xf32, #tpu.memory_space<hbm>>
      %dma_start3A_1048 = arith.constant 0 : i32
      %dma_start3A_1049 = arith.constant 0 : i32
      %dma_start3A_1050 = tpu.memref_slice %arg14[%dma_start3A_1041, %dma_start3A_1048, %dma_start3A_1049] : memref<16x16x128xf32, #tpu.memory_space<vmem>> -> memref<1x8x128xf32, #tpu.memory_space<vmem>>
      %dma_start3A_1051 = tpu.memref_squeeze %dma_start3A_1050 : memref<1x8x128xf32, #tpu.memory_space<vmem>> -> memref<8x128xf32, #tpu.memory_space<vmem>>
      %dma_start3A_1052 = arith.constant 0 : i32
      %dma_start3A_1053 = tpu.memref_slice %arg3[%dma_start3A_1052, %multiple_of3A_1040] : memref<16x1000000xf32, #tpu.memory_space<hbm>> -> memref<8x128xf32, #tpu.memory_space<hbm>>
      tpu.enqueue_dma source(%dma_start3A_1053 : memref<8x128xf32, #tpu.memory_space<hbm>>) target(%dma_start3A_1051 : memref<8x128xf32, #tpu.memory_space<vmem>>) target_semaphore(%arg19 : memref<!tpu.dma_semaphore, #tpu.memory_space<semaphore_mem>>)
      %slice3A_1054 = vector.extract_strided_slice %min3A_57 {offsets = [15], sizes = [1], strides = [1]} : vector<16xi32> to vector<1xi32>
      %squeeze3A_1055 = vector.extract %slice3A_1054[0] : i32 from vector<1xi32>
      %multiple_of3A_1056 = tpu.assume_multiple %squeeze3A_1055, 128 : i32
      %dma_start3A_1057 = arith.constant 15 : i32
      %dma_start3A_1058 = arith.constant 8 : i32
      %dma_start3A_1059 = arith.constant 0 : i32
      %dma_start3A_1060 = tpu.memref_slice %arg13[%dma_start3A_1057, %dma_start3A_1058, %dma_start3A_1059] : memref<16x16x128xf32, #tpu.memory_space<vmem>> -> memref<1x8x128xf32, #tpu.memory_space<vmem>>
      %dma_start3A_1061 = tpu.memref_squeeze %dma_start3A_1060 : memref<1x8x128xf32, #tpu.memory_space<vmem>> -> memref<8x128xf32, #tpu.memory_space<vmem>>
      %dma_start3A_1062 = arith.constant 8 : i32
      %dma_start3A_1063 = tpu.memref_slice %arg2[%dma_start3A_1062, %multiple_of3A_1056] : memref<16x1000000xf32, #tpu.memory_space<hbm>> -> memref<8x128xf32, #tpu.memory_space<hbm>>
      %dma_start3A_1064 = arith.constant 8 : i32
      %dma_start3A_1065 = arith.constant 0 : i32
      %dma_start3A_1066 = tpu.memref_slice %arg13[%dma_start3A_1057, %dma_start3A_1064, %dma_start3A_1065] : memref<16x16x128xf32, #tpu.memory_space<vmem>> -> memref<1x8x128xf32, #tpu.memory_space<vmem>>
      %dma_start3A_1067 = tpu.memref_squeeze %dma_start3A_1066 : memref<1x8x128xf32, #tpu.memory_space<vmem>> -> memref<8x128xf32, #tpu.memory_space<vmem>>
      %dma_start3A_1068 = arith.constant 8 : i32
      %dma_start3A_1069 = tpu.memref_slice %arg2[%dma_start3A_1068, %multiple_of3A_1056] : memref<16x1000000xf32, #tpu.memory_space<hbm>> -> memref<8x128xf32, #tpu.memory_space<hbm>>
      tpu.enqueue_dma source(%dma_start3A_1069 : memref<8x128xf32, #tpu.memory_space<hbm>>) target(%dma_start3A_1067 : memref<8x128xf32, #tpu.memory_space<vmem>>) target_semaphore(%arg19 : memref<!tpu.dma_semaphore, #tpu.memory_space<semaphore_mem>>)
      %slice3A_1070 = vector.extract_strided_slice %min3A_63 {offsets = [15], sizes = [1], strides = [1]} : vector<16xi32> to vector<1xi32>
      %squeeze3A_1071 = vector.extract %slice3A_1070[0] : i32 from vector<1xi32>
      %multiple_of3A_1072 = tpu.assume_multiple %squeeze3A_1071, 128 : i32
      %dma_start3A_1073 = arith.constant 15 : i32
      %dma_start3A_1074 = arith.constant 8 : i32
      %dma_start3A_1075 = arith.constant 0 : i32
      %dma_start3A_1076 = tpu.memref_slice %arg14[%dma_start3A_1073, %dma_start3A_1074, %dma_start3A_1075] : memref<16x16x128xf32, #tpu.memory_space<vmem>> -> memref<1x8x128xf32, #tpu.memory_space<vmem>>
      %dma_start3A_1077 = tpu.memref_squeeze %dma_start3A_1076 : memref<1x8x128xf32, #tpu.memory_space<vmem>> -> memref<8x128xf32, #tpu.memory_space<vmem>>
      %dma_start3A_1078 = arith.constant 8 : i32
      %dma_start3A_1079 = tpu.memref_slice %arg3[%dma_start3A_1078, %multiple_of3A_1072] : memref<16x1000000xf32, #tpu.memory_space<hbm>> -> memref<8x128xf32, #tpu.memory_space<hbm>>
      %dma_start3A_1080 = arith.constant 8 : i32
      %dma_start3A_1081 = arith.constant 0 : i32
      %dma_start3A_1082 = tpu.memref_slice %arg14[%dma_start3A_1073, %dma_start3A_1080, %dma_start3A_1081] : memref<16x16x128xf32, #tpu.memory_space<vmem>> -> memref<1x8x128xf32, #tpu.memory_space<vmem>>
      %dma_start3A_1083 = tpu.memref_squeeze %dma_start3A_1082 : memref<1x8x128xf32, #tpu.memory_space<vmem>> -> memref<8x128xf32, #tpu.memory_space<vmem>>
      %dma_start3A_1084 = arith.constant 8 : i32
      %dma_start3A_1085 = tpu.memref_slice %arg3[%dma_start3A_1084, %multiple_of3A_1072] : memref<16x1000000xf32, #tpu.memory_space<hbm>> -> memref<8x128xf32, #tpu.memory_space<hbm>>
      tpu.enqueue_dma source(%dma_start3A_1085 : memref<8x128xf32, #tpu.memory_space<hbm>>) target(%dma_start3A_1083 : memref<8x128xf32, #tpu.memory_space<vmem>>) target_semaphore(%arg19 : memref<!tpu.dma_semaphore, #tpu.memory_space<semaphore_mem>>)
      %dma_wait3A = tpu.memref_reshape %arg13 : memref<16x16x128xf32, #tpu.memory_space<vmem>> -> memref<256x128xf32, #tpu.memory_space<vmem>>
      %dma_wait3A_1086 = tpu.memref_reshape %arg13 : memref<16x16x128xf32, #tpu.memory_space<vmem>> -> memref<256x128xf32, #tpu.memory_space<vmem>>
      tpu.wait_dma2 semaphore(%arg19 : memref<!tpu.dma_semaphore, #tpu.memory_space<semaphore_mem>>) src(%arg9 : memref<256x128xf32, #tpu.memory_space<hbm>>) dst(%dma_wait3A_1086 : memref<256x128xf32, #tpu.memory_space<vmem>>)
      %dma_wait3A_1087 = tpu.memref_reshape %arg14 : memref<16x16x128xf32, #tpu.memory_space<vmem>> -> memref<256x128xf32, #tpu.memory_space<vmem>>
      %dma_wait3A_1088 = tpu.memref_reshape %arg14 : memref<16x16x128xf32, #tpu.memory_space<vmem>> -> memref<256x128xf32, #tpu.memory_space<vmem>>
      tpu.wait_dma2 semaphore(%arg19 : memref<!tpu.dma_semaphore, #tpu.memory_space<semaphore_mem>>) src(%arg9 : memref<256x128xf32, #tpu.memory_space<hbm>>) dst(%dma_wait3A_1088 : memref<256x128xf32, #tpu.memory_space<vmem>>)
      %jit3A = arith.constant 128 : i32
      %eq3A = arith.constant 0 : i32
      %eq3A_1089 = arith.cmpi eq, %jit3A, %eq3A : i32
      %jit3A_1090 = arith.constant 1 : i32
      %select_n3A = arith.select %eq3A_1089, %jit3A_1090, %jit3A : i32
      %rem3A = vector.broadcast %select_n3A : i32 to vector<16xi32>
      %rem3A_1091 = arith.remsi %get3A_49, %rem3A : vector<16xi32>
      %ne3A = arith.constant 0 : i32
      %ne3A_1092 = vector.broadcast %ne3A : i32 to vector<16xi32>
      %ne3A_1093 = arith.cmpi ne, %rem3A_1091, %ne3A_1092 : vector<16xi32>
      %lt3A = arith.constant 0 : i32
      %lt3A_1094 = vector.broadcast %lt3A : i32 to vector<16xi32>
      %lt3A_1095 = arith.cmpi slt, %rem3A_1091, %lt3A_1094 : vector<16xi32>
      %lt3A_1096 = arith.constant 0 : i32
      %lt3A_1097 = arith.cmpi slt, %select_n3A, %lt3A_1096 : i32
      %ne3A_1098 = vector.broadcast %lt3A_1097 : i1 to vector<16xi1>
      %ne3A_1099 = vector.broadcast %ne3A_1098 : vector<16xi1> to vector<16xi1>
      %ne3A_1100 = arith.xori %lt3A_1095, %ne3A_1099 : vector<16xi1>
      %and3A_1101 = arith.andi %ne3A_1100, %ne3A_1093 : vector<16xi1>
      %add3A_1102 = vector.broadcast %select_n3A : i32 to vector<16xi32>
      %add3A_1103 = arith.addi %rem3A_1091, %add3A_1102 : vector<16xi32>
      %select_n3A_1104 = arith.select %and3A_1101, %add3A_1103, %rem3A_1091 : vector<16xi1>, vector<16xi32>
      %jit3A_1105 = arith.constant 128 : i32
      %eq3A_1106 = arith.constant 0 : i32
      %eq3A_1107 = arith.cmpi eq, %jit3A_1105, %eq3A_1106 : i32
      %jit3A_1108 = arith.constant 1 : i32
      %select_n3A_1109 = arith.select %eq3A_1107, %jit3A_1108, %jit3A_1105 : i32
      %rem3A_1110 = vector.broadcast %select_n3A_1109 : i32 to vector<16xi32>
      %rem3A_1111 = arith.remsi %get3A_53, %rem3A_1110 : vector<16xi32>
      %ne3A_1112 = arith.constant 0 : i32
      %ne3A_1113 = vector.broadcast %ne3A_1112 : i32 to vector<16xi32>
      %ne3A_1114 = arith.cmpi ne, %rem3A_1111, %ne3A_1113 : vector<16xi32>
      %lt3A_1115 = arith.constant 0 : i32
      %lt3A_1116 = vector.broadcast %lt3A_1115 : i32 to vector<16xi32>
      %lt3A_1117 = arith.cmpi slt, %rem3A_1111, %lt3A_1116 : vector<16xi32>
      %lt3A_1118 = arith.constant 0 : i32
      %lt3A_1119 = arith.cmpi slt, %select_n3A_1109, %lt3A_1118 : i32
      %ne3A_1120 = vector.broadcast %lt3A_1119 : i1 to vector<16xi1>
      %ne3A_1121 = vector.broadcast %ne3A_1120 : vector<16xi1> to vector<16xi1>
      %ne3A_1122 = arith.xori %lt3A_1117, %ne3A_1121 : vector<16xi1>
      %and3A_1123 = arith.andi %ne3A_1122, %ne3A_1114 : vector<16xi1>
      %add3A_1124 = vector.broadcast %select_n3A_1109 : i32 to vector<16xi32>
      %add3A_1125 = arith.addi %rem3A_1111, %add3A_1124 : vector<16xi32>
      %select_n3A_1126 = arith.select %and3A_1123, %add3A_1125, %rem3A_1111 : vector<16xi1>, vector<16xi32>
      %ge3A = arith.constant 999936 : i32
      %ge3A_1127 = vector.broadcast %ge3A : i32 to vector<16xi32>
      %ge3A_1128 = arith.cmpi sge, %get3A_49, %ge3A_1127 : vector<16xi32>
      %ge3A_1129 = arith.constant 999936 : i32
      %ge3A_1130 = vector.broadcast %ge3A_1129 : i32 to vector<16xi32>
      %ge3A_1131 = arith.cmpi sge, %get3A_53, %ge3A_1130 : vector<16xi32>
      %sub3A = arith.constant 999936 : i32
      %sub3A_1132 = vector.broadcast %sub3A : i32 to vector<16xi32>
      %sub3A_1133 = arith.subi %get3A_49, %sub3A_1132 : vector<16xi32>
      %jit3A_1134 = arith.constant 0 : i32
      %jit3A_1135 = arith.constant 63 : i32
      %max3A = vector.broadcast %jit3A_1134 : i32 to vector<16xi32>
      %max3A_1136 = arith.maxsi %max3A, %sub3A_1133 : vector<16xi32>
      %min3A_1137 = vector.broadcast %jit3A_1135 : i32 to vector<16xi32>
      %min3A_1138 = arith.minsi %min3A_1137, %max3A_1136 : vector<16xi32>
      %sub3A_1139 = arith.constant 999936 : i32
      %sub3A_1140 = vector.broadcast %sub3A_1139 : i32 to vector<16xi32>
      %sub3A_1141 = arith.subi %get3A_53, %sub3A_1140 : vector<16xi32>
      %jit3A_1142 = arith.constant 0 : i32
      %jit3A_1143 = arith.constant 63 : i32
      %max3A_1144 = vector.broadcast %jit3A_1142 : i32 to vector<16xi32>
      %max3A_1145 = arith.maxsi %max3A_1144, %sub3A_1141 : vector<16xi32>
      %min3A_1146 = vector.broadcast %jit3A_1143 : i32 to vector<16xi32>
      %min3A_1147 = arith.minsi %min3A_1146, %max3A_1145 : vector<16xi32>
      %broadcast_in_dim3A = arith.constant 0.000000e+00 : f32
      %broadcast_in_dim3A_1148 = vector.broadcast %broadcast_in_dim3A : f32 to vector<16xf32>
      %broadcast_in_dim3A_1149 = arith.constant 0 : i32
      %broadcast_in_dim3A_1150 = vector.broadcast %broadcast_in_dim3A_1149 : i32 to vector<16xi32>
      %gather3A = tpu.vector_load_idx %arg13[%iota3A, %broadcast_in_dim3A_1150, %select_n3A_1104] : memref<16x16x128xf32, #tpu.memory_space<vmem>>[vector<16xi32>, vector<16xi32>, vector<16xi32>], vector<16xf32>,
      %gather3A_1151 = tpu.vector_load_idx %arg15[%broadcast_in_dim3A_1150, %min3A_1138] : memref<16x64xf32, #tpu.memory_space<vmem>>[vector<16xi32>, vector<16xi32>], vector<16xf32>,
      %select_n3A_1152 = arith.select %ge3A_1128, %gather3A_1151, %gather3A : vector<16xi1>, vector<16xf32>
      %gather3A_1153 = tpu.vector_load_idx %arg14[%iota3A, %broadcast_in_dim3A_1150, %select_n3A_1126] : memref<16x16x128xf32, #tpu.memory_space<vmem>>[vector<16xi32>, vector<16xi32>, vector<16xi32>], vector<16xf32>,
      %gather3A_1154 = tpu.vector_load_idx %arg16[%broadcast_in_dim3A_1150, %min3A_1147] : memref<16x64xf32, #tpu.memory_space<vmem>>[vector<16xi32>, vector<16xi32>], vector<16xf32>,
      %select_n3A_1155 = arith.select %ge3A_1131, %gather3A_1154, %gather3A_1153 : vector<16xi1>, vector<16xf32>
      %mul3A_1156 = arith.mulf %select_n3A_1152, %select_n3A_1155 : vector<16xf32>
      %mul3A_1157 = vector.broadcast %squeeze3A : f32 to vector<16xf32>
      %mul3A_1158 = arith.mulf %mul3A_1156, %mul3A_1157 : vector<16xf32>
      %add3A_1159 = arith.addf %broadcast_in_dim3A_1148, %mul3A_1158 : vector<16xf32>
      %broadcast_in_dim3A_1160 = arith.constant 1 : i32
      %broadcast_in_dim3A_1161 = vector.broadcast %broadcast_in_dim3A_1160 : i32 to vector<16xi32>
      %gather3A_1162 = tpu.vector_load_idx %arg13[%iota3A, %broadcast_in_dim3A_1161, %select_n3A_1104] : memref<16x16x128xf32, #tpu.memory_space<vmem>>[vector<16xi32>, vector<16xi32>, vector<16xi32>], vector<16xf32>,
      %gather3A_1163 = tpu.vector_load_idx %arg15[%broadcast_in_dim3A_1161, %min3A_1138] : memref<16x64xf32, #tpu.memory_space<vmem>>[vector<16xi32>, vector<16xi32>], vector<16xf32>,
      %select_n3A_1164 = arith.select %ge3A_1128, %gather3A_1163, %gather3A_1162 : vector<16xi1>, vector<16xf32>
      %gather3A_1165 = tpu.vector_load_idx %arg14[%iota3A, %broadcast_in_dim3A_1161, %select_n3A_1126] : memref<16x16x128xf32, #tpu.memory_space<vmem>>[vector<16xi32>, vector<16xi32>, vector<16xi32>], vector<16xf32>,
      %gather3A_1166 = tpu.vector_load_idx %arg16[%broadcast_in_dim3A_1161, %min3A_1147] : memref<16x64xf32, #tpu.memory_space<vmem>>[vector<16xi32>, vector<16xi32>], vector<16xf32>,
      %select_n3A_1167 = arith.select %ge3A_1131, %gather3A_1166, %gather3A_1165 : vector<16xi1>, vector<16xf32>
      %mul3A_1168 = arith.mulf %select_n3A_1164, %select_n3A_1167 : vector<16xf32>
      %mul3A_1169 = vector.broadcast %squeeze3A_7 : f32 to vector<16xf32>
      %mul3A_1170 = arith.mulf %mul3A_1168, %mul3A_1169 : vector<16xf32>
      %add3A_1171 = arith.addf %add3A_1159, %mul3A_1170 : vector<16xf32>
      %broadcast_in_dim3A_1172 = arith.constant 2 : i32
      %broadcast_in_dim3A_1173 = vector.broadcast %broadcast_in_dim3A_1172 : i32 to vector<16xi32>
      %gather3A_1174 = tpu.vector_load_idx %arg13[%iota3A, %broadcast_in_dim3A_1173, %select_n3A_1104] : memref<16x16x128xf32, #tpu.memory_space<vmem>>[vector<16xi32>, vector<16xi32>, vector<16xi32>], vector<16xf32>,
      %gather3A_1175 = tpu.vector_load_idx %arg15[%broadcast_in_dim3A_1173, %min3A_1138] : memref<16x64xf32, #tpu.memory_space<vmem>>[vector<16xi32>, vector<16xi32>], vector<16xf32>,
      %select_n3A_1176 = arith.select %ge3A_1128, %gather3A_1175, %gather3A_1174 : vector<16xi1>, vector<16xf32>
      %gather3A_1177 = tpu.vector_load_idx %arg14[%iota3A, %broadcast_in_dim3A_1173, %select_n3A_1126] : memref<16x16x128xf32, #tpu.memory_space<vmem>>[vector<16xi32>, vector<16xi32>, vector<16xi32>], vector<16xf32>,
      %gather3A_1178 = tpu.vector_load_idx %arg16[%broadcast_in_dim3A_1173, %min3A_1147] : memref<16x64xf32, #tpu.memory_space<vmem>>[vector<16xi32>, vector<16xi32>], vector<16xf32>,
      %select_n3A_1179 = arith.select %ge3A_1131, %gather3A_1178, %gather3A_1177 : vector<16xi1>, vector<16xf32>
      %mul3A_1180 = arith.mulf %select_n3A_1176, %select_n3A_1179 : vector<16xf32>
      %mul3A_1181 = vector.broadcast %squeeze3A_9 : f32 to vector<16xf32>
      %mul3A_1182 = arith.mulf %mul3A_1180, %mul3A_1181 : vector<16xf32>
      %add3A_1183 = arith.addf %add3A_1171, %mul3A_1182 : vector<16xf32>
      %broadcast_in_dim3A_1184 = arith.constant 3 : i32
      %broadcast_in_dim3A_1185 = vector.broadcast %broadcast_in_dim3A_1184 : i32 to vector<16xi32>
      %gather3A_1186 = tpu.vector_load_idx %arg13[%iota3A, %broadcast_in_dim3A_1185, %select_n3A_1104] : memref<16x16x128xf32, #tpu.memory_space<vmem>>[vector<16xi32>, vector<16xi32>, vector<16xi32>], vector<16xf32>,
      %gather3A_1187 = tpu.vector_load_idx %arg15[%broadcast_in_dim3A_1185, %min3A_1138] : memref<16x64xf32, #tpu.memory_space<vmem>>[vector<16xi32>, vector<16xi32>], vector<16xf32>,
      %select_n3A_1188 = arith.select %ge3A_1128, %gather3A_1187, %gather3A_1186 : vector<16xi1>, vector<16xf32>
      %gather3A_1189 = tpu.vector_load_idx %arg14[%iota3A, %broadcast_in_dim3A_1185, %select_n3A_1126] : memref<16x16x128xf32, #tpu.memory_space<vmem>>[vector<16xi32>, vector<16xi32>, vector<16xi32>], vector<16xf32>,
      %gather3A_1190 = tpu.vector_load_idx %arg16[%broadcast_in_dim3A_1185, %min3A_1147] : memref<16x64xf32, #tpu.memory_space<vmem>>[vector<16xi32>, vector<16xi32>], vector<16xf32>,
      %select_n3A_1191 = arith.select %ge3A_1131, %gather3A_1190, %gather3A_1189 : vector<16xi1>, vector<16xf32>
      %mul3A_1192 = arith.mulf %select_n3A_1188, %select_n3A_1191 : vector<16xf32>
      %mul3A_1193 = vector.broadcast %squeeze3A_11 : f32 to vector<16xf32>
      %mul3A_1194 = arith.mulf %mul3A_1192, %mul3A_1193 : vector<16xf32>
      %add3A_1195 = arith.addf %add3A_1183, %mul3A_1194 : vector<16xf32>
      %broadcast_in_dim3A_1196 = arith.constant 4 : i32
      %broadcast_in_dim3A_1197 = vector.broadcast %broadcast_in_dim3A_1196 : i32 to vector<16xi32>
      %gather3A_1198 = tpu.vector_load_idx %arg13[%iota3A, %broadcast_in_dim3A_1197, %select_n3A_1104] : memref<16x16x128xf32, #tpu.memory_space<vmem>>[vector<16xi32>, vector<16xi32>, vector<16xi32>], vector<16xf32>,
      %gather3A_1199 = tpu.vector_load_idx %arg15[%broadcast_in_dim3A_1197, %min3A_1138] : memref<16x64xf32, #tpu.memory_space<vmem>>[vector<16xi32>, vector<16xi32>], vector<16xf32>,
      %select_n3A_1200 = arith.select %ge3A_1128, %gather3A_1199, %gather3A_1198 : vector<16xi1>, vector<16xf32>
      %gather3A_1201 = tpu.vector_load_idx %arg14[%iota3A, %broadcast_in_dim3A_1197, %select_n3A_1126] : memref<16x16x128xf32, #tpu.memory_space<vmem>>[vector<16xi32>, vector<16xi32>, vector<16xi32>], vector<16xf32>,
      %gather3A_1202 = tpu.vector_load_idx %arg16[%broadcast_in_dim3A_1197, %min3A_1147] : memref<16x64xf32, #tpu.memory_space<vmem>>[vector<16xi32>, vector<16xi32>], vector<16xf32>,
      %select_n3A_1203 = arith.select %ge3A_1131, %gather3A_1202, %gather3A_1201 : vector<16xi1>, vector<16xf32>
      %mul3A_1204 = arith.mulf %select_n3A_1200, %select_n3A_1203 : vector<16xf32>
      %mul3A_1205 = vector.broadcast %squeeze3A_13 : f32 to vector<16xf32>
      %mul3A_1206 = arith.mulf %mul3A_1204, %mul3A_1205 : vector<16xf32>
      %add3A_1207 = arith.addf %add3A_1195, %mul3A_1206 : vector<16xf32>
      %broadcast_in_dim3A_1208 = arith.constant 5 : i32
      %broadcast_in_dim3A_1209 = vector.broadcast %broadcast_in_dim3A_1208 : i32 to vector<16xi32>
      %gather3A_1210 = tpu.vector_load_idx %arg13[%iota3A, %broadcast_in_dim3A_1209, %select_n3A_1104] : memref<16x16x128xf32, #tpu.memory_space<vmem>>[vector<16xi32>, vector<16xi32>, vector<16xi32>], vector<16xf32>,
      %gather3A_1211 = tpu.vector_load_idx %arg15[%broadcast_in_dim3A_1209, %min3A_1138] : memref<16x64xf32, #tpu.memory_space<vmem>>[vector<16xi32>, vector<16xi32>], vector<16xf32>,
      %select_n3A_1212 = arith.select %ge3A_1128, %gather3A_1211, %gather3A_1210 : vector<16xi1>, vector<16xf32>
      %gather3A_1213 = tpu.vector_load_idx %arg14[%iota3A, %broadcast_in_dim3A_1209, %select_n3A_1126] : memref<16x16x128xf32, #tpu.memory_space<vmem>>[vector<16xi32>, vector<16xi32>, vector<16xi32>], vector<16xf32>,
      %gather3A_1214 = tpu.vector_load_idx %arg16[%broadcast_in_dim3A_1209, %min3A_1147] : memref<16x64xf32, #tpu.memory_space<vmem>>[vector<16xi32>, vector<16xi32>], vector<16xf32>,
      %select_n3A_1215 = arith.select %ge3A_1131, %gather3A_1214, %gather3A_1213 : vector<16xi1>, vector<16xf32>
      %mul3A_1216 = arith.mulf %select_n3A_1212, %select_n3A_1215 : vector<16xf32>
      %mul3A_1217 = vector.broadcast %squeeze3A_15 : f32 to vector<16xf32>
      %mul3A_1218 = arith.mulf %mul3A_1216, %mul3A_1217 : vector<16xf32>
      %add3A_1219 = arith.addf %add3A_1207, %mul3A_1218 : vector<16xf32>
      %broadcast_in_dim3A_1220 = arith.constant 6 : i32
      %broadcast_in_dim3A_1221 = vector.broadcast %broadcast_in_dim3A_1220 : i32 to vector<16xi32>
      %gather3A_1222 = tpu.vector_load_idx %arg13[%iota3A, %broadcast_in_dim3A_1221, %select_n3A_1104] : memref<16x16x128xf32, #tpu.memory_space<vmem>>[vector<16xi32>, vector<16xi32>, vector<16xi32>], vector<16xf32>,
      %gather3A_1223 = tpu.vector_load_idx %arg15[%broadcast_in_dim3A_1221, %min3A_1138] : memref<16x64xf32, #tpu.memory_space<vmem>>[vector<16xi32>, vector<16xi32>], vector<16xf32>,
      %select_n3A_1224 = arith.select %ge3A_1128, %gather3A_1223, %gather3A_1222 : vector<16xi1>, vector<16xf32>
      %gather3A_1225 = tpu.vector_load_idx %arg14[%iota3A, %broadcast_in_dim3A_1221, %select_n3A_1126] : memref<16x16x128xf32, #tpu.memory_space<vmem>>[vector<16xi32>, vector<16xi32>, vector<16xi32>], vector<16xf32>,
      %gather3A_1226 = tpu.vector_load_idx %arg16[%broadcast_in_dim3A_1221, %min3A_1147] : memref<16x64xf32, #tpu.memory_space<vmem>>[vector<16xi32>, vector<16xi32>], vector<16xf32>,
      %select_n3A_1227 = arith.select %ge3A_1131, %gather3A_1226, %gather3A_1225 : vector<16xi1>, vector<16xf32>
      %mul3A_1228 = arith.mulf %select_n3A_1224, %select_n3A_1227 : vector<16xf32>
      %mul3A_1229 = vector.broadcast %squeeze3A_17 : f32 to vector<16xf32>
      %mul3A_1230 = arith.mulf %mul3A_1228, %mul3A_1229 : vector<16xf32>
      %add3A_1231 = arith.addf %add3A_1219, %mul3A_1230 : vector<16xf32>
      %broadcast_in_dim3A_1232 = arith.constant 7 : i32
      %broadcast_in_dim3A_1233 = vector.broadcast %broadcast_in_dim3A_1232 : i32 to vector<16xi32>
      %gather3A_1234 = tpu.vector_load_idx %arg13[%iota3A, %broadcast_in_dim3A_1233, %select_n3A_1104] : memref<16x16x128xf32, #tpu.memory_space<vmem>>[vector<16xi32>, vector<16xi32>, vector<16xi32>], vector<16xf32>,
      %gather3A_1235 = tpu.vector_load_idx %arg15[%broadcast_in_dim3A_1233, %min3A_1138] : memref<16x64xf32, #tpu.memory_space<vmem>>[vector<16xi32>, vector<16xi32>], vector<16xf32>,
      %select_n3A_1236 = arith.select %ge3A_1128, %gather3A_1235, %gather3A_1234 : vector<16xi1>, vector<16xf32>
      %gather3A_1237 = tpu.vector_load_idx %arg14[%iota3A, %broadcast_in_dim3A_1233, %select_n3A_1126] : memref<16x16x128xf32, #tpu.memory_space<vmem>>[vector<16xi32>, vector<16xi32>, vector<16xi32>], vector<16xf32>,
      %gather3A_1238 = tpu.vector_load_idx %arg16[%broadcast_in_dim3A_1233, %min3A_1147] : memref<16x64xf32, #tpu.memory_space<vmem>>[vector<16xi32>, vector<16xi32>], vector<16xf32>,
      %select_n3A_1239 = arith.select %ge3A_1131, %gather3A_1238, %gather3A_1237 : vector<16xi1>, vector<16xf32>
      %mul3A_1240 = arith.mulf %select_n3A_1236, %select_n3A_1239 : vector<16xf32>
      %mul3A_1241 = vector.broadcast %squeeze3A_19 : f32 to vector<16xf32>
      %mul3A_1242 = arith.mulf %mul3A_1240, %mul3A_1241 : vector<16xf32>
      %add3A_1243 = arith.addf %add3A_1231, %mul3A_1242 : vector<16xf32>
      %broadcast_in_dim3A_1244 = arith.constant 8 : i32
      %broadcast_in_dim3A_1245 = vector.broadcast %broadcast_in_dim3A_1244 : i32 to vector<16xi32>
      %gather3A_1246 = tpu.vector_load_idx %arg13[%iota3A, %broadcast_in_dim3A_1245, %select_n3A_1104] : memref<16x16x128xf32, #tpu.memory_space<vmem>>[vector<16xi32>, vector<16xi32>, vector<16xi32>], vector<16xf32>,
      %gather3A_1247 = tpu.vector_load_idx %arg15[%broadcast_in_dim3A_1245, %min3A_1138] : memref<16x64xf32, #tpu.memory_space<vmem>>[vector<16xi32>, vector<16xi32>], vector<16xf32>,
      %select_n3A_1248 = arith.select %ge3A_1128, %gather3A_1247, %gather3A_1246 : vector<16xi1>, vector<16xf32>
      %gather3A_1249 = tpu.vector_load_idx %arg14[%iota3A, %broadcast_in_dim3A_1245, %select_n3A_1126] : memref<16x16x128xf32, #tpu.memory_space<vmem>>[vector<16xi32>, vector<16xi32>, vector<16xi32>], vector<16xf32>,
      %gather3A_1250 = tpu.vector_load_idx %arg16[%broadcast_in_dim3A_1245, %min3A_1147] : memref<16x64xf32, #tpu.memory_space<vmem>>[vector<16xi32>, vector<16xi32>], vector<16xf32>,
      %select_n3A_1251 = arith.select %ge3A_1131, %gather3A_1250, %gather3A_1249 : vector<16xi1>, vector<16xf32>
      %mul3A_1252 = arith.mulf %select_n3A_1248, %select_n3A_1251 : vector<16xf32>
      %mul3A_1253 = vector.broadcast %squeeze3A_21 : f32 to vector<16xf32>
      %mul3A_1254 = arith.mulf %mul3A_1252, %mul3A_1253 : vector<16xf32>
      %add3A_1255 = arith.addf %add3A_1243, %mul3A_1254 : vector<16xf32>
      %broadcast_in_dim3A_1256 = arith.constant 9 : i32
      %broadcast_in_dim3A_1257 = vector.broadcast %broadcast_in_dim3A_1256 : i32 to vector<16xi32>
      %gather3A_1258 = tpu.vector_load_idx %arg13[%iota3A, %broadcast_in_dim3A_1257, %select_n3A_1104] : memref<16x16x128xf32, #tpu.memory_space<vmem>>[vector<16xi32>, vector<16xi32>, vector<16xi32>], vector<16xf32>,
      %gather3A_1259 = tpu.vector_load_idx %arg15[%broadcast_in_dim3A_1257, %min3A_1138] : memref<16x64xf32, #tpu.memory_space<vmem>>[vector<16xi32>, vector<16xi32>], vector<16xf32>,
      %select_n3A_1260 = arith.select %ge3A_1128, %gather3A_1259, %gather3A_1258 : vector<16xi1>, vector<16xf32>
      %gather3A_1261 = tpu.vector_load_idx %arg14[%iota3A, %broadcast_in_dim3A_1257, %select_n3A_1126] : memref<16x16x128xf32, #tpu.memory_space<vmem>>[vector<16xi32>, vector<16xi32>, vector<16xi32>], vector<16xf32>,
      %gather3A_1262 = tpu.vector_load_idx %arg16[%broadcast_in_dim3A_1257, %min3A_1147] : memref<16x64xf32, #tpu.memory_space<vmem>>[vector<16xi32>, vector<16xi32>], vector<16xf32>,
      %select_n3A_1263 = arith.select %ge3A_1131, %gather3A_1262, %gather3A_1261 : vector<16xi1>, vector<16xf32>
      %mul3A_1264 = arith.mulf %select_n3A_1260, %select_n3A_1263 : vector<16xf32>
      %mul3A_1265 = vector.broadcast %squeeze3A_23 : f32 to vector<16xf32>
      %mul3A_1266 = arith.mulf %mul3A_1264, %mul3A_1265 : vector<16xf32>
      %add3A_1267 = arith.addf %add3A_1255, %mul3A_1266 : vector<16xf32>
      %broadcast_in_dim3A_1268 = arith.constant 10 : i32
      %broadcast_in_dim3A_1269 = vector.broadcast %broadcast_in_dim3A_1268 : i32 to vector<16xi32>
      %gather3A_1270 = tpu.vector_load_idx %arg13[%iota3A, %broadcast_in_dim3A_1269, %select_n3A_1104] : memref<16x16x128xf32, #tpu.memory_space<vmem>>[vector<16xi32>, vector<16xi32>, vector<16xi32>], vector<16xf32>,
      %gather3A_1271 = tpu.vector_load_idx %arg15[%broadcast_in_dim3A_1269, %min3A_1138] : memref<16x64xf32, #tpu.memory_space<vmem>>[vector<16xi32>, vector<16xi32>], vector<16xf32>,
      %select_n3A_1272 = arith.select %ge3A_1128, %gather3A_1271, %gather3A_1270 : vector<16xi1>, vector<16xf32>
      %gather3A_1273 = tpu.vector_load_idx %arg14[%iota3A, %broadcast_in_dim3A_1269, %select_n3A_1126] : memref<16x16x128xf32, #tpu.memory_space<vmem>>[vector<16xi32>, vector<16xi32>, vector<16xi32>], vector<16xf32>,
      %gather3A_1274 = tpu.vector_load_idx %arg16[%broadcast_in_dim3A_1269, %min3A_1147] : memref<16x64xf32, #tpu.memory_space<vmem>>[vector<16xi32>, vector<16xi32>], vector<16xf32>,
      %select_n3A_1275 = arith.select %ge3A_1131, %gather3A_1274, %gather3A_1273 : vector<16xi1>, vector<16xf32>
      %mul3A_1276 = arith.mulf %select_n3A_1272, %select_n3A_1275 : vector<16xf32>
      %mul3A_1277 = vector.broadcast %squeeze3A_25 : f32 to vector<16xf32>
      %mul3A_1278 = arith.mulf %mul3A_1276, %mul3A_1277 : vector<16xf32>
      %add3A_1279 = arith.addf %add3A_1267, %mul3A_1278 : vector<16xf32>
      %broadcast_in_dim3A_1280 = arith.constant 11 : i32
      %broadcast_in_dim3A_1281 = vector.broadcast %broadcast_in_dim3A_1280 : i32 to vector<16xi32>
      %gather3A_1282 = tpu.vector_load_idx %arg13[%iota3A, %broadcast_in_dim3A_1281, %select_n3A_1104] : memref<16x16x128xf32, #tpu.memory_space<vmem>>[vector<16xi32>, vector<16xi32>, vector<16xi32>], vector<16xf32>,
      %gather3A_1283 = tpu.vector_load_idx %arg15[%broadcast_in_dim3A_1281, %min3A_1138] : memref<16x64xf32, #tpu.memory_space<vmem>>[vector<16xi32>, vector<16xi32>], vector<16xf32>,
      %select_n3A_1284 = arith.select %ge3A_1128, %gather3A_1283, %gather3A_1282 : vector<16xi1>, vector<16xf32>
      %gather3A_1285 = tpu.vector_load_idx %arg14[%iota3A, %broadcast_in_dim3A_1281, %select_n3A_1126] : memref<16x16x128xf32, #tpu.memory_space<vmem>>[vector<16xi32>, vector<16xi32>, vector<16xi32>], vector<16xf32>,
      %gather3A_1286 = tpu.vector_load_idx %arg16[%broadcast_in_dim3A_1281, %min3A_1147] : memref<16x64xf32, #tpu.memory_space<vmem>>[vector<16xi32>, vector<16xi32>], vector<16xf32>,
      %select_n3A_1287 = arith.select %ge3A_1131, %gather3A_1286, %gather3A_1285 : vector<16xi1>, vector<16xf32>
      %mul3A_1288 = arith.mulf %select_n3A_1284, %select_n3A_1287 : vector<16xf32>
      %mul3A_1289 = vector.broadcast %squeeze3A_27 : f32 to vector<16xf32>
      %mul3A_1290 = arith.mulf %mul3A_1288, %mul3A_1289 : vector<16xf32>
      %add3A_1291 = arith.addf %add3A_1279, %mul3A_1290 : vector<16xf32>
      %broadcast_in_dim3A_1292 = arith.constant 12 : i32
      %broadcast_in_dim3A_1293 = vector.broadcast %broadcast_in_dim3A_1292 : i32 to vector<16xi32>
      %gather3A_1294 = tpu.vector_load_idx %arg13[%iota3A, %broadcast_in_dim3A_1293, %select_n3A_1104] : memref<16x16x128xf32, #tpu.memory_space<vmem>>[vector<16xi32>, vector<16xi32>, vector<16xi32>], vector<16xf32>,
      %gather3A_1295 = tpu.vector_load_idx %arg15[%broadcast_in_dim3A_1293, %min3A_1138] : memref<16x64xf32, #tpu.memory_space<vmem>>[vector<16xi32>, vector<16xi32>], vector<16xf32>,
      %select_n3A_1296 = arith.select %ge3A_1128, %gather3A_1295, %gather3A_1294 : vector<16xi1>, vector<16xf32>
      %gather3A_1297 = tpu.vector_load_idx %arg14[%iota3A, %broadcast_in_dim3A_1293, %select_n3A_1126] : memref<16x16x128xf32, #tpu.memory_space<vmem>>[vector<16xi32>, vector<16xi32>, vector<16xi32>], vector<16xf32>,
      %gather3A_1298 = tpu.vector_load_idx %arg16[%broadcast_in_dim3A_1293, %min3A_1147] : memref<16x64xf32, #tpu.memory_space<vmem>>[vector<16xi32>, vector<16xi32>], vector<16xf32>,
      %select_n3A_1299 = arith.select %ge3A_1131, %gather3A_1298, %gather3A_1297 : vector<16xi1>, vector<16xf32>
      %mul3A_1300 = arith.mulf %select_n3A_1296, %select_n3A_1299 : vector<16xf32>
      %mul3A_1301 = vector.broadcast %squeeze3A_29 : f32 to vector<16xf32>
      %mul3A_1302 = arith.mulf %mul3A_1300, %mul3A_1301 : vector<16xf32>
      %add3A_1303 = arith.addf %add3A_1291, %mul3A_1302 : vector<16xf32>
      %broadcast_in_dim3A_1304 = arith.constant 13 : i32
      %broadcast_in_dim3A_1305 = vector.broadcast %broadcast_in_dim3A_1304 : i32 to vector<16xi32>
      %gather3A_1306 = tpu.vector_load_idx %arg13[%iota3A, %broadcast_in_dim3A_1305, %select_n3A_1104] : memref<16x16x128xf32, #tpu.memory_space<vmem>>[vector<16xi32>, vector<16xi32>, vector<16xi32>], vector<16xf32>,
      %gather3A_1307 = tpu.vector_load_idx %arg15[%broadcast_in_dim3A_1305, %min3A_1138] : memref<16x64xf32, #tpu.memory_space<vmem>>[vector<16xi32>, vector<16xi32>], vector<16xf32>,
      %select_n3A_1308 = arith.select %ge3A_1128, %gather3A_1307, %gather3A_1306 : vector<16xi1>, vector<16xf32>
      %gather3A_1309 = tpu.vector_load_idx %arg14[%iota3A, %broadcast_in_dim3A_1305, %select_n3A_1126] : memref<16x16x128xf32, #tpu.memory_space<vmem>>[vector<16xi32>, vector<16xi32>, vector<16xi32>], vector<16xf32>,
      %gather3A_1310 = tpu.vector_load_idx %arg16[%broadcast_in_dim3A_1305, %min3A_1147] : memref<16x64xf32, #tpu.memory_space<vmem>>[vector<16xi32>, vector<16xi32>], vector<16xf32>,
      %select_n3A_1311 = arith.select %ge3A_1131, %gather3A_1310, %gather3A_1309 : vector<16xi1>, vector<16xf32>
      %mul3A_1312 = arith.mulf %select_n3A_1308, %select_n3A_1311 : vector<16xf32>
      %mul3A_1313 = vector.broadcast %squeeze3A_31 : f32 to vector<16xf32>
      %mul3A_1314 = arith.mulf %mul3A_1312, %mul3A_1313 : vector<16xf32>
      %add3A_1315 = arith.addf %add3A_1303, %mul3A_1314 : vector<16xf32>
      %broadcast_in_dim3A_1316 = arith.constant 14 : i32
      %broadcast_in_dim3A_1317 = vector.broadcast %broadcast_in_dim3A_1316 : i32 to vector<16xi32>
      %gather3A_1318 = tpu.vector_load_idx %arg13[%iota3A, %broadcast_in_dim3A_1317, %select_n3A_1104] : memref<16x16x128xf32, #tpu.memory_space<vmem>>[vector<16xi32>, vector<16xi32>, vector<16xi32>], vector<16xf32>,
      %gather3A_1319 = tpu.vector_load_idx %arg15[%broadcast_in_dim3A_1317, %min3A_1138] : memref<16x64xf32, #tpu.memory_space<vmem>>[vector<16xi32>, vector<16xi32>], vector<16xf32>,
      %select_n3A_1320 = arith.select %ge3A_1128, %gather3A_1319, %gather3A_1318 : vector<16xi1>, vector<16xf32>
      %gather3A_1321 = tpu.vector_load_idx %arg14[%iota3A, %broadcast_in_dim3A_1317, %select_n3A_1126] : memref<16x16x128xf32, #tpu.memory_space<vmem>>[vector<16xi32>, vector<16xi32>, vector<16xi32>], vector<16xf32>,
      %gather3A_1322 = tpu.vector_load_idx %arg16[%broadcast_in_dim3A_1317, %min3A_1147] : memref<16x64xf32, #tpu.memory_space<vmem>>[vector<16xi32>, vector<16xi32>], vector<16xf32>,
      %select_n3A_1323 = arith.select %ge3A_1131, %gather3A_1322, %gather3A_1321 : vector<16xi1>, vector<16xf32>
      %mul3A_1324 = arith.mulf %select_n3A_1320, %select_n3A_1323 : vector<16xf32>
      %mul3A_1325 = vector.broadcast %squeeze3A_33 : f32 to vector<16xf32>
      %mul3A_1326 = arith.mulf %mul3A_1324, %mul3A_1325 : vector<16xf32>
      %add3A_1327 = arith.addf %add3A_1315, %mul3A_1326 : vector<16xf32>
      %broadcast_in_dim3A_1328 = arith.constant 15 : i32
      %broadcast_in_dim3A_1329 = vector.broadcast %broadcast_in_dim3A_1328 : i32 to vector<16xi32>
      %gather3A_1330 = tpu.vector_load_idx %arg13[%iota3A, %broadcast_in_dim3A_1329, %select_n3A_1104] : memref<16x16x128xf32, #tpu.memory_space<vmem>>[vector<16xi32>, vector<16xi32>, vector<16xi32>], vector<16xf32>,
      %gather3A_1331 = tpu.vector_load_idx %arg15[%broadcast_in_dim3A_1329, %min3A_1138] : memref<16x64xf32, #tpu.memory_space<vmem>>[vector<16xi32>, vector<16xi32>], vector<16xf32>,
      %select_n3A_1332 = arith.select %ge3A_1128, %gather3A_1331, %gather3A_1330 : vector<16xi1>, vector<16xf32>
      %gather3A_1333 = tpu.vector_load_idx %arg14[%iota3A, %broadcast_in_dim3A_1329, %select_n3A_1126] : memref<16x16x128xf32, #tpu.memory_space<vmem>>[vector<16xi32>, vector<16xi32>, vector<16xi32>], vector<16xf32>,
      %gather3A_1334 = tpu.vector_load_idx %arg16[%broadcast_in_dim3A_1329, %min3A_1147] : memref<16x64xf32, #tpu.memory_space<vmem>>[vector<16xi32>, vector<16xi32>], vector<16xf32>,
      %select_n3A_1335 = arith.select %ge3A_1131, %gather3A_1334, %gather3A_1333 : vector<16xi1>, vector<16xf32>
      %mul3A_1336 = arith.mulf %select_n3A_1332, %select_n3A_1335 : vector<16xf32>
      %mul3A_1337 = vector.broadcast %squeeze3A_35 : f32 to vector<16xf32>
      %mul3A_1338 = arith.mulf %mul3A_1336, %mul3A_1337 : vector<16xf32>
      %add3A_1339 = arith.addf %add3A_1327, %mul3A_1338 : vector<16xf32>
      %add3A_1340 = vector.broadcast %squeeze3A_37 : f32 to vector<16xf32>
      %add3A_1341 = arith.addf %add3A_1339, %add3A_1340 : vector<16xf32>
      %swap3A = arith.index_cast %mul3A_45 : i32 to index
      %swap3A_1342 = tpu.vector_load %arg18[%swap3A] {strides = array<i32>} : memref<512xf32, #tpu.memory_space<vmem>>, vector<16xf32>,
      tpu.vector_store %arg18[%swap3A], %add3A_1341 {strides = array<i32>} : memref<512xf32, #tpu.memory_space<vmem>>, vector<16xf32>,
    }
    %scan3A_42 = arith.constant 32 : i32
    "tpu.region"() ({
      %run_scoped3A = tpu.sem_alloc : memref<!tpu.dma_semaphore, #tpu.memory_space<semaphore_mem>>
      %dma_start3A = tpu.memref_slice %arg10[%mul3A_2] : memref<16384xf32, #tpu.memory_space<hbm>> -> memref<512xf32, #tpu.memory_space<hbm>>
      %dma_start3A_43 = tpu.memref_slice %arg10[%mul3A_2] : memref<16384xf32, #tpu.memory_space<hbm>> -> memref<512xf32, #tpu.memory_space<hbm>>
      tpu.enqueue_dma source(%arg18 : memref<512xf32, #tpu.memory_space<vmem>>) target(%dma_start3A_43 : memref<512xf32, #tpu.memory_space<hbm>>) target_semaphore(%run_scoped3A : memref<!tpu.dma_semaphore, #tpu.memory_space<semaphore_mem>>)
      %dma_wait3A = tpu.memref_slice %arg10[%mul3A_2] : memref<16384xf32, #tpu.memory_space<hbm>> -> memref<512xf32, #tpu.memory_space<hbm>>
      %dma_wait3A_44 = tpu.memref_slice %arg10[%mul3A_2] : memref<16384xf32, #tpu.memory_space<hbm>> -> memref<512xf32, #tpu.memory_space<hbm>>
      tpu.wait_dma2 semaphore(%run_scoped3A : memref<!tpu.dma_semaphore, #tpu.memory_space<semaphore_mem>>) src(%arg18 : memref<512xf32, #tpu.memory_space<vmem>>) dst(%dma_wait3A_44 : memref<512xf32, #tpu.memory_space<hbm>>)
      tpu.yield
    }) : () -> ()
    return
  }
}

</mosaic_0001>

<sc_bundles>
// kernel: kernel.3.cloned.1.call-start
scs
__scs_entry_jumppad:
0x0: {  	(pc) =	sbr.rel $0x88, $3  }
0x1: {  	(tag) =	ssettag $0x0;
	lr =	simm.s32 $0x1  }
0x2: {  	[smem:$0x3F9B] =	sst lr;
	_ =	strace $0xD0000000  }
0x3: {  	_ = 	snop  }
0x4: {  	_ = 	snop  }
0x5: {  	_ = 	snop  }
0x6: {  	_ = 	snop  }
0x7: {  	_ = 	snop  }
__scs_overlays_trampoline_lowered:
0x8: {  	[smem:$0x3FAA] =	sst s0  }
0x9: {  	[smem:$0x3FAB] =	sst s1  }
0xa: {  	[smem:$0x3FAC] =	sst s2  }
0xb: {  	[smem:$0x3FAD] =	sst s3  }
0xc: {  	[smem:$0x3FAE] =	sst s4  }
0xd: {  	[smem:$0x3FAF] =	sst s5  }
0xe: {  	[smem:$0x3FB0] =	sst s6  }
0xf: {  	[smem:$0x3FB1] =	sst s7  }
0x10: {  	[smem:$0x3FB2] =	sst s8  }
0x11: {  	[smem:$0x3FB3] =	sst s9;
	s0 =	simm.s32 @!p0 $0x0  }
0x12: {  	s1 =	sld [smem:$0x3F99];
	s0 =	simm.s32 @p0 $0x1  }
0x13: {  	[smem:$0x3FB4] =	sst s0;
	s0 =	simm.s32 @!p1 $0x0  }
0x14: {  	s2 =	sld [smem:$0x3F98];
	s0 =	simm.s32 @p1 $0x1  }
0x15: {  	[smem:$0x3FB5] =	sst s0;
	s0 =	simm.s32 @!p2 $0x0  }
0x16: {  	s3 =	sld [smem:$0x3FDB];
	s0 =	simm.s32 @p2 $0x1  }
0x17: {  	s4 =	simm.s32 $0x1BF5;
	[smem:$0x3FB7] =	sst s0  }
0x18: {  	s0 =	sld [smem:$0x3F9A];
	_ =	swait.ge [sflag:s4], $0x0  }
0x19: {  	s7 =	sld [smem:$0x3F9B]  }
0x1a: {  	s8 =	sadd.s32 $0xFFFFE003, lr  }
0x1b: {  	s9 =	sadd.s32 $0xFFFFFEF7, lr;
	s5 =	simm.s32 $0xFFFFFFFF;
	p2 =	slt.u32 s8, $0xFFFFF086  }
0x1c: {  	p1 =	slt.u32 s9, $0xF7A;
	s5 =	simm.s32 @!p2 $0x0  }
0x1d: {  	s5 =	simm.s32 @p1 $0x1;
	p0 =	seq.s32 s7, s2  }
0x1e: {  	s7 =	smul.u32 @!p0 $0xF7A, s2;
	p2 =	seq.s32 @!p0 s5, $0x0  }
0x1f: {  	s9 =	smul.u32 $0xF7A, s1;
	s8 =	simm.s32 @!p0 $0x1BF5;
	p2 =	por !p2, p0  }
0x20: {  	[sflag:s8] =	ssyncset.s32 @!p0 $0xFFFFF086;
	s6 =	sadd.s32 @!p0 s3, s7;
	s7 =	simm.s32 @!p0 $0x108  }
0x21: {  	s3 =	sadd.s32 s3, s9;
	s6 =	sadd.s32 @!p0 $0x88, s6;
	s7 =	simm.s32 @p2 $0x1082  }
0x22: {  	[simem:s7], [sflag:s8] =	dma.local @!p0 [hbm:s6], $0xF7A  }
0x23: {  	s9 =	sor.u32 $0xD0000000, s2;
	s6 =	simm.s32 $0x108;
	_ =	swait.ge @!p0 [sflag:s8], $0x0  }
0x24: {  	s3 =	sadd.s32 $0x88, s3;
	s6 =	simm.s32 @!p1 $0x1082;
	[sflag:s4] =	ssyncset.s32 $0xFFFFF086  }
0x25: {  	[simem:s6], [sflag:s4] =	dma.local [hbm:s3], $0xF7A  }
0x26: {  	[smem:$0x3F9B] =	sst s1;
	(tag) =	ssettag s2;
	_ =	strace s9  }
0x27: {  	s1 =	sld [smem:$0x3FAB]  }
0x28: {  	s2 =	sld [smem:$0x3FAC]  }
0x29: {  	s4 =	sld [smem:$0x3FAE]  }
0x2a: {  	p0 =	seq.s32 s5, $0x0;
	s5 =	sld [smem:$0x3FAF]  }
0x2b: {  	s6 =	sld [smem:$0x3FB0]  }
0x2c: {  	s7 =	sld [smem:$0x3FB1]  }
0x2d: {  	s3 =	simm.s32 $0x108;
	s8 =	sld [smem:$0x3FB2]  }
0x2e: {  	s3 =	simm.s32 @!p0 $0x1082;
	s9 =	sld [smem:$0x3FB3]  }
0x2f: {  	lr =	sadd.s32 s0, s3;
	s0 =	sld [smem:$0x3FAA]  }
0x30: {  	s3 =	sld [smem:$0x3FAD]  }
0x31: {  	[smem:$0x3FB6] =	sst s10  }
0x32: {  	s10 =	sld [smem:$0x3FB4];
	_ =	sdelay $0x3  }
0x33: {  	p0 =	seq.s32 s10, $0x1;
	s10 =	sld [smem:$0x3FB6];
	_ =	sdelay $0x3  }
0x34: {  	[smem:$0x3FB6] =	sst s10  }
0x35: {  	s10 =	sld [smem:$0x3FB5];
	_ =	sdelay $0x3  }
0x36: {  	p1 =	seq.s32 s10, $0x1;
	s10 =	sld [smem:$0x3FB6];
	_ =	sdelay $0x3  }
0x37: {  	[smem:$0x3FB6] =	sst s10  }
0x38: {  	s10 =	sld [smem:$0x3FB7]  }
0x39: {  	_ = 	snop;
	(pc) =	sbr.ind lr, $3  }
0x3a: {  	_ = 	snop  }
0x3b: {  	_ = 	snop  }
0x3c: {  	p2 =	seq.s32 s10, $0x1;
	s10 =	sld [smem:$0x3FB6]  }
0x3d: {  	_ =	shalt  }
0x3e: {  	_ =	shalt  }
0x3f: {  	_ =	shalt  }
0x40: {  	_ =	shalt  }
0x41: {  	_ =	shalt  }
0x42: {  	_ =	shalt  }
0x43: {  	_ =	shalt  }
0x44: {  	_ =	shalt  }
0x45: {  	_ =	shalt  }
0x46: {  	_ =	shalt  }
0x47: {  	_ =	shalt  }
0x48: {  	_ =	shalt  }
0x49: {  	_ =	shalt  }
0x4a: {  	_ =	shalt  }
0x4b: {  	_ =	shalt  }
0x4c: {  	_ =	shalt  }
0x4d: {  	_ =	shalt  }
0x4e: {  	_ =	shalt  }
0x4f: {  	_ =	shalt  }
0x50: {  	_ =	shalt  }
0x51: {  	_ =	shalt  }
0x52: {  	_ =	shalt  }
0x53: {  	_ =	shalt  }
0x54: {  	_ =	shalt  }
0x55: {  	_ =	shalt  }
0x56: {  	_ =	shalt  }
0x57: {  	_ =	shalt  }
0x58: {  	_ =	shalt  }
0x59: {  	_ =	shalt  }
0x5a: {  	_ =	shalt  }
0x5b: {  	_ =	shalt  }
0x5c: {  	_ =	shalt  }
0x5d: {  	_ =	shalt  }
0x5e: {  	_ =	shalt  }
0x5f: {  	_ =	shalt  }
0x60: {  	_ =	shalt  }
0x61: {  	_ =	shalt  }
0x62: {  	_ =	shalt  }
0x63: {  	_ =	shalt  }
0x64: {  	_ =	shalt  }
0x65: {  	_ =	shalt  }
0x66: {  	_ =	shalt  }
0x67: {  	_ =	shalt  }
0x68: {  	_ =	shalt  }
0x69: {  	_ =	shalt  }
0x6a: {  	_ =	shalt  }
0x6b: {  	_ =	shalt  }
0x6c: {  	_ =	shalt  }
0x6d: {  	_ =	shalt  }
0x6e: {  	_ =	shalt  }
0x6f: {  	_ =	shalt  }
0x70: {  	_ =	shalt  }
0x71: {  	_ =	shalt  }
0x72: {  	_ =	shalt  }
0x73: {  	_ =	shalt  }
0x74: {  	_ =	shalt  }
0x75: {  	_ =	shalt  }
0x76: {  	_ =	shalt  }
0x77: {  	_ =	shalt  }
0x78: {  	_ =	shalt  }
0x79: {  	_ =	shalt  }
0x7a: {  	_ =	shalt  }
0x7b: {  	_ =	shalt  }
0x7c: {  	_ =	shalt  }
0x7d: {  	_ =	shalt  }
0x7e: {  	_ =	shalt  }
0x7f: {  	_ =	shalt  }
0x80: {  	_ =	shalt  }
0x81: {  	_ =	shalt  }
0x82: {  	_ =	shalt  }
0x83: {  	_ =	shalt  }
0x84: {  	_ =	shalt  }
0x85: {  	_ =	shalt  }
0x86: {  	_ =	shalt  }
0x87: {  	_ =	shalt  }
.Lfunc_end0:
.L_simem_size_0:
called_computation_lowered:
.L_overlay_start_0:
0x88: {  	s2 =	sld [smem:$0x3FD9]  }
0x89: {  	s3 =	sld [smem:$0x3FFE];
	_ =	sdelay $0x1  }
0x8a: {  	s1 =	srdreg.scid  }
0x8b: {  	s0 =	sand.u32 $0x1, s1  }
0x8c: {  	s17 =	sshll.u32 s0, $0xA;
	s2 =	sadd.s32 s3, s2  }
0x8d: {  	s2 =	sadd.s32 s2, s17  }
0x8e: {  	[smem:$0x3FC2] =	sst s2  }
0x8f: {  	_ = 	snop  }
0x90: {  	s2 =	sld [smem:$0x3FC9]  }
0x91: {  	s18 =	sld [smem:$0x3FC8]  }
0x92: {  	s4 =	sld [smem:$0x3FC7]  }
0x93: {  	s5 =	sld [smem:$0x3FC6]  }
0x94: {  	s6 =	sld [smem:$0x3FD0];
	(tm) =	ssettm $0x1  }
0x95: {  	s7 =	sld [smem:$0x3FFB];
	_ =	sdelay $0x3  }
0x96: {  	_ =	strace s7  }
0x97: {  	s7 =	sld [smem:$0x3FFC];
	_ =	sdelay $0x3  }
0x98: {  	_ =	strace s7  }
0x99: {  	s7 =	sld [smem:$0x3FFD];
	_ =	sdelay $0x3  }
0x9a: {  	_ =	strace s7  }
0x9b: {  	_ =	strace $0x8FFFFFFF  }
0x9c: {  	s19 =	sld [smem:$0x3FDB];
	_ =	sdelay $0x1  }
0x9d: {  	s8 =	simm.s32 $_scs_section_size  }
0x9e: {  	s9 =	simm.s32 $_size__tile_overlayer_lowered;
	s10 =	simm.s32 $_tile_overlayer_lowered  }
0x9f: {  	s22 =	simm.s32 $0x1BFF;
	s21 =	sshll.u32 s10, $0x1;
	s7 =	sadd.s32 s8, s19  }
0xa0: {  	s11 =	simm.s32 $0x0;
	s20 =	sshll.u32 s9, $0x1;
	s9 =	sadd.s32 s21, s7  }
0xa1: {  	[timem:s11], [sflag:s22] =	dma.local [hbm:s9], s20  }
0xa2: {  	_ =	swait.ge [sflag:s22], s20  }
0xa3: {  	s8 =	ssub.s32 $0x0, s20;
	[sflag:s22] =	ssyncset.done $0x0  }
0xa4: {  	[sflag:s22] =	ssyncadd.s32 s8;
	_ =	sdelay $0x1  }
0xa5: {  	s23 =	simm.s32 $0x1B8B  }
0xa6: {  	_ =	swait.ge [sflag:s23], $0x1  }
0xa7: {  	[sflag:s23] =	ssyncset.done $0x0  }
0xa8: {  	s25 =	simm.s32 $0x1B8E;
	s24 =	sld [smem:$0x3FFE];
	[sflag:s23] =	ssyncadd.s32 $0xFFFFFFFF  }
0xa9: {  	s26 =	simm.s32 $execute0_lowered;
	[smem:$0x3FD2] =	sst s25  }
0xaa: {  	s9 =	sshll.u32 s26, $0x1;
	_ =	strace $0x80000046;
	[dreg:$0x1] =	wrdreg $0xFFFFFFFF  }
0xab: {  	s28 =	simm.s32 $_size_execute0_lowered;
	s7 =	sadd.s32 s7, s9;
	[dreg:$0x0] =	wrdreg $0x0  }
0xac: {  	s9 =	sshll.u32 s28, $0x1;
	[dreg:$0x2] =	wrdreg s7  }
0xad: {  	[dreg:$0x3] =	wrdreg s9  }
0xae: {  	[dreg:$0x4] =	wrdreg $0xC0  }
0xaf: {  	_ =	task [dreg:s11], $0x5FFFF  }
0xb0: {  	[dreg:$0x1] =	wrdreg $0xFFFFFFFF  }
0xb1: {  	[dreg:$0x0] =	wrdreg $0x60  }
0xb2: {  	[dreg:$0x2] =	wrdreg s4  }
0xb3: {  	[dreg:$0x3] =	wrdreg s5  }
0xb4: {  	[dreg:$0x4] =	wrdreg s2  }
0xb5: {  	[dreg:$0x5] =	wrdreg s18  }
0xb6: {  	[dreg:$0x6] =	wrdreg s24  }
0xb7: {  	[dreg:$0x7] =	wrdreg s6  }
0xb8: {  	[dreg:$0x8] =	wrdreg $0x9  }
0xb9: {  	_ =	task.clear_ibuf [dreg:s11], $0x9FFFF;
	_ =	strace $0x90000046  }
0xba: {  	s29 =	simm.s32 $0x9;
	_ =	strace $0x80000048  }
0xbb: {  	_ =	swait.ge [sflag:s29], $0x1  }
0xbc: {  	[sflag:s29] =	ssyncadd.s32 $0xFFFFFFFF  }
0xbd: {  	_ =	strace $0x90000048  }
0xbe: {  	_ =	sfence  }
0xbf: {  	s30 =	sld [smem:$0x0];
	_ =	sdelay $0x2  }
0xc0: {  	s31 =	sshll.u32 s1, $0xD;
	s1 =	sshrl.u32 s1, $0x2  }
0xc1: {  	s3 =	sand.u32 $0x4000, s31;
	s1 =	sadd.s32 s1, s30  }
0xc2: {  	s0 =	sor.u32 s3, s0;
	s1 =	sshll.u32 s1, $0x11  }
0xc3: {  	s0 =	sor.u32 s1, s0  }
0xc4: {  	s0 =	sadd.s32 $0x8F2B, s0  }
0xc5: {  	[sflag:s0] =	ssyncadd.remote.s32 $0x1  }
0xc6: {  	_ =	sfence.sel $0xFFFF  }
0xc7: {  	[dreg:$0x0] =	wrdreg $0xFFFFFFFF;
	(pc) =	sbr.abs _section_cstart, $3  }
0xc8: {  	[dreg:$0x1] =	wrdreg $0xFFFFFFFF  }
0xc9: {  	_ =	task.clear_ibuf [dreg:s11], $0x2FFFF;
	_ =	strace $0x9FFFFFFF  }
0xca: {  	(tm) =	ssettm $0x7FFFFFFF  }
0xcb: {  	_ =	shalt  }
tec
execute0_lowered:
.L_overlay_start_1:
0x0: {  	(tag) =	ssettag $0x1  }
0x1: {  	s1 =	rddreg [dreg:$0x0]  }
0x2: {  	s2 =	rddreg [dreg:$0x1]  }
0x3: {  	s8 =	rddreg [dreg:$0x2]  }
0x4: {  	s9 =	rddreg [dreg:$0x3]  }
0x5: {  	s6 =	rddreg [dreg:$0x4]  }
0x6: {  	s12 =	rddreg [dreg:$0x5]  }
0x7: {  	s0 =	rddreg [dreg:$0x6];
	s3 =	simm.s32 $0x0  }
0x8: {  	s4 =	simm.s32 $0x800;
	[smem:$0x7FF] =	sst s3  }
0x9: {  	s22 =	simm.s32 $0x8800;
	_ =	strace $0x80000047;
	[dreg:$0x7] =	wrdreg s4  }
0xa: {  	s23 =	simm.s32 $0xC00;
	[dreg:$0x8] =	wrdreg s22  }
0xb: {  	s24 =	simm.s32 $0x8C00;
	[dreg:$0x9] =	wrdreg s23  }
0xc: {  	s25 =	simm.s32 $0x1000;
	[dreg:$0xa] =	wrdreg s24  }
0xd: {  	s26 =	simm.s32 $0x9000;
	[dreg:$0xb] =	wrdreg s25  }
0xe: {  	s28 =	simm.s32 $0x1400;
	[dreg:$0xc] =	wrdreg s26  }
0xf: {  	s29 =	simm.s32 $0x9400;
	[dreg:$0xd] =	wrdreg s28  }
0x10: {  	s30 =	simm.s32 $0x1800;
	[dreg:$0xe] =	wrdreg s29  }
0x11: {  	s31 =	simm.s32 $0x9800;
	[dreg:$0xf] =	wrdreg s30  }
0x12: {  	s5 =	simm.s32 $0x1C00;
	[dreg:$0x10] =	wrdreg s31  }
0x13: {  	s7 =	simm.s32 $0x9C00;
	[dreg:$0x11] =	wrdreg s5  }
0x14: {  	s10 =	simm.s32 $0x2000;
	[dreg:$0x12] =	wrdreg s7  }
0x15: {  	s11 =	simm.s32 $0xA000;
	[dreg:$0x13] =	wrdreg s10  }
0x16: {  	s13 =	simm.s32 $0x2400;
	[dreg:$0x14] =	wrdreg s11  }
0x17: {  	s14 =	simm.s32 $0xA400;
	[dreg:$0x15] =	wrdreg s13  }
0x18: {  	s15 =	simm.s32 $0x2800;
	[dreg:$0x16] =	wrdreg s14  }
0x19: {  	s16 =	simm.s32 $0xA800;
	[dreg:$0x17] =	wrdreg s15  }
0x1a: {  	s17 =	simm.s32 $0x2C00;
	[dreg:$0x18] =	wrdreg s16  }
0x1b: {  	s18 =	simm.s32 $0xAC00;
	[dreg:$0x19] =	wrdreg s17  }
0x1c: {  	s19 =	simm.s32 $0x3000;
	[dreg:$0x1a] =	wrdreg s18  }
0x1d: {  	s20 =	simm.s32 $0xB000;
	[dreg:$0x1b] =	wrdreg s19  }
0x1e: {  	s21 =	simm.s32 $0x3400;
	[dreg:$0x1c] =	wrdreg s20  }
0x1f: {  	[dreg:$0x1d] =	wrdreg s21;
	s22 =	simm.s32 $0xB400  }
0x20: {  	s23 =	simm.s32 $0x3800;
	[dreg:$0x1e] =	wrdreg s22  }
0x21: {  	s24 =	simm.s32 $0xB800;
	[dreg:$0x1f] =	wrdreg s23  }
0x22: {  	s25 =	simm.s32 $0x3C00;
	[smem:$0x7D9] =	sst s24  }
0x23: {  	s26 =	simm.s32 $0xBC00;
	[smem:$0x7DA] =	sst s25  }
0x24: {  	s28 =	simm.s32 $0x4000;
	[smem:$0x7DB] =	sst s26  }
0x25: {  	s29 =	simm.s32 $0xC000;
	[smem:$0x7DC] =	sst s28  }
0x26: {  	s30 =	simm.s32 $0x4400;
	[smem:$0x7DD] =	sst s29  }
0x27: {  	s31 =	simm.s32 $0xC400;
	[smem:$0x7DE] =	sst s30  }
0x28: {  	s5 =	simm.s32 $0x4800;
	[smem:$0x7DF] =	sst s31  }
0x29: {  	s7 =	simm.s32 $0xC800;
	[smem:$0x7E0] =	sst s5  }
0x2a: {  	s10 =	simm.s32 $0x4C00;
	[smem:$0x7E1] =	sst s7  }
0x2b: {  	s11 =	simm.s32 $0xCC00;
	[smem:$0x7E2] =	sst s10  }
0x2c: {  	s13 =	simm.s32 $0x5000;
	[smem:$0x7E3] =	sst s11  }
0x2d: {  	s14 =	simm.s32 $0xD000;
	[smem:$0x7E4] =	sst s13  }
0x2e: {  	s15 =	simm.s32 $0x5800;
	[smem:$0x7E5] =	sst s14  }
0x2f: {  	s16 =	simm.s32 $0xD800;
	[smem:$0x7E8] =	sst s15  }
0x30: {  	s17 =	simm.s32 $0xDC00;
	[smem:$0x7E9] =	sst s16  }
0x31: {  	s18 =	simm.s32 $0x6000;
	[smem:$0x7EB] =	sst s17  }
0x32: {  	s19 =	simm.s32 $0xE000;
	[smem:$0x7EC] =	sst s18  }
0x33: {  	s20 =	simm.s32 $0x6400;
	[smem:$0x7ED] =	sst s19  }
0x34: {  	s21 =	simm.s32 $0xE400;
	[smem:$0x7EE] =	sst s20  }
0x35: {  	s5 =	simm.s32 $0x5400;
	[smem:$0x7EF] =	sst s21  }
0x36: {  	s7 =	simm.s32 $0xD400;
	[smem:$0x7E6] =	sst s5  }
0x37: {  	s11 =	simm.s32 $0x5C00;
	[smem:$0x7E7] =	sst s7  }
0x38: {  	s23 =	simm.s32 $0x6800;
	[smem:$0x7EA] =	sst s11  }
0x39: {  	s24 =	simm.s32 $0xE800;
	[smem:$0x7F0] =	sst s23  }
0x3a: {  	s25 =	simm.s32 $0x6C00;
	[smem:$0x7F1] =	sst s24  }
0x3b: {  	s4 =	sadd.s32 $0xC00, s6;
	s26 =	simm.s32 $0xEC00;
	[smem:$0x7F2] =	sst s25  }
0x3c: {  	s10 =	srdreg.scid;
	s28 =	simm.s32 $0x7000;
	[smem:$0x7F3] =	sst s26  }
0x3d: {  	s15 =	simm.s32 $0xF000;
	s29 =	simm.s32 $0x7400;
	[smem:$0x7F4] =	sst s28  }
0x3e: {  	s30 =	simm.s32 $0xF400;
	s31 =	simm.s32 $0x7800;
	[smem:$0x7F5] =	sst s15  }
0x3f: {  	s16 =	simm.s32 $0xF800;
	s17 =	simm.s32 $0x7C00;
	[smem:$0x7F6] =	sst s29  }
0x40: {  	s18 =	simm.s32 $0xFC00;
	s19 =	simm.s32 $0x8000;
	[smem:$0x7F7] =	sst s30  }
0x41: {  	s21 =	simm.s32 $0x10000;
	s20 =	simm.s32 $0x8400;
	[smem:$0x7F8] =	sst s31  }
0x42: {  	s5 =	sadd.s32 $0xA00, s6;
	s6 =	sadd.s32 $0x800, s6;
	[smem:$0x7F9] =	sst s16  }
0x43: {  	s7 =	stileid.u32;
	s10 =	sand.u32 $0x1, s10;
	[smem:$0x7FA] =	sst s17  }
0x44: {  	v0 =	vlaneseq.u32;
	s11 =	sadd.s32 $0xF4280, s2;
	s15 =	simm.s32 $0x200;
	[smem:$0x7FB] =	sst s18  }
0x45: {  	v0 =	vmul.u32 $0x800, v0;
	s16 =	simm.s32 $0x10400;
	s17 =	simm.s32 $0x10C00;
	[smem:$0x7FC] =	sst s19  }
0x46: {  	s18 =	simm.s32 $0x11400;
	s19 =	simm.s32 $0x400;
	[smem:$0x7FD] =	sst s21  }
0x47: {  	v1 =	vor.u32 $0x80, v0;
	v2 =	vor.u32 $0x100, v0;
	v3 =	vor.u32 $0x180, v0;
	s21 =	simm.s32 $0x1;
	s23 =	simm.s32 $0x0;
	s13 =	ssub.s32 $0x2, s10  }
0x48: {  	v4 =	vor.u32 $0x200, v0;
	v5 =	vor.u32 $0x280, v0;
	v6 =	vor.u32 $0x300, v0;
	s22 =	sshll.u32 s7, $0x7;
	s10 =	sshll.u32 s10, $0x6;
	s14 =	sshrl.u32 s13, $0x1  }
0x49: {  	v7 =	vor.u32 $0x380, v0;
	v8 =	vor.u32 $0x400, v0;
	v9 =	vor.u32 $0x480, v0;
	s13 =	ssub.s32 s13, s14;
	s14 =	sor.u32 s10, s22;
	s10 =	sadd.s32 $0xF4280, s1  }
0x4a: {  	v10 =	vor.u32 $0x500, v0;
	v11 =	vor.u32 $0x580, v0;
	v12 =	vor.u32 $0x600, v0;
	s22 =	simm.s32 $0x11480;
	s8 =	sadd.s32 s8, s14;
	s9 =	sadd.s32 s9, s14  }
0x4b: {  	v13 =	vor.u32 $0x680, v0;
	v14 =	vor.u32 $0x700, v0;
	v15 =	vor.u32 $0x780, v0;
	s12 =	sadd.s32 s12, s14;
	s13 =	smax.u32 s13, $0x1;
	s14 =	simm.s32 $0x2  }
.LBB2_1:
0x4c: {  	[tilespmem:s3], [sflag:$0x2] =	stream.linear.gather [hbm4b:s8+s3], $0x200, $0x38;
	[tilespmem:$0x11680] =	vst v63  }
0x4d: {  	_ =	swait.ge [sflag:s14], $0x200  }
0x4e: {  	[sflag:s14] =	ssyncset.done $0x0  }
0x4f: {  	[sflag:s14] =	ssyncadd.s32 $0xFFFFFE00  }
0x50: {  	[tilespmem:s15], [sflag:$0x2] =	stream.linear.gather [hbm4b:s9+s3], $0x200, $0x38;
	[tilespmem:$0x11680] =	vst v63  }
0x51: {  	_ =	swait.ge [sflag:s14], $0x200  }
0x52: {  	[sflag:s14] =	ssyncset.done $0x0  }
0x53: {  	[sflag:s14] =	ssyncadd.s32 $0xFFFFFE00  }
0x54: {  	[tilespmem:s16], [sflag:$0x2] =	stream.linear.gather [hbm4b:s4+s3], $0x800, $0x38;
	[tilespmem:$0x11680] =	vst v63  }
0x55: {  	_ =	swait.ge [sflag:s14], $0x800  }
0x56: {  	[sflag:s14] =	ssyncset.done $0x0  }
0x57: {  	[sflag:s14] =	ssyncadd.s32 $0xFFFFF800  }
0x58: {  	[tilespmem:s17], [sflag:$0x2] =	stream.linear.gather [hbm4b:s5+s3], $0x800, $0x38;
	[tilespmem:$0x11680] =	vst v63  }
0x59: {  	_ =	swait.ge [sflag:s14], $0x800  }
0x5a: {  	[sflag:s14] =	ssyncset.done $0x0  }
0x5b: {  	[sflag:s14] =	ssyncadd.s32 $0xFFFFF800  }
0x5c: {  	[tilespmem:s18], [sflag:$0x2] =	stream.linear.gather [hbm4b:s6+s3], $0x80, $0x38;
	[tilespmem:$0x11680] =	vst v63  }
0x5d: {  	_ =	swait.ge [sflag:s14], $0x80  }
0x5e: {  	[sflag:s14] =	ssyncset.done $0x0  }
0x5f: {  	[sflag:s14] =	ssyncadd.s32 $0xFFFFFF80  }
0x60: {  	v31 =	vld [tilespmem:$0x11400];
	_ =	sdelay $0x4  }
0x61: {  	v16 =	vbroadcast v31, $0x0;
	_ =	sdelay $0x1  }
0x62: {  	[tilespmem:$0x1FF70] =	vst v16;
	v16 =	vbroadcast v31, $0x1;
	_ =	sdelay $0x1  }
0x63: {  	[tilespmem:$0x1FF80] =	vst v16;
	v16 =	vbroadcast v31, $0x2;
	_ =	sdelay $0x1  }
0x64: {  	[tilespmem:$0x1FF90] =	vst v16;
	v16 =	vbroadcast v31, $0x3;
	_ =	sdelay $0x1  }
0x65: {  	[tilespmem:$0x1FFA0] =	vst v16;
	v16 =	vbroadcast v31, $0x4;
	_ =	sdelay $0x1  }
0x66: {  	[tilespmem:$0x1FFB0] =	vst v16;
	v16 =	vbroadcast v31, $0x5;
	_ =	sdelay $0x1  }
0x67: {  	[tilespmem:$0x1FFC0] =	vst v16;
	v16 =	vbroadcast v31, $0x6;
	_ =	sdelay $0x1  }
0x68: {  	[tilespmem:$0x1FFD0] =	vst v16;
	v16 =	vbroadcast v31, $0x7  }
0x69: {  	v25 =	vbroadcast v31, $0x9;
	v26 =	vbroadcast v31, $0xA  }
0x6a: {  	v27 =	vbroadcast v31, $0xB;
	[tilespmem:$0x1FFE0] =	vst v16;
	v16 =	vbroadcast v31, $0x8  }
0x6b: {  	v28 =	vbroadcast v31, $0xC;
	v29 =	vbroadcast v31, $0xD  }
0x6c: {  	s24 =	simm.s32 $0x0;
	v32 =	vld.msk [tilespmem:$0x11410 ss:$0x0], $0xffff;
	v30 =	vbroadcast v31, $0xE;
	v31 =	vbroadcast v31, $0xF;
	[tilespmem:$0x1FFF0] =	vst v16  }
.LBB2_2:
0x6d: {  	s25 =	sshra.s32 s24, $0x2  }
0x6e: {  	v33 =	vld [tilespmem:s25+$0x0];
	_ =	sdelay $0x2  }
0x6f: {  	v34 =	vld [tilespmem:s25+$0x200];
	_ =	sdelay $0x1  }
0x70: {  	v35 =	vand.u32 $0xFFFFFF80, v33  }
0x71: {  	vm0 =	vlt.s32 v35, $0xF4180  }
0x72: {  	v36 =	vnsel vm0, $0xF4180, v35  }
0x73: {  	v50 =	vand.u32 $0xFFFFFF80, v34;
	(v2sf) =	vpush v36, $0x0  }
0x74: {  	vm12 =	vlt.s32 v50, $0xF4180  }
0x75: {  	v35 =	vnsel vm12, $0xF4180, v50  }
0x76: {  	(v2sf) =	vpush v35, $0x0;
	_ =	sdelay $0x6  }
0x77: {  	(v2sf) =	vpush v36, $0x1;
	_ =	sdelay $0x4  }
0x78: {  	s26 =	spop (v2sf)  }
0x79: {  	(v2sf) =	vpush v35, $0x1;
	s28 =	sadd.s32 s1, s26  }
0x7a: {  	[tilespmem:s19], [sflag:$0x1] =	stream.linear.gather [hbm4b:s28+s3], $0x400, $0x38;
	[tilespmem:$0x11680] =	vst v63  }
0x7b: {  	s28 =	spop (v2sf)  }
0x7c: {  	s29 =	sadd.s32 s2, s28  }
0x7d: {  	(v2sf) =	vpush v36, $0x2;
	[tilespmem:s20], [sflag:$0x1] =	stream.linear.gather [hbm4b:s29+s3], $0x400, $0x38;
	[tilespmem:$0x11680] =	vst v63  }
0x7e: {  	s30 =	rddreg [dreg:$0x7];
	s26 =	sadd.s32 s26, s10  }
0x7f: {  	[tilespmem:s30], [sflag:$0x1] =	stream.linear.gather [hbm4b:s26+s3], $0x400, $0x38;
	[tilespmem:$0x11680] =	vst v63  }
0x80: {  	s31 =	rddreg [dreg:$0x8];
	s28 =	sadd.s32 s28, s11  }
0x81: {  	[tilespmem:s31], [sflag:$0x1] =	stream.linear.gather [hbm4b:s28+s3], $0x400, $0x38;
	[tilespmem:$0x11680] =	vst v63  }
0x82: {  	s28 =	spop (v2sf);
	(v2sf) =	vpush v35, $0x2;
	_ =	sdelay $0x5  }
0x83: {  	s30 =	rddreg [dreg:$0x9];
	s31 =	sadd.s32 s1, s28;
	s29 =	spop (v2sf);
	(v2sf) =	vpush v36, $0x3  }
0x84: {  	[tilespmem:s30], [sflag:$0x1] =	stream.linear.gather [hbm4b:s31+s3], $0x400, $0x38;
	[tilespmem:$0x11680] =	vst v63  }
0x85: {  	s26 =	rddreg [dreg:$0xa];
	s30 =	sadd.s32 s2, s29  }
0x86: {  	[tilespmem:s26], [sflag:$0x1] =	stream.linear.gather [hbm4b:s30+s3], $0x400, $0x38;
	[tilespmem:$0x11680] =	vst v63  }
0x87: {  	s26 =	sadd.s32 s28, s10;
	s28 =	spop (v2sf);
	(v2sf) =	vpush v35, $0x3  }
0x88: {  	s31 =	rddreg [dreg:$0xb]  }
0x89: {  	[tilespmem:s31], [sflag:$0x1] =	stream.linear.gather [hbm4b:s26+s3], $0x400, $0x38;
	[tilespmem:$0x11680] =	vst v63  }
0x8a: {  	s29 =	sadd.s32 s29, s11;
	s30 =	rddreg [dreg:$0xc]  }
0x8b: {  	[tilespmem:s30], [sflag:$0x1] =	stream.linear.gather [hbm4b:s29+s3], $0x400, $0x38;
	[tilespmem:$0x11680] =	vst v63  }
0x8c: {  	s29 =	spop (v2sf);
	(v2sf) =	vpush v36, $0x4;
	_ =	sdelay $0x1  }
0x8d: {  	s31 =	sadd.s32 s1, s28;
	s30 =	rddreg [dreg:$0xd]  }
0x8e: {  	[tilespmem:s30], [sflag:$0x1] =	stream.linear.gather [hbm4b:s31+s3], $0x400, $0x38;
	[tilespmem:$0x11680] =	vst v63  }
0x8f: {  	s26 =	rddreg [dreg:$0xe];
	s30 =	sadd.s32 s2, s29  }
0x90: {  	[tilespmem:s26], [sflag:$0x1] =	stream.linear.gather [hbm4b:s30+s3], $0x400, $0x38;
	[tilespmem:$0x11680] =	vst v63  }
0x91: {  	s31 =	rddreg [dreg:$0xf];
	s26 =	sadd.s32 s28, s10;
	s28 =	spop (v2sf);
	(v2sf) =	vpush v35, $0x4  }
0x92: {  	[tilespmem:s31], [sflag:$0x1] =	stream.linear.gather [hbm4b:s26+s3], $0x400, $0x38;
	[tilespmem:$0x11680] =	vst v63  }
0x93: {  	s29 =	sadd.s32 s29, s11;
	s30 =	rddreg [dreg:$0x10]  }
0x94: {  	[tilespmem:s30], [sflag:$0x1] =	stream.linear.gather [hbm4b:s29+s3], $0x400, $0x38;
	[tilespmem:$0x11680] =	vst v63  }
0x95: {  	s29 =	spop (v2sf);
	(v2sf) =	vpush v36, $0x5  }
0x96: {  	s30 =	rddreg [dreg:$0x11];
	s31 =	sadd.s32 s1, s28  }
0x97: {  	[tilespmem:s30], [sflag:$0x1] =	stream.linear.gather [hbm4b:s31+s3], $0x400, $0x38;
	[tilespmem:$0x11680] =	vst v63  }
0x98: {  	s26 =	rddreg [dreg:$0x12];
	s30 =	sadd.s32 s2, s29  }
0x99: {  	[tilespmem:s26], [sflag:$0x1] =	stream.linear.gather [hbm4b:s30+s3], $0x400, $0x38;
	[tilespmem:$0x11680] =	vst v63  }
0x9a: {  	s26 =	sadd.s32 s28, s10;
	s28 =	spop (v2sf);
	(v2sf) =	vpush v35, $0x5;
	_ =	sdelay $0x1  }
0x9b: {  	s31 =	rddreg [dreg:$0x13]  }
0x9c: {  	[tilespmem:s31], [sflag:$0x1] =	stream.linear.gather [hbm4b:s26+s3], $0x400, $0x38;
	[tilespmem:$0x11680] =	vst v63  }
0x9d: {  	s29 =	sadd.s32 s29, s11;
	s30 =	rddreg [dreg:$0x14]  }
0x9e: {  	[tilespmem:s30], [sflag:$0x1] =	stream.linear.gather [hbm4b:s29+s3], $0x400, $0x38;
	[tilespmem:$0x11680] =	vst v63  }
0x9f: {  	s30 =	rddreg [dreg:$0x15];
	s31 =	sadd.s32 s1, s28;
	s29 =	spop (v2sf);
	(v2sf) =	vpush v36, $0x6  }
0xa0: {  	[tilespmem:s30], [sflag:$0x1] =	stream.linear.gather [hbm4b:s31+s3], $0x400, $0x38;
	[tilespmem:$0x11680] =	vst v63  }
0xa1: {  	s26 =	rddreg [dreg:$0x16];
	s30 =	sadd.s32 s2, s29  }
0xa2: {  	[tilespmem:s26], [sflag:$0x1] =	stream.linear.gather [hbm4b:s30+s3], $0x400, $0x38;
	[tilespmem:$0x11680] =	vst v63  }
0xa3: {  	s26 =	sadd.s32 s28, s10;
	s28 =	spop (v2sf);
	(v2sf) =	vpush v35, $0x6  }
0xa4: {  	s31 =	rddreg [dreg:$0x17]  }
0xa5: {  	[tilespmem:s31], [sflag:$0x1] =	stream.linear.gather [hbm4b:s26+s3], $0x400, $0x38;
	[tilespmem:$0x11680] =	vst v63  }
0xa6: {  	s29 =	sadd.s32 s29, s11;
	s30 =	rddreg [dreg:$0x18]  }
0xa7: {  	[tilespmem:s30], [sflag:$0x1] =	stream.linear.gather [hbm4b:s29+s3], $0x400, $0x38;
	[tilespmem:$0x11680] =	vst v63  }
0xa8: {  	s31 =	sadd.s32 s1, s28;
	s30 =	rddreg [dreg:$0x19];
	s29 =	spop (v2sf);
	(v2sf) =	vpush v36, $0x7  }
0xa9: {  	[tilespmem:s30], [sflag:$0x1] =	stream.linear.gather [hbm4b:s31+s3], $0x400, $0x38;
	[tilespmem:$0x11680] =	vst v63  }
0xaa: {  	s26 =	rddreg [dreg:$0x1a];
	s30 =	sadd.s32 s2, s29  }
0xab: {  	[tilespmem:s26], [sflag:$0x1] =	stream.linear.gather [hbm4b:s30+s3], $0x400, $0x38;
	[tilespmem:$0x11680] =	vst v63  }
0xac: {  	s31 =	rddreg [dreg:$0x1b];
	s26 =	sadd.s32 s28, s10  }
0xad: {  	[tilespmem:s31], [sflag:$0x1] =	stream.linear.gather [hbm4b:s26+s3], $0x400, $0x38;
	[tilespmem:$0x11680] =	vst v63  }
0xae: {  	s29 =	sadd.s32 s29, s11;
	s30 =	rddreg [dreg:$0x1c];
	s28 =	spop (v2sf);
	(v2sf) =	vpush v35, $0x7  }
0xaf: {  	[tilespmem:s30], [sflag:$0x1] =	stream.linear.gather [hbm4b:s29+s3], $0x400, $0x38;
	[tilespmem:$0x11680] =	vst v63  }
0xb0: {  	s30 =	rddreg [dreg:$0x1d];
	s31 =	sadd.s32 s1, s28  }
0xb1: {  	[tilespmem:s30], [sflag:$0x1] =	stream.linear.gather [hbm4b:s31+s3], $0x400, $0x38;
	[tilespmem:$0x11680] =	vst v63  }
0xb2: {  	s26 =	rddreg [dreg:$0x1e];
	s29 =	spop (v2sf)  }
0xb3: {  	s31 =	rddreg [dreg:$0x1f];
	(v2sf) =	vpush v36, $0x8;
	s30 =	sadd.s32 s2, s29  }
0xb4: {  	[tilespmem:s26], [sflag:$0x1] =	stream.linear.gather [hbm4b:s30+s3], $0x400, $0x38;
	[tilespmem:$0x11680] =	vst v63  }
0xb5: {  	s26 =	sadd.s32 s28, s10;
	s30 =	sld [smem:$0x7D9]  }
0xb6: {  	[tilespmem:s31], [sflag:$0x1] =	stream.linear.gather [hbm4b:s26+s3], $0x400, $0x38;
	[tilespmem:$0x11680] =	vst v63  }
0xb7: {  	s29 =	sadd.s32 s29, s11;
	s28 =	spop (v2sf);
	(v2sf) =	vpush v35, $0x8  }
0xb8: {  	[tilespmem:s30], [sflag:$0x1] =	stream.linear.gather [hbm4b:s29+s3], $0x400, $0x38;
	[tilespmem:$0x11680] =	vst v63  }
0xb9: {  	s30 =	sld [smem:$0x7DA];
	_ =	sdelay $0x1  }
0xba: {  	s26 =	sld [smem:$0x7DB];
	s31 =	sadd.s32 s1, s28  }
0xbb: {  	[tilespmem:s30], [sflag:$0x1] =	stream.linear.gather [hbm4b:s31+s3], $0x400, $0x38;
	[tilespmem:$0x11680] =	vst v63  }
0xbc: {  	s29 =	spop (v2sf)  }
0xbd: {  	s31 =	sld [smem:$0x7DC];
	s30 =	sadd.s32 s2, s29  }
0xbe: {  	(v2sf) =	vpush v36, $0x9;
	[tilespmem:s26], [sflag:$0x1] =	stream.linear.gather [hbm4b:s30+s3], $0x400, $0x38;
	[tilespmem:$0x11680] =	vst v63  }
0xbf: {  	s26 =	sadd.s32 s28, s10;
	s30 =	sld [smem:$0x7DD]  }
0xc0: {  	[tilespmem:s31], [sflag:$0x1] =	stream.linear.gather [hbm4b:s26+s3], $0x400, $0x38;
	[tilespmem:$0x11680] =	vst v63  }
0xc1: {  	s29 =	sadd.s32 s29, s11;
	s28 =	spop (v2sf);
	(v2sf) =	vpush v35, $0x9  }
0xc2: {  	[tilespmem:s30], [sflag:$0x1] =	stream.linear.gather [hbm4b:s29+s3], $0x400, $0x38;
	[tilespmem:$0x11680] =	vst v63  }
0xc3: {  	s30 =	sld [smem:$0x7DE];
	_ =	sdelay $0x1  }
0xc4: {  	s31 =	sadd.s32 s1, s28;
	s26 =	sld [smem:$0x7DF];
	s29 =	spop (v2sf)  }
0xc5: {  	[tilespmem:s30], [sflag:$0x1] =	stream.linear.gather [hbm4b:s31+s3], $0x400, $0x38;
	[tilespmem:$0x11680] =	vst v63  }
0xc6: {  	(v2sf) =	vpush v36, $0xA;
	s30 =	sadd.s32 s2, s29;
	s31 =	sld [smem:$0x7E0]  }
0xc7: {  	[tilespmem:s26], [sflag:$0x1] =	stream.linear.gather [hbm4b:s30+s3], $0x400, $0x38;
	[tilespmem:$0x11680] =	vst v63  }
0xc8: {  	s26 =	sadd.s32 s28, s10;
	s30 =	sld [smem:$0x7E1]  }
0xc9: {  	[tilespmem:s31], [sflag:$0x1] =	stream.linear.gather [hbm4b:s26+s3], $0x400, $0x38;
	[tilespmem:$0x11680] =	vst v63  }
0xca: {  	s29 =	sadd.s32 s29, s11  }
0xcb: {  	[tilespmem:s30], [sflag:$0x1] =	stream.linear.gather [hbm4b:s29+s3], $0x400, $0x38;
	[tilespmem:$0x11680] =	vst v63  }
0xcc: {  	s28 =	spop (v2sf);
	(v2sf) =	vpush v35, $0xA  }
0xcd: {  	s30 =	sld [smem:$0x7E2];
	_ =	sdelay $0x1  }
0xce: {  	s26 =	sld [smem:$0x7E3];
	s31 =	sadd.s32 s1, s28;
	s29 =	spop (v2sf)  }
0xcf: {  	[tilespmem:s30], [sflag:$0x1] =	stream.linear.gather [hbm4b:s31+s3], $0x400, $0x38;
	[tilespmem:$0x11680] =	vst v63  }
0xd0: {  	(v2sf) =	vpush v36, $0xB;
	s30 =	sadd.s32 s2, s29;
	s31 =	sld [smem:$0x7E4]  }
0xd1: {  	[tilespmem:s26], [sflag:$0x1] =	stream.linear.gather [hbm4b:s30+s3], $0x400, $0x38;
	[tilespmem:$0x11680] =	vst v63  }
0xd2: {  	s26 =	sadd.s32 s28, s10;
	s30 =	sld [smem:$0x7E5]  }
0xd3: {  	[tilespmem:s31], [sflag:$0x1] =	stream.linear.gather [hbm4b:s26+s3], $0x400, $0x38;
	[tilespmem:$0x11680] =	vst v63  }
0xd4: {  	s29 =	sadd.s32 s29, s11;
	s28 =	spop (v2sf);
	(v2sf) =	vpush v35, $0xB  }
0xd5: {  	[tilespmem:s30], [sflag:$0x1] =	stream.linear.gather [hbm4b:s29+s3], $0x400, $0x38;
	[tilespmem:$0x11680] =	vst v63  }
0xd6: {  	s30 =	sld [smem:$0x7E6];
	_ =	sdelay $0x1  }
0xd7: {  	s26 =	sld [smem:$0x7E7];
	s31 =	sadd.s32 s1, s28  }
0xd8: {  	[tilespmem:s30], [sflag:$0x1] =	stream.linear.gather [hbm4b:s31+s3], $0x400, $0x38;
	[tilespmem:$0x11680] =	vst v63  }
0xd9: {  	s29 =	spop (v2sf)  }
0xda: {  	s31 =	sld [smem:$0x7E8];
	s30 =	sadd.s32 s2, s29  }
0xdb: {  	(v2sf) =	vpush v36, $0xC;
	[tilespmem:s26], [sflag:$0x1] =	stream.linear.gather [hbm4b:s30+s3], $0x400, $0x38;
	[tilespmem:$0x11680] =	vst v63  }
0xdc: {  	s26 =	sadd.s32 s28, s10;
	s30 =	sld [smem:$0x7E9]  }
0xdd: {  	[tilespmem:s31], [sflag:$0x1] =	stream.linear.gather [hbm4b:s26+s3], $0x400, $0x38;
	[tilespmem:$0x11680] =	vst v63  }
0xde: {  	s29 =	sadd.s32 s29, s11;
	s28 =	spop (v2sf);
	(v2sf) =	vpush v35, $0xC  }
0xdf: {  	[tilespmem:s30], [sflag:$0x1] =	stream.linear.gather [hbm4b:s29+s3], $0x400, $0x38;
	[tilespmem:$0x11680] =	vst v63  }
0xe0: {  	s30 =	sld [smem:$0x7EA];
	_ =	sdelay $0x1  }
0xe1: {  	s31 =	sadd.s32 s1, s28;
	s26 =	sld [smem:$0x7EB];
	s29 =	spop (v2sf)  }
0xe2: {  	[tilespmem:s30], [sflag:$0x1] =	stream.linear.gather [hbm4b:s31+s3], $0x400, $0x38;
	[tilespmem:$0x11680] =	vst v63  }
0xe3: {  	s30 =	sadd.s32 s2, s29;
	s31 =	sld [smem:$0x7EC]  }
0xe4: {  	[tilespmem:s26], [sflag:$0x1] =	stream.linear.gather [hbm4b:s30+s3], $0x400, $0x38;
	[tilespmem:$0x11680] =	vst v63  }
0xe5: {  	s26 =	sadd.s32 s28, s10;
	s30 =	sld [smem:$0x7ED]  }
0xe6: {  	(v2sf) =	vpush v36, $0xD;
	[tilespmem:s31], [sflag:$0x1] =	stream.linear.gather [hbm4b:s26+s3], $0x400, $0x38;
	[tilespmem:$0x11680] =	vst v63  }
0xe7: {  	s29 =	sadd.s32 s29, s11  }
0xe8: {  	[tilespmem:s30], [sflag:$0x1] =	stream.linear.gather [hbm4b:s29+s3], $0x400, $0x38;
	[tilespmem:$0x11680] =	vst v63  }
0xe9: {  	s28 =	spop (v2sf);
	(v2sf) =	vpush v35, $0xD  }
0xea: {  	s30 =	sld [smem:$0x7EE];
	_ =	sdelay $0x1  }
0xeb: {  	s26 =	sld [smem:$0x7EF];
	s31 =	sadd.s32 s1, s28;
	s29 =	spop (v2sf)  }
0xec: {  	[tilespmem:s30], [sflag:$0x1] =	stream.linear.gather [hbm4b:s31+s3], $0x400, $0x38;
	[tilespmem:$0x11680] =	vst v63  }
0xed: {  	(v2sf) =	vpush v36, $0xE;
	s30 =	sadd.s32 s2, s29;
	s31 =	sld [smem:$0x7F0]  }
0xee: {  	[tilespmem:s26], [sflag:$0x1] =	stream.linear.gather [hbm4b:s30+s3], $0x400, $0x38;
	[tilespmem:$0x11680] =	vst v63  }
0xef: {  	(v2sf) =	vpush v35, $0xE;
	s26 =	sadd.s32 s28, s10;
	s30 =	sld [smem:$0x7F1]  }
0xf0: {  	[tilespmem:s31], [sflag:$0x1] =	stream.linear.gather [hbm4b:s26+s3], $0x400, $0x38;
	[tilespmem:$0x11680] =	vst v63  }
0xf1: {  	s29 =	sadd.s32 s29, s11  }
0xf2: {  	[tilespmem:s30], [sflag:$0x1] =	stream.linear.gather [hbm4b:s29+s3], $0x400, $0x38;
	[tilespmem:$0x11680] =	vst v63  }
0xf3: {  	s30 =	sld [smem:$0x7F2]  }
0xf4: {  	s28 =	spop (v2sf)  }
0xf5: {  	s26 =	sld [smem:$0x7F3];
	(v2sf) =	vpush v36, $0xF;
	s31 =	sadd.s32 s1, s28  }
0xf6: {  	[tilespmem:s30], [sflag:$0x1] =	stream.linear.gather [hbm4b:s31+s3], $0x400, $0x38;
	[tilespmem:$0x11680] =	vst v63  }
0xf7: {  	s29 =	spop (v2sf)  }
0xf8: {  	s31 =	sld [smem:$0x7F4];
	s30 =	sadd.s32 s2, s29  }
0xf9: {  	(v2sf) =	vpush v35, $0xF;
	[tilespmem:s26], [sflag:$0x1] =	stream.linear.gather [hbm4b:s30+s3], $0x400, $0x38;
	[tilespmem:$0x11680] =	vst v63  }
0xfa: {  	s30 =	sadd.s32 s28, s10;
	s28 =	sld [smem:$0x7F5]  }
0xfb: {  	[tilespmem:s31], [sflag:$0x1] =	stream.linear.gather [hbm4b:s30+s3], $0x400, $0x38;
	[tilespmem:$0x11680] =	vst v63  }
0xfc: {  	s29 =	sadd.s32 s29, s11;
	s26 =	spop (v2sf);
	s30 =	sld [smem:$0x7F6]  }
0xfd: {  	[tilespmem:s28], [sflag:$0x1] =	stream.linear.gather [hbm4b:s29+s3], $0x400, $0x38;
	[tilespmem:$0x11680] =	vst v63  }
0xfe: {  	s31 =	sld [smem:$0x7F7];
	s28 =	spop (v2sf);
	s29 =	sadd.s32 s1, s26  }
0xff: {  	[tilespmem:s30], [sflag:$0x1] =	stream.linear.gather [hbm4b:s29+s3], $0x400, $0x38;
	[tilespmem:$0x11680] =	vst v63  }
0x100: {  	s29 =	sadd.s32 s2, s28;
	s30 =	sld [smem:$0x7F8]  }
0x101: {  	[tilespmem:s31], [sflag:$0x1] =	stream.linear.gather [hbm4b:s29+s3], $0x400, $0x38;
	[tilespmem:$0x11680] =	vst v63  }
0x102: {  	s26 =	sadd.s32 s26, s10;
	s29 =	sld [smem:$0x7F9]  }
0x103: {  	[tilespmem:s30], [sflag:$0x1] =	stream.linear.gather [hbm4b:s26+s3], $0x400, $0x38;
	[tilespmem:$0x11680] =	vst v63  }
0x104: {  	s28 =	sadd.s32 s28, s11;
	s31 =	sld [smem:$0x7FA];
	s26 =	spop (v2sf)  }
0x105: {  	[tilespmem:s29], [sflag:$0x1] =	stream.linear.gather [hbm4b:s28+s3], $0x400, $0x38;
	[tilespmem:$0x11680] =	vst v63  }
0x106: {  	s29 =	sadd.s32 s1, s26;
	s28 =	sld [smem:$0x7FB]  }
0x107: {  	[tilespmem:s31], [sflag:$0x1] =	stream.linear.gather [hbm4b:s29+s3], $0x400, $0x38;
	[tilespmem:$0x11680] =	vst v63  }
0x108: {  	s29 =	spop (v2sf)  }
0x109: {  	s31 =	sld [smem:$0x7FC];
	s30 =	sadd.s32 s2, s29  }
0x10a: {  	[tilespmem:s28], [sflag:$0x1] =	stream.linear.gather [hbm4b:s30+s3], $0x400, $0x38;
	[tilespmem:$0x11680] =	vst v63  }
0x10b: {  	s26 =	sadd.s32 s26, s10;
	s30 =	sld [smem:$0x7FD]  }
0x10c: {  	[tilespmem:s31], [sflag:$0x1] =	stream.linear.gather [hbm4b:s26+s3], $0x400, $0x38;
	[tilespmem:$0x11680] =	vst v63  }
0x10d: {  	s31 =	sadd.s32 s29, s11  }
0x10e: {  	v51 =	vadd.s32 $0xFFF0BE00, v33;
	[tilespmem:s30], [sflag:$0x1] =	stream.linear.gather [hbm4b:s31+s3], $0x400, $0x38;
	[tilespmem:$0x11680] =	vst v63  }
0x10f: {  	vm13 =	vgt.s32 v51, $0x0;
	v36 =	vand.u32 $0x7F, v33;
	_ =	swait.ge [sflag:s21], $0x8000  }
0x110: {  	v39 =	vadd.s32 $0xFFF0BE00, v34;
	v37 =	vnsel vm13, $0x0, v51;
	v40 =	vor.u32 v0, v36;
	[sflag:s21] =	ssyncset.done $0x0  }
0x111: {  	vm14 =	vgt.s32 v39, $0x0;
	v38 =	vmin.u32 v37, $0x3F;
	v35 =	vand.u32 $0x7F, v34;
	[sflag:s21] =	ssyncadd.s32 $0xFFFF8000  }
0x112: {  	v52 =	vnsel vm14, $0x0, v39;
	v53 =	vor.u32 v0, v35;
	_ =	swait.ge [sflag:s21], $0x8000  }
0x113: {  	v37 =	vmin.u32 v52, $0x3F;
	[sflag:s21] =	ssyncset.done $0x0  }
0x114: {  	v41 =	vor.u32 v1, v36;
	[sflag:s21] =	ssyncadd.s32 $0xFFFF8000  }
0x115: {  	v42 =	vor.u32 $0x80, v38;
	v40 =	vld.idx.msk [tilespmem:v40+s19+$0x0], $0xffff  }
0x116: {  	v44 =	vor.u32 v1, v35;
	v43 =	vld.idx.msk [tilespmem:v38+s16+$0x0], $0xffff  }
0x117: {  	v45 =	vor.u32 $0x80, v37;
	v39 =	vld.idx.msk [tilespmem:v53+s20+$0x0], $0xffff  }
0x118: {  	v47 =	vor.u32 v2, v36;
	v46 =	vld.idx.msk [tilespmem:v37+s17+$0x0], $0xffff  }
0x119: {  	v48 =	vor.u32 $0x100, v38;
	v41 =	vld.idx.msk [tilespmem:v41+s19+$0x0], $0xffff  }
0x11a: {  	v49 =	vor.u32 v2, v35;
	v42 =	vld.idx.msk [tilespmem:v42+s16+$0x0], $0xffff  }
0x11b: {  	v50 =	vor.u32 $0x100, v37;
	v44 =	vld.idx.msk [tilespmem:v44+s20+$0x0], $0xffff  }
0x11c: {  	v51 =	vor.u32 v3, v36;
	v45 =	vld.idx.msk [tilespmem:v45+s17+$0x0], $0xffff  }
0x11d: {  	v52 =	vor.u32 $0x180, v38;
	v47 =	vld.idx.msk [tilespmem:v47+s19+$0x0], $0xffff  }
0x11e: {  	v54 =	vor.u32 $0x180, v37;
	v48 =	vld.idx.msk [tilespmem:v48+s16+$0x0], $0xffff  }
0x11f: {  	v55 =	vor.u32 v4, v36;
	v49 =	vld.idx.msk [tilespmem:v49+s20+$0x0], $0xffff  }
0x120: {  	v56 =	vor.u32 $0x200, v38;
	v50 =	vld.idx.msk [tilespmem:v50+s17+$0x0], $0xffff  }
0x121: {  	v57 =	vor.u32 v4, v35;
	v51 =	vld.idx.msk [tilespmem:v51+s19+$0x0], $0xffff  }
0x122: {  	v58 =	vor.u32 $0x200, v37;
	v52 =	vld.idx.msk [tilespmem:v52+s16+$0x0], $0xffff  }
0x123: {  	v59 =	vor.u32 v5, v36;
	v54 =	vld.idx.msk [tilespmem:v54+s17+$0x0], $0xffff  }
0x124: {  	v60 =	vor.u32 $0x280, v38;
	v55 =	vld.idx.msk [tilespmem:v55+s19+$0x0], $0xffff  }
0x125: {  	v61 =	vor.u32 v5, v35;
	v56 =	vld.idx.msk [tilespmem:v56+s16+$0x0], $0xffff  }
0x126: {  	v62 =	vor.u32 $0x280, v37;
	v57 =	vld.idx.msk [tilespmem:v57+s20+$0x0], $0xffff  }
0x127: {  	v63 =	vor.u32 v6, v36;
	v58 =	vld.idx.msk [tilespmem:v58+s17+$0x0], $0xffff  }
0x128: {  	v16 =	vor.u32 $0x300, v38;
	v59 =	vld.idx.msk [tilespmem:v59+s19+$0x0], $0xffff  }
0x129: {  	v17 =	vor.u32 v6, v35;
	v60 =	vld.idx.msk [tilespmem:v60+s16+$0x0], $0xffff  }
0x12a: {  	v18 =	vor.u32 $0x300, v37;
	v61 =	vld.idx.msk [tilespmem:v61+s20+$0x0], $0xffff  }
0x12b: {  	v19 =	vor.u32 v7, v36;
	v62 =	vld.idx.msk [tilespmem:v62+s17+$0x0], $0xffff  }
0x12c: {  	v20 =	vor.u32 $0x380, v38;
	v63 =	vld.idx.msk [tilespmem:v63+s19+$0x0], $0xffff  }
0x12d: {  	v21 =	vor.u32 v7, v35;
	v16 =	vld.idx.msk [tilespmem:v16+s16+$0x0], $0xffff  }
0x12e: {  	v22 =	vor.u32 $0x380, v37;
	v17 =	vld.idx.msk [tilespmem:v17+s20+$0x0], $0xffff  }
0x12f: {  	v23 =	vor.u32 v8, v36;
	v18 =	vld.idx.msk [tilespmem:v18+s17+$0x0], $0xffff  }
0x130: {  	v24 =	vor.u32 $0x400, v38;
	v19 =	vld.idx.msk [tilespmem:v19+s19+$0x0], $0xffff  }
0x131: {  	vm15 =	vgt.s32 v33, $0xF41FF;
	v33 =	vor.u32 v8, v35;
	v20 =	vld.idx.msk [tilespmem:v20+s16+$0x0], $0xffff  }
0x132: {  	v53 =	vor.u32 v3, v35;
	v21 =	vld.idx.msk [tilespmem:v21+s20+$0x0], $0xffff  }
0x133: {  	v22 =	vld.idx.msk [tilespmem:v22+s17+$0x0], $0xffff  }
0x134: {  	v23 =	vld.idx.msk [tilespmem:v23+s19+$0x0], $0xffff  }
0x135: {  	v24 =	vld.idx.msk [tilespmem:v24+s16+$0x0], $0xffff  }
0x136: {  	vm1 =	vgt.s32 v34, $0xF41FF;
	v33 =	vld.idx.msk [tilespmem:v33+s20+$0x0], $0xffff  }
0x137: {  	v53 =	vld.idx.msk [tilespmem:v53+s20+$0x0], $0xffff;
	v34 =	vsel vm15, v43, v40;
	v39 =	vsel vm1, v46, v39;
	v40 =	vor.u32 $0x400, v37  }
0x138: {  	v41 =	vsel vm15, v42, v41;
	v42 =	vsel vm1, v45, v44;
	v43 =	vor.u32 $0x480, v38;
	v44 =	vld [tilespmem:$0x1FF70]  }
0x139: {  	v45 =	vld [tilespmem:$0x1FF80];
	v46 =	vsel vm15, v48, v47;
	v47 =	vsel vm1, v50, v49;
	v50 =	vor.u32 $0x500, v37  }
0x13a: {  	v60 =	vsel vm15, v60, v59;
	v61 =	vsel vm1, v62, v61;
	v62 =	vld [tilespmem:$0x1FFB0];
	v16 =	vsel vm15, v16, v63  }
0x13b: {  	v59 =	vsel vm1, v22, v21;
	v22 =	vor.u32 $0x680, v37;
	v63 =	vld [tilespmem:$0x1FFE0];
	v34 =	vmul.f32 v39, v34  }
0x13c: {  	v39 =	vor.u32 v9, v36;
	v40 =	vld.idx.msk [tilespmem:v40+s17+$0x0], $0xffff  }
0x13d: {  	v41 =	vmul.f32 v42, v41;
	v42 =	vor.u32 v9, v35;
	v34 =	vmul.f32 v34, v44;
	v43 =	vld.idx.msk [tilespmem:v43+s16+$0x0], $0xffff  }
0x13e: {  	v49 =	vsel vm1, v54, v53;
	v54 =	vld [tilespmem:$0x1FF90]  }
0x13f: {  	v44 =	vor.u32 $0x480, v37;
	v41 =	vmul.f32 v41, v45;
	v50 =	vld.idx.msk [tilespmem:v50+s17+$0x0], $0xffff;
	v34 =	vadd.f32 $0.0e+00, v34  }
0x140: {  	v45 =	vor.u32 v10, v36;
	v53 =	vmul.f32 v61, v60;
	v22 =	vld.idx.msk [tilespmem:v22+s17+$0x0], $0xffff  }
0x141: {  	v60 =	vor.u32 v12, v35;
	v39 =	vld.idx.msk [tilespmem:v39+s19+$0x0], $0xffff;
	v34 =	vadd.f32 v41, v34;
	v41 =	vmul.f32 v47, v46  }
0x142: {  	v42 =	vld.idx.msk [tilespmem:v42+s20+$0x0], $0xffff  }
0x143: {  	v61 =	vor.u32 $0x600, v37;
	v41 =	vmul.f32 v41, v54;
	v54 =	vld [tilespmem:$0x1FFA0]  }
0x144: {  	v46 =	vor.u32 v10, v35;
	v44 =	vld.idx.msk [tilespmem:v44+s17+$0x0], $0xffff  }
0x145: {  	v47 =	vsel vm15, v52, v51;
	v51 =	vor.u32 $0x580, v38;
	v45 =	vld.idx.msk [tilespmem:v45+s19+$0x0], $0xffff  }
0x146: {  	v52 =	vsel vm15, v56, v55;
	v56 =	vor.u32 $0x600, v38;
	v47 =	vmul.f32 v49, v47;
	v21 =	vld.idx.msk [tilespmem:v60+s20+$0x0], $0xffff  }
0x147: {  	v19 =	vsel vm15, v20, v19;
	v60 =	vld [tilespmem:$0x1FFD0]  }
0x148: {  	v49 =	vor.u32 v11, v36;
	v20 =	vld.idx.msk [tilespmem:v61+s17+$0x0], $0xffff;
	v34 =	vadd.f32 v41, v34;
	v41 =	vmul.f32 v47, v54  }
0x149: {  	v48 =	vor.u32 $0x500, v38;
	v58 =	vsel vm1, v58, v57;
	v17 =	vsel vm1, v18, v17;
	v46 =	vld.idx.msk [tilespmem:v46+s20+$0x0], $0xffff  }
0x14a: {  	v61 =	vor.u32 v14, v36;
	v51 =	vld.idx.msk [tilespmem:v51+s16+$0x0], $0xffff;
	v34 =	vadd.f32 v41, v34;
	v41 =	vmul.f32 v58, v52  }
0x14b: {  	v16 =	vmul.f32 v17, v16;
	v17 =	vld.idx.msk [tilespmem:v56+s16+$0x0], $0xffff  }
0x14c: {  	v52 =	vor.u32 v12, v36;
	v41 =	vmul.f32 v41, v62;
	v62 =	vld [tilespmem:$0x1FFC0]  }
0x14d: {  	v23 =	vsel vm15, v24, v23;
	v24 =	vsel vm1, v40, v33;
	v40 =	vor.u32 $0x700, v37;
	v49 =	vld.idx.msk [tilespmem:v49+s19+$0x0], $0xffff  }
0x14e: {  	v47 =	vld.idx.msk [tilespmem:v48+s16+$0x0], $0xffff;
	v48 =	vor.u32 v11, v35  }
0x14f: {  	v16 =	vmul.f32 v16, v60;
	v60 =	vld.idx.msk [tilespmem:v61+s19+$0x0], $0xffff;
	v54 =	vor.u32 $0x580, v37  }
0x150: {  	v19 =	vmul.f32 v59, v19;
	v61 =	vld [tilespmem:$0x1FFF0];
	v58 =	vor.u32 v13, v36  }
0x151: {  	v34 =	vadd.f32 v41, v34;
	v18 =	vld.idx.msk [tilespmem:v52+s19+$0x0], $0xffff;
	v52 =	vor.u32 $0x680, v38;
	v41 =	vmul.f32 v53, v62  }
0x152: {  	v40 =	vld.idx.msk [tilespmem:v40+s17+$0x0], $0xffff;
	v37 =	vor.u32 $0x780, v37  }
0x153: {  	v19 =	vmul.f32 v19, v63;
	v48 =	vld.idx.msk [tilespmem:v48+s20+$0x0], $0xffff;
	v62 =	vor.u32 $0x700, v38;
	v34 =	vadd.f32 v41, v34  }
0x154: {  	v57 =	vmul.f32 v24, v23;
	v24 =	vsel vm15, v43, v39;
	v53 =	vld.idx.msk [tilespmem:v54+s17+$0x0], $0xffff;
	v41 =	vor.u32 v13, v35  }
0x155: {  	v59 =	vsel vm1, v44, v42;
	v54 =	vld.idx.msk [tilespmem:v58+s19+$0x0], $0xffff;
	v58 =	vor.u32 v15, v36;
	v16 =	vadd.f32 v16, v34  }
0x156: {  	v24 =	vmul.f32 v59, v24;
	v34 =	vld.idx.msk [tilespmem:v52+s16+$0x0], $0xffff;
	v52 =	vor.u32 v14, v35  }
0x157: {  	v56 =	vld.idx.msk [tilespmem:v37+s17+$0x0], $0xffff;
	v38 =	vor.u32 $0x780, v38;
	v16 =	vadd.f32 v19, v16;
	v19 =	vmul.f32 v57, v61  }
0x158: {  	v63 =	vsel vm15, v47, v45;
	v45 =	vsel vm1, v50, v46;
	v35 =	vor.u32 v15, v35;
	v62 =	vld.idx.msk [tilespmem:v62+s16+$0x0], $0xffff  }
0x159: {  	v24 =	vmul.f32 v24, v25;
	v47 =	vmul.f32 v45, v63;
	v33 =	vld.idx.msk [tilespmem:v41+s20+$0x0], $0xffff;
	v16 =	vadd.f32 v19, v16  }
0x15a: {  	v50 =	vsel vm15, v51, v49;
	v51 =	vsel vm1, v53, v48;
	v23 =	vld.idx.msk [tilespmem:v58+s19+$0x0], $0xffff  }
0x15b: {  	v19 =	vmul.f32 v47, v26;
	v46 =	vld.idx.msk [tilespmem:v52+s20+$0x0], $0xffff;
	v16 =	vadd.f32 v24, v16;
	v24 =	vmul.f32 v51, v50  }
0x15c: {  	v17 =	vsel vm15, v17, v18;
	v38 =	vld.idx.msk [tilespmem:v38+s16+$0x0], $0xffff;
	v52 =	vsel vm1, v20, v21  }
0x15d: {  	v53 =	vld.idx.msk [tilespmem:v35+s20+$0x0], $0xffff;
	v17 =	vmul.f32 v52, v17;
	v16 =	vadd.f32 v19, v16;
	v55 =	vmul.f32 v24, v27  }
0x15e: {  	v57 =	vsel vm15, v34, v54;
	v22 =	vsel vm1, v22, v33  }
0x15f: {  	v17 =	vmul.f32 v17, v28;
	v58 =	vmul.f32 v22, v57;
	v16 =	vadd.f32 v55, v16  }
0x160: {  	v59 =	vsel vm15, v62, v60;
	v60 =	vsel vm1, v40, v46  }
0x161: {  	v61 =	vmul.f32 v60, v59;
	v16 =	vadd.f32 v17, v16;
	v17 =	vmul.f32 v58, v29  }
0x162: {  	v62 =	vsel vm15, v38, v23;
	v19 =	vsel vm1, v56, v53  }
0x163: {  	v63 =	vmul.f32 v19, v62;
	v16 =	vadd.f32 v17, v16;
	v17 =	vmul.f32 v61, v30;
	_ =	sdelay $0x1  }
0x164: {  	v16 =	vadd.f32 v17, v16;
	v17 =	vmul.f32 v63, v31  }
0x165: {  	p0 =	sne.s32 s24, $0x7C0  }
.Ltmp0:
0x166: {  	v16 =	vadd.f32 v17, v16;
	(pc) =	sbr.rel @p0 .LBB2_2-.Ltmp0, $3  }
0x167: {  	_ = 	snop  }
0x168: {  	v16 =	vadd.f32 v16, v32;
	_ =	sdelay $0x1  }
0x169: {  	s24 =	sadd.s32 $0x40, s24;
	[tilespmem:s25+$0x11480] =	vst v16  }
0x16a: {  	s23 =	sadd.s32 $0x1, s23  }
0x16b: {  	p0 =	sne.s32 s23, s13  }
.Ltmp1:
0x16c: {  	_ = 	snop;
	(pc) =	sbr.rel @p0 .LBB2_1-.Ltmp1, $4  }
0x16d: {  	[hbm4b:s12+s3] =	stream.linear.scatter [tilespmem:s22], [sflag:$0x2], $0x200, $0x38;
	[tilespmem:$0x11680] =	vst v63  }
0x16e: {  	_ =	swait.ge [sflag:s14], $0x200  }
0x16f: {  	[sflag:s14] =	ssyncset.done $0x0  }
0x170: {  	[sflag:s14] =	ssyncadd.s32 $0xFFFFFE00  }
0x171: {  	_ =	sfence.sel $0x180000  }
0x172: {  	[bflag:$0x0] =	sbarrier.arrive $0xFFFF  }
0x173: {  	p0 =	sne.s32 s7, $0x0;
	_ =	strace $0x90000047  }
0x174: {  	s0 =	sadd.s32 @!p0 $0x100000, s0;
	[bflag:$0x2] =	sbarrier.arrive $0xFFFF  }
0x175: {  	[sflag:s0] =	ssyncadd.tile.s32 @!p0 $0x1;
	_ =	shalt  }
.Lfunc_end2:
_tile_overlayer_lowered:
.L_overlay_start_2:
0x176: {  	(tag) =	ssettag $0x2  }
0x177: {  	s0 =	rddreg [dreg:$0x0];
	s2 =	stileid.u32  }
0x178: {  	s1 =	rddreg [dreg:$0x1];
	p0 =	sne.s32 s2, $0x0  }
0x179: {  	s3 =	rddreg [dreg:$0x2];
	[bflag:$0x3] =	sbarrier.arrive $0xFFFF;
	s2 =	simm.s32 @!p0 $0x1C02  }
0x17a: {  	[timem:s3], [sflag:s2] =	dma.local @!p0 [hbm:s0], s1  }
0x17b: {  	s0 =	simm.s32 @!p0 $0x2  }
0x17c: {  	_ =	swait.ge @!p0 [sflag:s0], s1  }
0x17d: {  	s1 =	ssub.s32 @!p0 $0x0, s1;
	[sflag:s0] =	ssyncset.done @!p0 $0x0  }
0x17e: {  	[sflag:s0] =	ssyncadd.s32 @!p0 s1  }
0x17f: {  	[bflag:$0x3] =	sbarrier.arrive $0xFFFF  }
0x180: {  	_ =	shalt  }

</sc_bundles>
